<compile_context>
chip_gen: v7x
topology: tpu7x:2x2x1
jax: 0.10.2.dev20260603
libtpu: 0.0.44.dev20260713+nightly
codegen_flags: <defaults>
</compile_context>

<pallas_src>
import functools

import jax
import jax.numpy as jnp
from jax import lax
from jax.experimental import pallas as pl
from jax.experimental.pallas import tpu as pltpu
from jax.experimental.pallas import tpu_sc as plsc

NU = 2000
NI = 8000
D = 256
E1 = 64000
EDGES = 2 * E1
NBT = NI * NU
EPT = EDGES // 16
NPASS = 10
CHUNK_I = NI // (2 * NPASS)
CHUNK_E = CHUNK_I * NU
WPT = CHUNK_E // 16
BOUNCE_W = WPT // 2


def _sc_mesh():
  return plsc.VectorSubcoreMesh(core_axis_name="c", subcore_axis_name="s")


def _build_b_body(eu_hbm, ei_hbm, b_hbm, g_v, idx_v, ones_v,
                  zbuf, bounce, spm, sem, zsem):
  c = lax.axis_index("c")
  s = lax.axis_index("s")

  e0 = s * EPT
  pltpu.sync_copy(eu_hbm.at[pl.ds(e0, EPT)], g_v)
  pltpu.sync_copy(ei_hbm.at[pl.ds(e0, EPT)], idx_v)

  def _fold(k, carry):
    sl16 = pl.ds(k * 16, 16)
    g_v[sl16] = idx_v[sl16] * NU + g_v[sl16]
    return carry

  lax.fori_loop(0, EPT // 16, _fold, 0)

  one16 = jnp.ones((16,), jnp.float32)
  z16 = jnp.zeros((16,), jnp.float32)

  def _ob(k, carry):
    ones_v[pl.ds(k * 16, 16)] = one16
    return carry

  lax.fori_loop(0, EPT // 16, _ob, 0)

  def _zb(k, carry):
    zbuf[pl.ds(k * 16, 16)] = z16
    return carry

  lax.fori_loop(0, BOUNCE_W // 16, _zb, 0)

  iota16 = lax.iota(jnp.int32, 16)
  trash0 = CHUNK_E

  for q in range(NPASS):
    zcps = []
    for t in range(WPT // BOUNCE_W):
      cp = pltpu.make_async_copy(
          zbuf, spm.at[pl.ds(s * WPT + t * BOUNCE_W, BOUNCE_W)], zsem)
      cp.start()
      zcps.append(cp)

    gb0 = (c * NPASS + q) * CHUNK_E

    def _mk(k, carry):
      sl16 = pl.ds(k * 16, 16)
      rel = g_v[sl16] - gb0
      valid = (rel >= 0) & (rel < CHUNK_E)
      spread = trash0 + k * 16 + iota16
      idx_v[sl16] = jnp.where(valid, rel, spread)
      return carry

    lax.fori_loop(0, EPT // 16, _mk, 0)

    for cp in zcps:
      cp.wait()
    plsc.subcore_barrier()
    pltpu.async_copy(ones_v, spm.at[idx_v], sem, add=True).wait()
    plsc.subcore_barrier()

    qbase = (c * NPASS + q) * CHUNK_E
    for t in range(WPT // BOUNCE_W):
      off = s * WPT + t * BOUNCE_W
      pltpu.sync_copy(spm.at[pl.ds(off, BOUNCE_W)], bounce)
      pltpu.sync_copy(bounce, b_hbm.at[pl.ds(qbase + off, BOUNCE_W)])
    plsc.subcore_barrier()


def _build_b(edges_u, edges_i):
  k = pl.kernel(
      _build_b_body,
      out_type=jax.ShapeDtypeStruct((NBT,), jnp.float32),
      mesh=_sc_mesh(),
      scratch_types=[
          pltpu.VMEM((EPT,), jnp.int32),
          pltpu.VMEM((EPT,), jnp.int32),
          pltpu.VMEM((EPT,), jnp.float32),
          pltpu.VMEM((BOUNCE_W,), jnp.float32),
          pltpu.VMEM((BOUNCE_W,), jnp.float32),
          pltpu.VMEM_SHARED((CHUNK_E + EPT,), jnp.float32),
          pltpu.SemaphoreType.DMA,
          pltpu.SemaphoreType.DMA,
      ],
  )
  return k(edges_u, edges_i)


IT = 800
NA = NI // IT
XU_RT = 200
NXU_STEPS = NU // XU_RT
XI_RT = NI // NA
ALPHA = 0.25


def _gcn_body(b_ref, xu_ref, xi_ref, ou_ref, oi_ref,
              dinvu, dinvi, zu, zi, nxu, nxi):
  p = pl.program_id(0)
  a = pl.program_id(1)
  bt = jnp.minimum(b_ref[...], 1.0)
  sla = pl.ds(a * IT, IT)
  dn = (((0,), (0,)), ((), ()))

  @pl.when(p == 0)
  def _():
    dinvi[sla, :] = jnp.dot(bt, jnp.ones((NU, 1), jnp.float32),
                            preferred_element_type=jnp.float32)
    rsum = lax.dot_general(bt, jnp.ones((IT, 1), jnp.float32), dn,
                           preferred_element_type=jnp.float32)
    xi_b = xi_ref[...]
    sli = pl.ds(a * XI_RT, XI_RT)
    nxi[sli, :] = xi_b
    oi_ref[sli, :] = xi_b * ALPHA

    @pl.when(a < NXU_STEPS)
    def _():
      xu_b = xu_ref[...]
      slu = pl.ds(a * XU_RT, XU_RT)
      nxu[slu, :] = xu_b
      ou_ref[slu, :] = xu_b * ALPHA

    @pl.when(a == 0)
    def _():
      dinvu[...] = rsum

    @pl.when(a > 0)
    def _():
      dinvu[...] = dinvu[...] + rsum

  @pl.when((p == 1) & (a == 0))
  def _():
    dinvu[...] = jnp.where(dinvu[...] > 0, lax.rsqrt(dinvu[...]), 0.0)
    dinvi[...] = jnp.where(dinvi[...] > 0, lax.rsqrt(dinvi[...]), 0.0)
    zu[...] = nxu[...] * dinvu[...]
    zi[...] = nxi[...] * dinvi[...]

  @pl.when((p >= 2) & (a == 0))
  def _():
    t = dinvu[...] * nxu[...]
    ou_ref[...] = ou_ref[...] + ALPHA * t
    oi_ref[...] = oi_ref[...] + ALPHA * nxi[...]
    zu[...] = dinvu[...] * t
    zi[...] = dinvi[...] * nxi[...]

  @pl.when(p >= 1)
  def _():
    raw_i = jnp.dot(bt, zu[...], preferred_element_type=jnp.float32)
    nxi[sla, :] = dinvi[sla, :] * raw_i
    contrib = lax.dot_general(bt, zi[sla, :], dn,
                              preferred_element_type=jnp.float32)

    @pl.when(a == 0)
    def _():
      nxu[...] = contrib

    @pl.when(a > 0)
    def _():
      nxu[...] = nxu[...] + contrib

  @pl.when((p == 3) & (a == NA - 1))
  def _():
    ou_ref[...] = ou_ref[...] + ALPHA * (dinvu[...] * nxu[...])
    oi_ref[...] = oi_ref[...] + ALPHA * nxi[...]


def _gcn(bt2d, x_user, x_item):
  return pl.pallas_call(
      _gcn_body,
      grid=(4, NA),
      in_specs=[
          pl.BlockSpec((IT, NU), lambda p, a: (a, 0)),
          pl.BlockSpec((XU_RT, D),
                       lambda p, a: (jnp.where((p == 0) & (a < NXU_STEPS),
                                               a, NXU_STEPS - 1), 0)),
          pl.BlockSpec((XI_RT, D),
                       lambda p, a: (jnp.where(p == 0, a, NA - 1), 0)),
      ],
      out_specs=[
          pl.BlockSpec((NU, D), lambda p, a: (0, 0)),
          pl.BlockSpec((NI, D), lambda p, a: (0, 0)),
      ],
      out_shape=[
          jax.ShapeDtypeStruct((NU, D), jnp.float32),
          jax.ShapeDtypeStruct((NI, D), jnp.float32),
      ],
      compiler_params=pltpu.CompilerParams(vmem_limit_bytes=63 << 20),
      scratch_shapes=[
          pltpu.VMEM((NU, 1), jnp.float32),
          pltpu.VMEM((NI, 1), jnp.float32),
          pltpu.VMEM((NU, D), jnp.float32),
          pltpu.VMEM((NI, D), jnp.float32),
          pltpu.VMEM((NU, D), jnp.float32),
          pltpu.VMEM((NI, D), jnp.float32),
      ],
  )(bt2d, x_user, x_item)


def kernel(x_user, x_item, edge_index_u2i, edge_index_i2u):
  edges_u = jnp.concatenate([edge_index_u2i[0], edge_index_i2u[1]])
  edges_i = jnp.concatenate([edge_index_u2i[1], edge_index_i2u[0]])
  b1d = _build_b(edges_u, edges_i)
  bt2d = b1d.reshape(NI, NU)
  out_u, out_i = _gcn(bt2d, x_user, x_item)
  return (out_u, out_i)

# --- scband reference (transcript-rebuilt; emitter-appended) ---
"""Pipeline reference for scband-gnnencoder-72267119723221 (READ-ONLY COPY).

The authoritative reference and input builder live on the scoring server;
editing this copy changes nothing except your own understanding.
"""

import jax, jax.numpy as jnp
import numpy as np

NUM_USERS = 2000
NUM_ITEMS = 8000
D = 256
E = 64000
DEPTH = 3


def setup_inputs(seed: int = 0) -> dict:
    key = jax.random.key(seed)
    k1, k2, k3, k4, k5, k6 = jax.random.split(key, 6)
    x_user = jax.random.normal(k1, (NUM_USERS, D), dtype=jnp.float32)
    x_item = jax.random.normal(k2, (NUM_ITEMS, D), dtype=jnp.float32)
    edge_index_u2i = jnp.stack([
        jax.random.randint(k3, (E,), 0, NUM_USERS),
        jax.random.randint(k4, (E,), 0, NUM_ITEMS),
    ]).astype(jnp.int32)
    edge_index_i2u = jnp.stack([
        jax.random.randint(k5, (E,), 0, NUM_ITEMS),
        jax.random.randint(k6, (E,), 0, NUM_USERS),
    ]).astype(jnp.int32)
    return {
        "x_user": x_user,
        "x_item": x_item,
        "edge_index_u2i": edge_index_u2i,
        "edge_index_i2u": edge_index_i2u,
    }


def _build_graph(edge_index_u2i, edge_index_i2u, nu, N):
    # offset item node ids into the unified [users; items] node space
    u2i = edge_index_u2i.at[1].add(nu)   # user -> item
    i2u = edge_index_i2u.at[0].add(nu)   # item -> user
    # full_edge_index = cat([user_to_item, item_to_user.flip(0)], dim=1)
    full = jnp.concatenate([u2i, i2u[::-1, :]], axis=1)
    # to_undirected: add reversed copies and coalesce duplicates
    both = jnp.concatenate([full, full[::-1, :]], axis=1)
    lin = both[0] * N + both[1]          # int32 safe: N*N = 1e8 < 2**31
    lin = jnp.sort(lin)
    mask = jnp.concatenate([jnp.ones((1,), bool), lin[1:] != lin[:-1]])
    row = lin // N
    col = lin % N
    # gcn_norm with add_self_loops=False
    deg = jax.ops.segment_sum(mask.astype(jnp.float32), col, num_segments=N)
    dinv = jnp.where(deg > 0, 1.0 / jnp.sqrt(deg), 0.0)
    w = dinv[row] * dinv[col] * mask
    return row, col, w


def reference(x_user, x_item, edge_index_u2i, edge_index_i2u):
    nu = x_user.shape[0]
    ni = x_item.shape[0]
    N = nu + ni
    row, col, w = _build_graph(edge_index_u2i, edge_index_i2u, nu, N)
    x = jnp.concatenate([x_user, x_item], axis=0)
    alpha = 1.0 / (DEPTH + 1)
    out = x * alpha
    for _ in range(DEPTH):
        # LGConv(normalize=False): out[col] += w * x[row]
        x = jax.ops.segment_sum(x[row] * w[:, None], col, num_segments=N)
        out = out + x * alpha
    return (out[:nu], out[nu:])

if __name__ == "__main__":
    import jax
    _d = setup_inputs()
    print(jax.jit(kernel)(*tuple(_d.values())))

</pallas_src>

<mosaic_0001>
#map = affine_map<(d0, d1) -> (0)>
module attributes {stable_mosaic.version = 14 : i64} {
  func.func @_build_b_body(%arg0: i32, %arg1: i32, %arg2: memref<128000xi32, #tpu.memory_space<hbm>>, %arg3: memref<128000xi32, #tpu.memory_space<hbm>>, %arg4: memref<16000000xf32, #tpu.memory_space<hbm>>, %arg5: memref<8000xi32, #tpu.memory_space<vmem>>, %arg6: memref<8000xi32, #tpu.memory_space<vmem>>, %arg7: memref<8000xf32, #tpu.memory_space<vmem>>, %arg8: memref<25000xf32, #tpu.memory_space<vmem>>, %arg9: memref<25000xf32, #tpu.memory_space<vmem>>, %arg10: memref<808000xf32, #tpu.memory_space<vmem_shared>>, %arg11: memref<!tpu.dma_semaphore, #tpu.memory_space<semaphore_mem>>, %arg12: memref<!tpu.dma_semaphore, #tpu.memory_space<semaphore_mem>>) attributes {dimension_semantics = [#tpu.dimension_semantics<core_parallel>, #tpu.dimension_semantics<subcore_parallel>], iteration_bounds = array<i64: 2, 16>, scalar_prefetch = 0 : i64, scratch_operands = 8 : i64, tpu.core_type = #tpu.core_type<sc_vector_subcore>, window_params = [{transform_indices = #map}, {transform_indices = #map}, {transform_indices = #map}]} {
    %mul3A = arith.constant 8000 : i32
    %mul3A_0 = arith.muli %arg1, %mul3A : i32
    "tpu.region"() ({
      %run_scoped3A = tpu.sem_alloc : memref<!tpu.dma_semaphore, #tpu.memory_space<semaphore_mem>>
      %dma_start3A_527 = tpu.memref_slice %arg2[%mul3A_0] : memref<128000xi32, #tpu.memory_space<hbm>> -> memref<8000xi32, #tpu.memory_space<hbm>>
      %dma_start3A_528 = tpu.memref_slice %arg2[%mul3A_0] : memref<128000xi32, #tpu.memory_space<hbm>> -> memref<8000xi32, #tpu.memory_space<hbm>>
      tpu.enqueue_dma source(%dma_start3A_528 : memref<8000xi32, #tpu.memory_space<hbm>>) target(%arg5 : memref<8000xi32, #tpu.memory_space<vmem>>) target_semaphore(%run_scoped3A : memref<!tpu.dma_semaphore, #tpu.memory_space<semaphore_mem>>)
      %dma_wait3A_529 = tpu.memref_slice %arg2[%mul3A_0] : memref<128000xi32, #tpu.memory_space<hbm>> -> memref<8000xi32, #tpu.memory_space<hbm>>
      %dma_wait3A_530 = tpu.memref_slice %arg2[%mul3A_0] : memref<128000xi32, #tpu.memory_space<hbm>> -> memref<8000xi32, #tpu.memory_space<hbm>>
      tpu.wait_dma2 semaphore(%run_scoped3A : memref<!tpu.dma_semaphore, #tpu.memory_space<semaphore_mem>>) src(%dma_wait3A_530 : memref<8000xi32, #tpu.memory_space<hbm>>) dst(%arg5 : memref<8000xi32, #tpu.memory_space<vmem>>)
      tpu.yield
    }) : () -> ()
    "tpu.region"() ({
      %run_scoped3A = tpu.sem_alloc : memref<!tpu.dma_semaphore, #tpu.memory_space<semaphore_mem>>
      %dma_start3A_527 = tpu.memref_slice %arg3[%mul3A_0] : memref<128000xi32, #tpu.memory_space<hbm>> -> memref<8000xi32, #tpu.memory_space<hbm>>
      %dma_start3A_528 = tpu.memref_slice %arg3[%mul3A_0] : memref<128000xi32, #tpu.memory_space<hbm>> -> memref<8000xi32, #tpu.memory_space<hbm>>
      tpu.enqueue_dma source(%dma_start3A_528 : memref<8000xi32, #tpu.memory_space<hbm>>) target(%arg6 : memref<8000xi32, #tpu.memory_space<vmem>>) target_semaphore(%run_scoped3A : memref<!tpu.dma_semaphore, #tpu.memory_space<semaphore_mem>>)
      %dma_wait3A_529 = tpu.memref_slice %arg3[%mul3A_0] : memref<128000xi32, #tpu.memory_space<hbm>> -> memref<8000xi32, #tpu.memory_space<hbm>>
      %dma_wait3A_530 = tpu.memref_slice %arg3[%mul3A_0] : memref<128000xi32, #tpu.memory_space<hbm>> -> memref<8000xi32, #tpu.memory_space<hbm>>
      tpu.wait_dma2 semaphore(%run_scoped3A : memref<!tpu.dma_semaphore, #tpu.memory_space<semaphore_mem>>) src(%dma_wait3A_530 : memref<8000xi32, #tpu.memory_space<hbm>>) dst(%arg6 : memref<8000xi32, #tpu.memory_space<vmem>>)
      tpu.yield
    }) : () -> ()
    %scan3A = arith.constant 0 : i32
    %scan3A_1 = arith.constant 0 : i32
    %scan3A_2 = arith.constant 500 : i32
    %scan3A_3 = arith.addi %scan3A_1, %scan3A_2 : i32
    %scan3A_4 = arith.constant 1 : i32
    scf.for %scan3A_527 = %scan3A_1 to %scan3A_3 step %scan3A_4  : i32 {
      %mul3A_528 = arith.constant 16 : i32
      %mul3A_529 = arith.muli %scan3A_527, %mul3A_528 : i32
      %get3A = arith.index_cast %mul3A_529 : i32 to index
      %get3A_530 = tpu.vector_load %arg6[%get3A] {strides = array<i32>} : memref<8000xi32, #tpu.memory_space<vmem>>, vector<16xi32>,
      %get3A_531 = vector.shape_cast %get3A_530 : vector<16xi32> to vector<16xi32>
      %mul3A_532 = arith.constant 2000 : i32
      %mul3A_533 = vector.broadcast %mul3A_532 : i32 to vector<16xi32>
      %mul3A_534 = arith.muli %get3A_531, %mul3A_533 : vector<16xi32>
      %get3A_535 = arith.index_cast %mul3A_529 : i32 to index
      %get3A_536 = tpu.vector_load %arg5[%get3A_535] {strides = array<i32>} : memref<8000xi32, #tpu.memory_space<vmem>>, vector<16xi32>,
      %get3A_537 = vector.shape_cast %get3A_536 : vector<16xi32> to vector<16xi32>
      %add3A_538 = arith.addi %mul3A_534, %get3A_537 : vector<16xi32>
      %swap3A = arith.index_cast %mul3A_529 : i32 to index
      %swap3A_539 = tpu.vector_load %arg5[%swap3A] {strides = array<i32>} : memref<8000xi32, #tpu.memory_space<vmem>>, vector<16xi32>,
      %swap3A_540 = vector.shape_cast %swap3A_539 : vector<16xi32> to vector<16xi32>
      %swap3A_541 = vector.shape_cast %add3A_538 : vector<16xi32> to vector<16xi32>
      tpu.vector_store %arg5[%swap3A], %swap3A_541 {strides = array<i32>} : memref<8000xi32, #tpu.memory_space<vmem>>, vector<16xi32>,
    }
    %scan3A_5 = arith.constant 500 : i32
    %broadcast_in_dim3A = arith.constant 1.000000e+00 : f32
    %broadcast_in_dim3A_6 = vector.broadcast %broadcast_in_dim3A : f32 to vector<16xf32>
    %broadcast_in_dim3A_7 = arith.constant 0.000000e+00 : f32
    %broadcast_in_dim3A_8 = vector.broadcast %broadcast_in_dim3A_7 : f32 to vector<16xf32>
    %scan3A_9 = arith.constant 0 : i32
    %scan3A_10 = arith.constant 0 : i32
    %scan3A_11 = arith.constant 500 : i32
    %scan3A_12 = arith.addi %scan3A_10, %scan3A_11 : i32
    %scan3A_13 = arith.constant 1 : i32
    scf.for %scan3A_527 = %scan3A_10 to %scan3A_12 step %scan3A_13  : i32 {
      %mul3A_528 = arith.constant 16 : i32
      %mul3A_529 = arith.muli %scan3A_527, %mul3A_528 : i32
      %swap3A = arith.index_cast %mul3A_529 : i32 to index
      %swap3A_530 = tpu.vector_load %arg7[%swap3A] {strides = array<i32>} : memref<8000xf32, #tpu.memory_space<vmem>>, vector<16xf32>,
      %swap3A_531 = vector.shape_cast %swap3A_530 : vector<16xf32> to vector<16xf32>
      %swap3A_532 = vector.shape_cast %broadcast_in_dim3A_6 : vector<16xf32> to vector<16xf32>
      tpu.vector_store %arg7[%swap3A], %swap3A_532 {strides = array<i32>} : memref<8000xf32, #tpu.memory_space<vmem>>, vector<16xf32>,
    }
    %scan3A_14 = arith.constant 500 : i32
    %scan3A_15 = arith.constant 0 : i32
    %scan3A_16 = arith.constant 0 : i32
    %scan3A_17 = arith.constant 1562 : i32
    %scan3A_18 = arith.addi %scan3A_16, %scan3A_17 : i32
    %scan3A_19 = arith.constant 1 : i32
    scf.for %scan3A_527 = %scan3A_16 to %scan3A_18 step %scan3A_19  : i32 {
      %mul3A_528 = arith.constant 16 : i32
      %mul3A_529 = arith.muli %scan3A_527, %mul3A_528 : i32
      %swap3A = arith.index_cast %mul3A_529 : i32 to index
      %swap3A_530 = tpu.vector_load %arg8[%swap3A] {strides = array<i32>} : memref<25000xf32, #tpu.memory_space<vmem>>, vector<16xf32>,
      %swap3A_531 = vector.shape_cast %swap3A_530 : vector<16xf32> to vector<16xf32>
      %swap3A_532 = vector.shape_cast %broadcast_in_dim3A_8 : vector<16xf32> to vector<16xf32>
      tpu.vector_store %arg8[%swap3A], %swap3A_532 {strides = array<i32>} : memref<25000xf32, #tpu.memory_space<vmem>>, vector<16xf32>,
    }
    %scan3A_20 = arith.constant 1562 : i32
    %iota3A = tpu.iota {dimensions = array<i32: 0>} : vector<16xi32>
    %mul3A_21 = arith.constant 50000 : i32
    %mul3A_22 = arith.muli %arg1, %mul3A_21 : i32
    %add3A = arith.constant 0 : i32
    %add3A_23 = arith.addi %mul3A_22, %add3A : i32
    %dma_start3A = tpu.memref_slice %arg10[%add3A_23] : memref<808000xf32, #tpu.memory_space<vmem_shared>> -> memref<25000xf32, #tpu.memory_space<vmem_shared>>
    %dma_start3A_24 = tpu.memref_slice %arg10[%add3A_23] : memref<808000xf32, #tpu.memory_space<vmem_shared>> -> memref<25000xf32, #tpu.memory_space<vmem_shared>>
    tpu.enqueue_dma source(%arg8 : memref<25000xf32, #tpu.memory_space<vmem>>) target(%dma_start3A_24 : memref<25000xf32, #tpu.memory_space<vmem_shared>>) target_semaphore(%arg12 : memref<!tpu.dma_semaphore, #tpu.memory_space<semaphore_mem>>)
    %mul3A_25 = arith.constant 50000 : i32
    %mul3A_26 = arith.muli %arg1, %mul3A_25 : i32
    %add3A_27 = arith.constant 25000 : i32
    %add3A_28 = arith.addi %mul3A_26, %add3A_27 : i32
    %dma_start3A_29 = tpu.memref_slice %arg10[%add3A_28] : memref<808000xf32, #tpu.memory_space<vmem_shared>> -> memref<25000xf32, #tpu.memory_space<vmem_shared>>
    %dma_start3A_30 = tpu.memref_slice %arg10[%add3A_28] : memref<808000xf32, #tpu.memory_space<vmem_shared>> -> memref<25000xf32, #tpu.memory_space<vmem_shared>>
    tpu.enqueue_dma source(%arg8 : memref<25000xf32, #tpu.memory_space<vmem>>) target(%dma_start3A_30 : memref<25000xf32, #tpu.memory_space<vmem_shared>>) target_semaphore(%arg12 : memref<!tpu.dma_semaphore, #tpu.memory_space<semaphore_mem>>)
    %mul3A_31 = arith.constant 10 : i32
    %mul3A_32 = arith.muli %arg0, %mul3A_31 : i32
    %add3A_33 = arith.constant 0 : i32
    %add3A_34 = arith.addi %mul3A_32, %add3A_33 : i32
    %mul3A_35 = arith.constant 800000 : i32
    %mul3A_36 = arith.muli %add3A_34, %mul3A_35 : i32
    %scan3A_37 = arith.constant 0 : i32
    %scan3A_38 = arith.constant 0 : i32
    %scan3A_39 = arith.constant 500 : i32
    %scan3A_40 = arith.addi %scan3A_38, %scan3A_39 : i32
    %scan3A_41 = arith.constant 1 : i32
    scf.for %scan3A_527 = %scan3A_38 to %scan3A_40 step %scan3A_41  : i32 {
      %mul3A_528 = arith.constant 16 : i32
      %mul3A_529 = arith.muli %scan3A_527, %mul3A_528 : i32
      %get3A = arith.index_cast %mul3A_529 : i32 to index
      %get3A_530 = tpu.vector_load %arg5[%get3A] {strides = array<i32>} : memref<8000xi32, #tpu.memory_space<vmem>>, vector<16xi32>,
      %get3A_531 = vector.shape_cast %get3A_530 : vector<16xi32> to vector<16xi32>
      %sub3A = vector.broadcast %mul3A_36 : i32 to vector<16xi32>
      %sub3A_532 = arith.subi %get3A_531, %sub3A : vector<16xi32>
      %ge3A = arith.constant 0 : i32
      %ge3A_533 = vector.broadcast %ge3A : i32 to vector<16xi32>
      %ge3A_534 = arith.cmpi sge, %sub3A_532, %ge3A_533 : vector<16xi32>
      %lt3A = arith.constant 800000 : i32
      %lt3A_535 = vector.broadcast %lt3A : i32 to vector<16xi32>
      %lt3A_536 = arith.cmpi slt, %sub3A_532, %lt3A_535 : vector<16xi32>
      %and3A = arith.andi %ge3A_534, %lt3A_536 : vector<16xi1>
      %mul3A_537 = arith.constant 16 : i32
      %mul3A_538 = arith.muli %scan3A_527, %mul3A_537 : i32
      %add3A_539 = arith.constant 800000 : i32
      %add3A_540 = arith.addi %add3A_539, %mul3A_538 : i32
      %add3A_541 = vector.broadcast %add3A_540 : i32 to vector<16xi32>
      %add3A_542 = arith.addi %add3A_541, %iota3A : vector<16xi32>
      %select_n3A = arith.select %and3A, %sub3A_532, %add3A_542 : vector<16xi1>, vector<16xi32>
      %swap3A = arith.index_cast %mul3A_529 : i32 to index
      %swap3A_543 = tpu.vector_load %arg6[%swap3A] {strides = array<i32>} : memref<8000xi32, #tpu.memory_space<vmem>>, vector<16xi32>,
      %swap3A_544 = vector.shape_cast %swap3A_543 : vector<16xi32> to vector<16xi32>
      %swap3A_545 = vector.shape_cast %select_n3A : vector<16xi32> to vector<16xi32>
      tpu.vector_store %arg6[%swap3A], %swap3A_545 {strides = array<i32>} : memref<8000xi32, #tpu.memory_space<vmem>>, vector<16xi32>,
    }
    %scan3A_42 = arith.constant 500 : i32
    %dma_wait3A = tpu.memref_slice %arg10[%add3A_23] : memref<808000xf32, #tpu.memory_space<vmem_shared>> -> memref<25000xf32, #tpu.memory_space<vmem_shared>>
    %dma_wait3A_43 = tpu.memref_slice %arg10[%add3A_23] : memref<808000xf32, #tpu.memory_space<vmem_shared>> -> memref<25000xf32, #tpu.memory_space<vmem_shared>>
    tpu.wait_dma2 semaphore(%arg12 : memref<!tpu.dma_semaphore, #tpu.memory_space<semaphore_mem>>) src(%arg8 : memref<25000xf32, #tpu.memory_space<vmem>>) dst(%dma_wait3A_43 : memref<25000xf32, #tpu.memory_space<vmem_shared>>)
    %dma_wait3A_44 = tpu.memref_slice %arg10[%add3A_28] : memref<808000xf32, #tpu.memory_space<vmem_shared>> -> memref<25000xf32, #tpu.memory_space<vmem_shared>>
    %dma_wait3A_45 = tpu.memref_slice %arg10[%add3A_28] : memref<808000xf32, #tpu.memory_space<vmem_shared>> -> memref<25000xf32, #tpu.memory_space<vmem_shared>>
    tpu.wait_dma2 semaphore(%arg12 : memref<!tpu.dma_semaphore, #tpu.memory_space<semaphore_mem>>) src(%arg8 : memref<25000xf32, #tpu.memory_space<vmem>>) dst(%dma_wait3A_45 : memref<25000xf32, #tpu.memory_space<vmem_shared>>)
    %barrier3A = arith.constant 0 : index
    tpu.barrier barrier_id(%barrier3A)
    %dma_start3A_46 = arith.constant 0 : i32
    %dma_start3A_47 = tpu.memref_slice %arg10[%dma_start3A_46] : memref<808000xf32, #tpu.memory_space<vmem_shared>> -> memref<808000xf32, #tpu.memory_space<vmem_shared>>
    tpu.enqueue_indirect_dma source(%arg7 : memref<8000xf32, #tpu.memory_space<vmem>>) target(%dma_start3A_47 : memref<808000xf32, #tpu.memory_space<vmem_shared>>) offsets(%arg6 : memref<8000xi32, #tpu.memory_space<vmem>>) semaphore(%arg11 : memref<!tpu.dma_semaphore, #tpu.memory_space<semaphore_mem>>) {add = true}
    %dma_wait3A_48 = arith.constant 0 : i32
    %dma_wait3A_49 = tpu.memref_slice %arg10[%dma_wait3A_48] : memref<808000xf32, #tpu.memory_space<vmem_shared>> -> memref<808000xf32, #tpu.memory_space<vmem_shared>>
    tpu.wait_indirect_dma semaphore(%arg11 : memref<!tpu.dma_semaphore, #tpu.memory_space<semaphore_mem>>) src(%arg7 : memref<8000xf32, #tpu.memory_space<vmem>>) dst(%dma_wait3A_49 : memref<808000xf32, #tpu.memory_space<vmem_shared>>)
    %barrier3A_50 = arith.constant 0 : index
    tpu.barrier barrier_id(%barrier3A_50)
    %mul3A_51 = arith.constant 10 : i32
    %mul3A_52 = arith.muli %arg0, %mul3A_51 : i32
    %add3A_53 = arith.constant 0 : i32
    %add3A_54 = arith.addi %mul3A_52, %add3A_53 : i32
    %mul3A_55 = arith.constant 800000 : i32
    %mul3A_56 = arith.muli %add3A_54, %mul3A_55 : i32
    %mul3A_57 = arith.constant 50000 : i32
    %mul3A_58 = arith.muli %arg1, %mul3A_57 : i32
    %add3A_59 = arith.constant 0 : i32
    %add3A_60 = arith.addi %mul3A_58, %add3A_59 : i32
    "tpu.region"() ({
      %run_scoped3A = tpu.sem_alloc : memref<!tpu.dma_semaphore, #tpu.memory_space<semaphore_mem>>
      %dma_start3A_527 = tpu.memref_slice %arg10[%add3A_60] : memref<808000xf32, #tpu.memory_space<vmem_shared>> -> memref<25000xf32, #tpu.memory_space<vmem_shared>>
      %dma_start3A_528 = tpu.memref_slice %arg10[%add3A_60] : memref<808000xf32, #tpu.memory_space<vmem_shared>> -> memref<25000xf32, #tpu.memory_space<vmem_shared>>
      tpu.enqueue_dma source(%dma_start3A_528 : memref<25000xf32, #tpu.memory_space<vmem_shared>>) target(%arg9 : memref<25000xf32, #tpu.memory_space<vmem>>) target_semaphore(%run_scoped3A : memref<!tpu.dma_semaphore, #tpu.memory_space<semaphore_mem>>)
      %dma_wait3A_529 = tpu.memref_slice %arg10[%add3A_60] : memref<808000xf32, #tpu.memory_space<vmem_shared>> -> memref<25000xf32, #tpu.memory_space<vmem_shared>>
      %dma_wait3A_530 = tpu.memref_slice %arg10[%add3A_60] : memref<808000xf32, #tpu.memory_space<vmem_shared>> -> memref<25000xf32, #tpu.memory_space<vmem_shared>>
      tpu.wait_dma2 semaphore(%run_scoped3A : memref<!tpu.dma_semaphore, #tpu.memory_space<semaphore_mem>>) src(%dma_wait3A_530 : memref<25000xf32, #tpu.memory_space<vmem_shared>>) dst(%arg9 : memref<25000xf32, #tpu.memory_space<vmem>>)
      tpu.yield
    }) : () -> ()
    %add3A_61 = arith.addi %mul3A_56, %add3A_60 : i32
    "tpu.region"() ({
      %run_scoped3A = tpu.sem_alloc : memref<!tpu.dma_semaphore, #tpu.memory_space<semaphore_mem>>
      %dma_start3A_527 = tpu.memref_slice %arg4[%add3A_61] : memref<16000000xf32, #tpu.memory_space<hbm>> -> memref<25000xf32, #tpu.memory_space<hbm>>
      %dma_start3A_528 = tpu.memref_slice %arg4[%add3A_61] : memref<16000000xf32, #tpu.memory_space<hbm>> -> memref<25000xf32, #tpu.memory_space<hbm>>
      tpu.enqueue_dma source(%arg9 : memref<25000xf32, #tpu.memory_space<vmem>>) target(%dma_start3A_528 : memref<25000xf32, #tpu.memory_space<hbm>>) target_semaphore(%run_scoped3A : memref<!tpu.dma_semaphore, #tpu.memory_space<semaphore_mem>>)
      %dma_wait3A_529 = tpu.memref_slice %arg4[%add3A_61] : memref<16000000xf32, #tpu.memory_space<hbm>> -> memref<25000xf32, #tpu.memory_space<hbm>>
      %dma_wait3A_530 = tpu.memref_slice %arg4[%add3A_61] : memref<16000000xf32, #tpu.memory_space<hbm>> -> memref<25000xf32, #tpu.memory_space<hbm>>
      tpu.wait_dma2 semaphore(%run_scoped3A : memref<!tpu.dma_semaphore, #tpu.memory_space<semaphore_mem>>) src(%arg9 : memref<25000xf32, #tpu.memory_space<vmem>>) dst(%dma_wait3A_530 : memref<25000xf32, #tpu.memory_space<hbm>>)
      tpu.yield
    }) : () -> ()
    %mul3A_62 = arith.constant 50000 : i32
    %mul3A_63 = arith.muli %arg1, %mul3A_62 : i32
    %add3A_64 = arith.constant 25000 : i32
    %add3A_65 = arith.addi %mul3A_63, %add3A_64 : i32
    "tpu.region"() ({
      %run_scoped3A = tpu.sem_alloc : memref<!tpu.dma_semaphore, #tpu.memory_space<semaphore_mem>>
      %dma_start3A_527 = tpu.memref_slice %arg10[%add3A_65] : memref<808000xf32, #tpu.memory_space<vmem_shared>> -> memref<25000xf32, #tpu.memory_space<vmem_shared>>
      %dma_start3A_528 = tpu.memref_slice %arg10[%add3A_65] : memref<808000xf32, #tpu.memory_space<vmem_shared>> -> memref<25000xf32, #tpu.memory_space<vmem_shared>>
      tpu.enqueue_dma source(%dma_start3A_528 : memref<25000xf32, #tpu.memory_space<vmem_shared>>) target(%arg9 : memref<25000xf32, #tpu.memory_space<vmem>>) target_semaphore(%run_scoped3A : memref<!tpu.dma_semaphore, #tpu.memory_space<semaphore_mem>>)
      %dma_wait3A_529 = tpu.memref_slice %arg10[%add3A_65] : memref<808000xf32, #tpu.memory_space<vmem_shared>> -> memref<25000xf32, #tpu.memory_space<vmem_shared>>
      %dma_wait3A_530 = tpu.memref_slice %arg10[%add3A_65] : memref<808000xf32, #tpu.memory_space<vmem_shared>> -> memref<25000xf32, #tpu.memory_space<vmem_shared>>
      tpu.wait_dma2 semaphore(%run_scoped3A : memref<!tpu.dma_semaphore, #tpu.memory_space<semaphore_mem>>) src(%dma_wait3A_530 : memref<25000xf32, #tpu.memory_space<vmem_shared>>) dst(%arg9 : memref<25000xf32, #tpu.memory_space<vmem>>)
      tpu.yield
    }) : () -> ()
    %add3A_66 = arith.addi %mul3A_56, %add3A_65 : i32
    "tpu.region"() ({
      %run_scoped3A = tpu.sem_alloc : memref<!tpu.dma_semaphore, #tpu.memory_space<semaphore_mem>>
      %dma_start3A_527 = tpu.memref_slice %arg4[%add3A_66] : memref<16000000xf32, #tpu.memory_space<hbm>> -> memref<25000xf32, #tpu.memory_space<hbm>>
      %dma_start3A_528 = tpu.memref_slice %arg4[%add3A_66] : memref<16000000xf32, #tpu.memory_space<hbm>> -> memref<25000xf32, #tpu.memory_space<hbm>>
      tpu.enqueue_dma source(%arg9 : memref<25000xf32, #tpu.memory_space<vmem>>) target(%dma_start3A_528 : memref<25000xf32, #tpu.memory_space<hbm>>) target_semaphore(%run_scoped3A : memref<!tpu.dma_semaphore, #tpu.memory_space<semaphore_mem>>)
      %dma_wait3A_529 = tpu.memref_slice %arg4[%add3A_66] : memref<16000000xf32, #tpu.memory_space<hbm>> -> memref<25000xf32, #tpu.memory_space<hbm>>
      %dma_wait3A_530 = tpu.memref_slice %arg4[%add3A_66] : memref<16000000xf32, #tpu.memory_space<hbm>> -> memref<25000xf32, #tpu.memory_space<hbm>>
      tpu.wait_dma2 semaphore(%run_scoped3A : memref<!tpu.dma_semaphore, #tpu.memory_space<semaphore_mem>>) src(%arg9 : memref<25000xf32, #tpu.memory_space<vmem>>) dst(%dma_wait3A_530 : memref<25000xf32, #tpu.memory_space<hbm>>)
      tpu.yield
    }) : () -> ()
    %barrier3A_67 = arith.constant 0 : index
    tpu.barrier barrier_id(%barrier3A_67)
    %mul3A_68 = arith.constant 50000 : i32
    %mul3A_69 = arith.muli %arg1, %mul3A_68 : i32
    %add3A_70 = arith.constant 0 : i32
    %add3A_71 = arith.addi %mul3A_69, %add3A_70 : i32
    %dma_start3A_72 = tpu.memref_slice %arg10[%add3A_71] : memref<808000xf32, #tpu.memory_space<vmem_shared>> -> memref<25000xf32, #tpu.memory_space<vmem_shared>>
    %dma_start3A_73 = tpu.memref_slice %arg10[%add3A_71] : memref<808000xf32, #tpu.memory_space<vmem_shared>> -> memref<25000xf32, #tpu.memory_space<vmem_shared>>
    tpu.enqueue_dma source(%arg8 : memref<25000xf32, #tpu.memory_space<vmem>>) target(%dma_start3A_73 : memref<25000xf32, #tpu.memory_space<vmem_shared>>) target_semaphore(%arg12 : memref<!tpu.dma_semaphore, #tpu.memory_space<semaphore_mem>>)
    %mul3A_74 = arith.constant 50000 : i32
    %mul3A_75 = arith.muli %arg1, %mul3A_74 : i32
    %add3A_76 = arith.constant 25000 : i32
    %add3A_77 = arith.addi %mul3A_75, %add3A_76 : i32
    %dma_start3A_78 = tpu.memref_slice %arg10[%add3A_77] : memref<808000xf32, #tpu.memory_space<vmem_shared>> -> memref<25000xf32, #tpu.memory_space<vmem_shared>>
    %dma_start3A_79 = tpu.memref_slice %arg10[%add3A_77] : memref<808000xf32, #tpu.memory_space<vmem_shared>> -> memref<25000xf32, #tpu.memory_space<vmem_shared>>
    tpu.enqueue_dma source(%arg8 : memref<25000xf32, #tpu.memory_space<vmem>>) target(%dma_start3A_79 : memref<25000xf32, #tpu.memory_space<vmem_shared>>) target_semaphore(%arg12 : memref<!tpu.dma_semaphore, #tpu.memory_space<semaphore_mem>>)
    %mul3A_80 = arith.constant 10 : i32
    %mul3A_81 = arith.muli %arg0, %mul3A_80 : i32
    %add3A_82 = arith.constant 1 : i32
    %add3A_83 = arith.addi %mul3A_81, %add3A_82 : i32
    %mul3A_84 = arith.constant 800000 : i32
    %mul3A_85 = arith.muli %add3A_83, %mul3A_84 : i32
    %scan3A_86 = arith.constant 0 : i32
    %scan3A_87 = arith.constant 0 : i32
    %scan3A_88 = arith.constant 500 : i32
    %scan3A_89 = arith.addi %scan3A_87, %scan3A_88 : i32
    %scan3A_90 = arith.constant 1 : i32
    scf.for %scan3A_527 = %scan3A_87 to %scan3A_89 step %scan3A_90  : i32 {
      %mul3A_528 = arith.constant 16 : i32
      %mul3A_529 = arith.muli %scan3A_527, %mul3A_528 : i32
      %get3A = arith.index_cast %mul3A_529 : i32 to index
      %get3A_530 = tpu.vector_load %arg5[%get3A] {strides = array<i32>} : memref<8000xi32, #tpu.memory_space<vmem>>, vector<16xi32>,
      %get3A_531 = vector.shape_cast %get3A_530 : vector<16xi32> to vector<16xi32>
      %sub3A = vector.broadcast %mul3A_85 : i32 to vector<16xi32>
      %sub3A_532 = arith.subi %get3A_531, %sub3A : vector<16xi32>
      %ge3A = arith.constant 0 : i32
      %ge3A_533 = vector.broadcast %ge3A : i32 to vector<16xi32>
      %ge3A_534 = arith.cmpi sge, %sub3A_532, %ge3A_533 : vector<16xi32>
      %lt3A = arith.constant 800000 : i32
      %lt3A_535 = vector.broadcast %lt3A : i32 to vector<16xi32>
      %lt3A_536 = arith.cmpi slt, %sub3A_532, %lt3A_535 : vector<16xi32>
      %and3A = arith.andi %ge3A_534, %lt3A_536 : vector<16xi1>
      %mul3A_537 = arith.constant 16 : i32
      %mul3A_538 = arith.muli %scan3A_527, %mul3A_537 : i32
      %add3A_539 = arith.constant 800000 : i32
      %add3A_540 = arith.addi %add3A_539, %mul3A_538 : i32
      %add3A_541 = vector.broadcast %add3A_540 : i32 to vector<16xi32>
      %add3A_542 = arith.addi %add3A_541, %iota3A : vector<16xi32>
      %select_n3A = arith.select %and3A, %sub3A_532, %add3A_542 : vector<16xi1>, vector<16xi32>
      %swap3A = arith.index_cast %mul3A_529 : i32 to index
      %swap3A_543 = tpu.vector_load %arg6[%swap3A] {strides = array<i32>} : memref<8000xi32, #tpu.memory_space<vmem>>, vector<16xi32>,
      %swap3A_544 = vector.shape_cast %swap3A_543 : vector<16xi32> to vector<16xi32>
      %swap3A_545 = vector.shape_cast %select_n3A : vector<16xi32> to vector<16xi32>
      tpu.vector_store %arg6[%swap3A], %swap3A_545 {strides = array<i32>} : memref<8000xi32, #tpu.memory_space<vmem>>, vector<16xi32>,
    }
    %scan3A_91 = arith.constant 500 : i32
    %dma_wait3A_92 = tpu.memref_slice %arg10[%add3A_71] : memref<808000xf32, #tpu.memory_space<vmem_shared>> -> memref<25000xf32, #tpu.memory_space<vmem_shared>>
    %dma_wait3A_93 = tpu.memref_slice %arg10[%add3A_71] : memref<808000xf32, #tpu.memory_space<vmem_shared>> -> memref<25000xf32, #tpu.memory_space<vmem_shared>>
    tpu.wait_dma2 semaphore(%arg12 : memref<!tpu.dma_semaphore, #tpu.memory_space<semaphore_mem>>) src(%arg8 : memref<25000xf32, #tpu.memory_space<vmem>>) dst(%dma_wait3A_93 : memref<25000xf32, #tpu.memory_space<vmem_shared>>)
    %dma_wait3A_94 = tpu.memref_slice %arg10[%add3A_77] : memref<808000xf32, #tpu.memory_space<vmem_shared>> -> memref<25000xf32, #tpu.memory_space<vmem_shared>>
    %dma_wait3A_95 = tpu.memref_slice %arg10[%add3A_77] : memref<808000xf32, #tpu.memory_space<vmem_shared>> -> memref<25000xf32, #tpu.memory_space<vmem_shared>>
    tpu.wait_dma2 semaphore(%arg12 : memref<!tpu.dma_semaphore, #tpu.memory_space<semaphore_mem>>) src(%arg8 : memref<25000xf32, #tpu.memory_space<vmem>>) dst(%dma_wait3A_95 : memref<25000xf32, #tpu.memory_space<vmem_shared>>)
    %barrier3A_96 = arith.constant 0 : index
    tpu.barrier barrier_id(%barrier3A_96)
    %dma_start3A_97 = arith.constant 0 : i32
    %dma_start3A_98 = tpu.memref_slice %arg10[%dma_start3A_97] : memref<808000xf32, #tpu.memory_space<vmem_shared>> -> memref<808000xf32, #tpu.memory_space<vmem_shared>>
    tpu.enqueue_indirect_dma source(%arg7 : memref<8000xf32, #tpu.memory_space<vmem>>) target(%dma_start3A_98 : memref<808000xf32, #tpu.memory_space<vmem_shared>>) offsets(%arg6 : memref<8000xi32, #tpu.memory_space<vmem>>) semaphore(%arg11 : memref<!tpu.dma_semaphore, #tpu.memory_space<semaphore_mem>>) {add = true}
    %dma_wait3A_99 = arith.constant 0 : i32
    %dma_wait3A_100 = tpu.memref_slice %arg10[%dma_wait3A_99] : memref<808000xf32, #tpu.memory_space<vmem_shared>> -> memref<808000xf32, #tpu.memory_space<vmem_shared>>
    tpu.wait_indirect_dma semaphore(%arg11 : memref<!tpu.dma_semaphore, #tpu.memory_space<semaphore_mem>>) src(%arg7 : memref<8000xf32, #tpu.memory_space<vmem>>) dst(%dma_wait3A_100 : memref<808000xf32, #tpu.memory_space<vmem_shared>>)
    %barrier3A_101 = arith.constant 0 : index
    tpu.barrier barrier_id(%barrier3A_101)
    %mul3A_102 = arith.constant 10 : i32
    %mul3A_103 = arith.muli %arg0, %mul3A_102 : i32
    %add3A_104 = arith.constant 1 : i32
    %add3A_105 = arith.addi %mul3A_103, %add3A_104 : i32
    %mul3A_106 = arith.constant 800000 : i32
    %mul3A_107 = arith.muli %add3A_105, %mul3A_106 : i32
    %mul3A_108 = arith.constant 50000 : i32
    %mul3A_109 = arith.muli %arg1, %mul3A_108 : i32
    %add3A_110 = arith.constant 0 : i32
    %add3A_111 = arith.addi %mul3A_109, %add3A_110 : i32
    "tpu.region"() ({
      %run_scoped3A = tpu.sem_alloc : memref<!tpu.dma_semaphore, #tpu.memory_space<semaphore_mem>>
      %dma_start3A_527 = tpu.memref_slice %arg10[%add3A_111] : memref<808000xf32, #tpu.memory_space<vmem_shared>> -> memref<25000xf32, #tpu.memory_space<vmem_shared>>
      %dma_start3A_528 = tpu.memref_slice %arg10[%add3A_111] : memref<808000xf32, #tpu.memory_space<vmem_shared>> -> memref<25000xf32, #tpu.memory_space<vmem_shared>>
      tpu.enqueue_dma source(%dma_start3A_528 : memref<25000xf32, #tpu.memory_space<vmem_shared>>) target(%arg9 : memref<25000xf32, #tpu.memory_space<vmem>>) target_semaphore(%run_scoped3A : memref<!tpu.dma_semaphore, #tpu.memory_space<semaphore_mem>>)
      %dma_wait3A_529 = tpu.memref_slice %arg10[%add3A_111] : memref<808000xf32, #tpu.memory_space<vmem_shared>> -> memref<25000xf32, #tpu.memory_space<vmem_shared>>
      %dma_wait3A_530 = tpu.memref_slice %arg10[%add3A_111] : memref<808000xf32, #tpu.memory_space<vmem_shared>> -> memref<25000xf32, #tpu.memory_space<vmem_shared>>
      tpu.wait_dma2 semaphore(%run_scoped3A : memref<!tpu.dma_semaphore, #tpu.memory_space<semaphore_mem>>) src(%dma_wait3A_530 : memref<25000xf32, #tpu.memory_space<vmem_shared>>) dst(%arg9 : memref<25000xf32, #tpu.memory_space<vmem>>)
      tpu.yield
    }) : () -> ()
    %add3A_112 = arith.addi %mul3A_107, %add3A_111 : i32
    "tpu.region"() ({
      %run_scoped3A = tpu.sem_alloc : memref<!tpu.dma_semaphore, #tpu.memory_space<semaphore_mem>>
      %dma_start3A_527 = tpu.memref_slice %arg4[%add3A_112] : memref<16000000xf32, #tpu.memory_space<hbm>> -> memref<25000xf32, #tpu.memory_space<hbm>>
      %dma_start3A_528 = tpu.memref_slice %arg4[%add3A_112] : memref<16000000xf32, #tpu.memory_space<hbm>> -> memref<25000xf32, #tpu.memory_space<hbm>>
      tpu.enqueue_dma source(%arg9 : memref<25000xf32, #tpu.memory_space<vmem>>) target(%dma_start3A_528 : memref<25000xf32, #tpu.memory_space<hbm>>) target_semaphore(%run_scoped3A : memref<!tpu.dma_semaphore, #tpu.memory_space<semaphore_mem>>)
      %dma_wait3A_529 = tpu.memref_slice %arg4[%add3A_112] : memref<16000000xf32, #tpu.memory_space<hbm>> -> memref<25000xf32, #tpu.memory_space<hbm>>
      %dma_wait3A_530 = tpu.memref_slice %arg4[%add3A_112] : memref<16000000xf32, #tpu.memory_space<hbm>> -> memref<25000xf32, #tpu.memory_space<hbm>>
      tpu.wait_dma2 semaphore(%run_scoped3A : memref<!tpu.dma_semaphore, #tpu.memory_space<semaphore_mem>>) src(%arg9 : memref<25000xf32, #tpu.memory_space<vmem>>) dst(%dma_wait3A_530 : memref<25000xf32, #tpu.memory_space<hbm>>)
      tpu.yield
    }) : () -> ()
    %mul3A_113 = arith.constant 50000 : i32
    %mul3A_114 = arith.muli %arg1, %mul3A_113 : i32
    %add3A_115 = arith.constant 25000 : i32
    %add3A_116 = arith.addi %mul3A_114, %add3A_115 : i32
    "tpu.region"() ({
      %run_scoped3A = tpu.sem_alloc : memref<!tpu.dma_semaphore, #tpu.memory_space<semaphore_mem>>
      %dma_start3A_527 = tpu.memref_slice %arg10[%add3A_116] : memref<808000xf32, #tpu.memory_space<vmem_shared>> -> memref<25000xf32, #tpu.memory_space<vmem_shared>>
      %dma_start3A_528 = tpu.memref_slice %arg10[%add3A_116] : memref<808000xf32, #tpu.memory_space<vmem_shared>> -> memref<25000xf32, #tpu.memory_space<vmem_shared>>
      tpu.enqueue_dma source(%dma_start3A_528 : memref<25000xf32, #tpu.memory_space<vmem_shared>>) target(%arg9 : memref<25000xf32, #tpu.memory_space<vmem>>) target_semaphore(%run_scoped3A : memref<!tpu.dma_semaphore, #tpu.memory_space<semaphore_mem>>)
      %dma_wait3A_529 = tpu.memref_slice %arg10[%add3A_116] : memref<808000xf32, #tpu.memory_space<vmem_shared>> -> memref<25000xf32, #tpu.memory_space<vmem_shared>>
      %dma_wait3A_530 = tpu.memref_slice %arg10[%add3A_116] : memref<808000xf32, #tpu.memory_space<vmem_shared>> -> memref<25000xf32, #tpu.memory_space<vmem_shared>>
      tpu.wait_dma2 semaphore(%run_scoped3A : memref<!tpu.dma_semaphore, #tpu.memory_space<semaphore_mem>>) src(%dma_wait3A_530 : memref<25000xf32, #tpu.memory_space<vmem_shared>>) dst(%arg9 : memref<25000xf32, #tpu.memory_space<vmem>>)
      tpu.yield
    }) : () -> ()
    %add3A_117 = arith.addi %mul3A_107, %add3A_116 : i32
    "tpu.region"() ({
      %run_scoped3A = tpu.sem_alloc : memref<!tpu.dma_semaphore, #tpu.memory_space<semaphore_mem>>
      %dma_start3A_527 = tpu.memref_slice %arg4[%add3A_117] : memref<16000000xf32, #tpu.memory_space<hbm>> -> memref<25000xf32, #tpu.memory_space<hbm>>
      %dma_start3A_528 = tpu.memref_slice %arg4[%add3A_117] : memref<16000000xf32, #tpu.memory_space<hbm>> -> memref<25000xf32, #tpu.memory_space<hbm>>
      tpu.enqueue_dma source(%arg9 : memref<25000xf32, #tpu.memory_space<vmem>>) target(%dma_start3A_528 : memref<25000xf32, #tpu.memory_space<hbm>>) target_semaphore(%run_scoped3A : memref<!tpu.dma_semaphore, #tpu.memory_space<semaphore_mem>>)
      %dma_wait3A_529 = tpu.memref_slice %arg4[%add3A_117] : memref<16000000xf32, #tpu.memory_space<hbm>> -> memref<25000xf32, #tpu.memory_space<hbm>>
      %dma_wait3A_530 = tpu.memref_slice %arg4[%add3A_117] : memref<16000000xf32, #tpu.memory_space<hbm>> -> memref<25000xf32, #tpu.memory_space<hbm>>
      tpu.wait_dma2 semaphore(%run_scoped3A : memref<!tpu.dma_semaphore, #tpu.memory_space<semaphore_mem>>) src(%arg9 : memref<25000xf32, #tpu.memory_space<vmem>>) dst(%dma_wait3A_530 : memref<25000xf32, #tpu.memory_space<hbm>>)
      tpu.yield
    }) : () -> ()
    %barrier3A_118 = arith.constant 0 : index
    tpu.barrier barrier_id(%barrier3A_118)
    %mul3A_119 = arith.constant 50000 : i32
    %mul3A_120 = arith.muli %arg1, %mul3A_119 : i32
    %add3A_121 = arith.constant 0 : i32
    %add3A_122 = arith.addi %mul3A_120, %add3A_121 : i32
    %dma_start3A_123 = tpu.memref_slice %arg10[%add3A_122] : memref<808000xf32, #tpu.memory_space<vmem_shared>> -> memref<25000xf32, #tpu.memory_space<vmem_shared>>
    %dma_start3A_124 = tpu.memref_slice %arg10[%add3A_122] : memref<808000xf32, #tpu.memory_space<vmem_shared>> -> memref<25000xf32, #tpu.memory_space<vmem_shared>>
    tpu.enqueue_dma source(%arg8 : memref<25000xf32, #tpu.memory_space<vmem>>) target(%dma_start3A_124 : memref<25000xf32, #tpu.memory_space<vmem_shared>>) target_semaphore(%arg12 : memref<!tpu.dma_semaphore, #tpu.memory_space<semaphore_mem>>)
    %mul3A_125 = arith.constant 50000 : i32
    %mul3A_126 = arith.muli %arg1, %mul3A_125 : i32
    %add3A_127 = arith.constant 25000 : i32
    %add3A_128 = arith.addi %mul3A_126, %add3A_127 : i32
    %dma_start3A_129 = tpu.memref_slice %arg10[%add3A_128] : memref<808000xf32, #tpu.memory_space<vmem_shared>> -> memref<25000xf32, #tpu.memory_space<vmem_shared>>
    %dma_start3A_130 = tpu.memref_slice %arg10[%add3A_128] : memref<808000xf32, #tpu.memory_space<vmem_shared>> -> memref<25000xf32, #tpu.memory_space<vmem_shared>>
    tpu.enqueue_dma source(%arg8 : memref<25000xf32, #tpu.memory_space<vmem>>) target(%dma_start3A_130 : memref<25000xf32, #tpu.memory_space<vmem_shared>>) target_semaphore(%arg12 : memref<!tpu.dma_semaphore, #tpu.memory_space<semaphore_mem>>)
    %mul3A_131 = arith.constant 10 : i32
    %mul3A_132 = arith.muli %arg0, %mul3A_131 : i32
    %add3A_133 = arith.constant 2 : i32
    %add3A_134 = arith.addi %mul3A_132, %add3A_133 : i32
    %mul3A_135 = arith.constant 800000 : i32
    %mul3A_136 = arith.muli %add3A_134, %mul3A_135 : i32
    %scan3A_137 = arith.constant 0 : i32
    %scan3A_138 = arith.constant 0 : i32
    %scan3A_139 = arith.constant 500 : i32
    %scan3A_140 = arith.addi %scan3A_138, %scan3A_139 : i32
    %scan3A_141 = arith.constant 1 : i32
    scf.for %scan3A_527 = %scan3A_138 to %scan3A_140 step %scan3A_141  : i32 {
      %mul3A_528 = arith.constant 16 : i32
      %mul3A_529 = arith.muli %scan3A_527, %mul3A_528 : i32
      %get3A = arith.index_cast %mul3A_529 : i32 to index
      %get3A_530 = tpu.vector_load %arg5[%get3A] {strides = array<i32>} : memref<8000xi32, #tpu.memory_space<vmem>>, vector<16xi32>,
      %get3A_531 = vector.shape_cast %get3A_530 : vector<16xi32> to vector<16xi32>
      %sub3A = vector.broadcast %mul3A_136 : i32 to vector<16xi32>
      %sub3A_532 = arith.subi %get3A_531, %sub3A : vector<16xi32>
      %ge3A = arith.constant 0 : i32
      %ge3A_533 = vector.broadcast %ge3A : i32 to vector<16xi32>
      %ge3A_534 = arith.cmpi sge, %sub3A_532, %ge3A_533 : vector<16xi32>
      %lt3A = arith.constant 800000 : i32
      %lt3A_535 = vector.broadcast %lt3A : i32 to vector<16xi32>
      %lt3A_536 = arith.cmpi slt, %sub3A_532, %lt3A_535 : vector<16xi32>
      %and3A = arith.andi %ge3A_534, %lt3A_536 : vector<16xi1>
      %mul3A_537 = arith.constant 16 : i32
      %mul3A_538 = arith.muli %scan3A_527, %mul3A_537 : i32
      %add3A_539 = arith.constant 800000 : i32
      %add3A_540 = arith.addi %add3A_539, %mul3A_538 : i32
      %add3A_541 = vector.broadcast %add3A_540 : i32 to vector<16xi32>
      %add3A_542 = arith.addi %add3A_541, %iota3A : vector<16xi32>
      %select_n3A = arith.select %and3A, %sub3A_532, %add3A_542 : vector<16xi1>, vector<16xi32>
      %swap3A = arith.index_cast %mul3A_529 : i32 to index
      %swap3A_543 = tpu.vector_load %arg6[%swap3A] {strides = array<i32>} : memref<8000xi32, #tpu.memory_space<vmem>>, vector<16xi32>,
      %swap3A_544 = vector.shape_cast %swap3A_543 : vector<16xi32> to vector<16xi32>
      %swap3A_545 = vector.shape_cast %select_n3A : vector<16xi32> to vector<16xi32>
      tpu.vector_store %arg6[%swap3A], %swap3A_545 {strides = array<i32>} : memref<8000xi32, #tpu.memory_space<vmem>>, vector<16xi32>,
    }
    %scan3A_142 = arith.constant 500 : i32
    %dma_wait3A_143 = tpu.memref_slice %arg10[%add3A_122] : memref<808000xf32, #tpu.memory_space<vmem_shared>> -> memref<25000xf32, #tpu.memory_space<vmem_shared>>
    %dma_wait3A_144 = tpu.memref_slice %arg10[%add3A_122] : memref<808000xf32, #tpu.memory_space<vmem_shared>> -> memref<25000xf32, #tpu.memory_space<vmem_shared>>
    tpu.wait_dma2 semaphore(%arg12 : memref<!tpu.dma_semaphore, #tpu.memory_space<semaphore_mem>>) src(%arg8 : memref<25000xf32, #tpu.memory_space<vmem>>) dst(%dma_wait3A_144 : memref<25000xf32, #tpu.memory_space<vmem_shared>>)
    %dma_wait3A_145 = tpu.memref_slice %arg10[%add3A_128] : memref<808000xf32, #tpu.memory_space<vmem_shared>> -> memref<25000xf32, #tpu.memory_space<vmem_shared>>
    %dma_wait3A_146 = tpu.memref_slice %arg10[%add3A_128] : memref<808000xf32, #tpu.memory_space<vmem_shared>> -> memref<25000xf32, #tpu.memory_space<vmem_shared>>
    tpu.wait_dma2 semaphore(%arg12 : memref<!tpu.dma_semaphore, #tpu.memory_space<semaphore_mem>>) src(%arg8 : memref<25000xf32, #tpu.memory_space<vmem>>) dst(%dma_wait3A_146 : memref<25000xf32, #tpu.memory_space<vmem_shared>>)
    %barrier3A_147 = arith.constant 0 : index
    tpu.barrier barrier_id(%barrier3A_147)
    %dma_start3A_148 = arith.constant 0 : i32
    %dma_start3A_149 = tpu.memref_slice %arg10[%dma_start3A_148] : memref<808000xf32, #tpu.memory_space<vmem_shared>> -> memref<808000xf32, #tpu.memory_space<vmem_shared>>
    tpu.enqueue_indirect_dma source(%arg7 : memref<8000xf32, #tpu.memory_space<vmem>>) target(%dma_start3A_149 : memref<808000xf32, #tpu.memory_space<vmem_shared>>) offsets(%arg6 : memref<8000xi32, #tpu.memory_space<vmem>>) semaphore(%arg11 : memref<!tpu.dma_semaphore, #tpu.memory_space<semaphore_mem>>) {add = true}
    %dma_wait3A_150 = arith.constant 0 : i32
    %dma_wait3A_151 = tpu.memref_slice %arg10[%dma_wait3A_150] : memref<808000xf32, #tpu.memory_space<vmem_shared>> -> memref<808000xf32, #tpu.memory_space<vmem_shared>>
    tpu.wait_indirect_dma semaphore(%arg11 : memref<!tpu.dma_semaphore, #tpu.memory_space<semaphore_mem>>) src(%arg7 : memref<8000xf32, #tpu.memory_space<vmem>>) dst(%dma_wait3A_151 : memref<808000xf32, #tpu.memory_space<vmem_shared>>)
    %barrier3A_152 = arith.constant 0 : index
    tpu.barrier barrier_id(%barrier3A_152)
    %mul3A_153 = arith.constant 10 : i32
    %mul3A_154 = arith.muli %arg0, %mul3A_153 : i32
    %add3A_155 = arith.constant 2 : i32
    %add3A_156 = arith.addi %mul3A_154, %add3A_155 : i32
    %mul3A_157 = arith.constant 800000 : i32
    %mul3A_158 = arith.muli %add3A_156, %mul3A_157 : i32
    %mul3A_159 = arith.constant 50000 : i32
    %mul3A_160 = arith.muli %arg1, %mul3A_159 : i32
    %add3A_161 = arith.constant 0 : i32
    %add3A_162 = arith.addi %mul3A_160, %add3A_161 : i32
    "tpu.region"() ({
      %run_scoped3A = tpu.sem_alloc : memref<!tpu.dma_semaphore, #tpu.memory_space<semaphore_mem>>
      %dma_start3A_527 = tpu.memref_slice %arg10[%add3A_162] : memref<808000xf32, #tpu.memory_space<vmem_shared>> -> memref<25000xf32, #tpu.memory_space<vmem_shared>>
      %dma_start3A_528 = tpu.memref_slice %arg10[%add3A_162] : memref<808000xf32, #tpu.memory_space<vmem_shared>> -> memref<25000xf32, #tpu.memory_space<vmem_shared>>
      tpu.enqueue_dma source(%dma_start3A_528 : memref<25000xf32, #tpu.memory_space<vmem_shared>>) target(%arg9 : memref<25000xf32, #tpu.memory_space<vmem>>) target_semaphore(%run_scoped3A : memref<!tpu.dma_semaphore, #tpu.memory_space<semaphore_mem>>)
      %dma_wait3A_529 = tpu.memref_slice %arg10[%add3A_162] : memref<808000xf32, #tpu.memory_space<vmem_shared>> -> memref<25000xf32, #tpu.memory_space<vmem_shared>>
      %dma_wait3A_530 = tpu.memref_slice %arg10[%add3A_162] : memref<808000xf32, #tpu.memory_space<vmem_shared>> -> memref<25000xf32, #tpu.memory_space<vmem_shared>>
      tpu.wait_dma2 semaphore(%run_scoped3A : memref<!tpu.dma_semaphore, #tpu.memory_space<semaphore_mem>>) src(%dma_wait3A_530 : memref<25000xf32, #tpu.memory_space<vmem_shared>>) dst(%arg9 : memref<25000xf32, #tpu.memory_space<vmem>>)
      tpu.yield
    }) : () -> ()
    %add3A_163 = arith.addi %mul3A_158, %add3A_162 : i32
    "tpu.region"() ({
      %run_scoped3A = tpu.sem_alloc : memref<!tpu.dma_semaphore, #tpu.memory_space<semaphore_mem>>
      %dma_start3A_527 = tpu.memref_slice %arg4[%add3A_163] : memref<16000000xf32, #tpu.memory_space<hbm>> -> memref<25000xf32, #tpu.memory_space<hbm>>
      %dma_start3A_528 = tpu.memref_slice %arg4[%add3A_163] : memref<16000000xf32, #tpu.memory_space<hbm>> -> memref<25000xf32, #tpu.memory_space<hbm>>
      tpu.enqueue_dma source(%arg9 : memref<25000xf32, #tpu.memory_space<vmem>>) target(%dma_start3A_528 : memref<25000xf32, #tpu.memory_space<hbm>>) target_semaphore(%run_scoped3A : memref<!tpu.dma_semaphore, #tpu.memory_space<semaphore_mem>>)
      %dma_wait3A_529 = tpu.memref_slice %arg4[%add3A_163] : memref<16000000xf32, #tpu.memory_space<hbm>> -> memref<25000xf32, #tpu.memory_space<hbm>>
      %dma_wait3A_530 = tpu.memref_slice %arg4[%add3A_163] : memref<16000000xf32, #tpu.memory_space<hbm>> -> memref<25000xf32, #tpu.memory_space<hbm>>
      tpu.wait_dma2 semaphore(%run_scoped3A : memref<!tpu.dma_semaphore, #tpu.memory_space<semaphore_mem>>) src(%arg9 : memref<25000xf32, #tpu.memory_space<vmem>>) dst(%dma_wait3A_530 : memref<25000xf32, #tpu.memory_space<hbm>>)
      tpu.yield
    }) : () -> ()
    %mul3A_164 = arith.constant 50000 : i32
    %mul3A_165 = arith.muli %arg1, %mul3A_164 : i32
    %add3A_166 = arith.constant 25000 : i32
    %add3A_167 = arith.addi %mul3A_165, %add3A_166 : i32
    "tpu.region"() ({
      %run_scoped3A = tpu.sem_alloc : memref<!tpu.dma_semaphore, #tpu.memory_space<semaphore_mem>>
      %dma_start3A_527 = tpu.memref_slice %arg10[%add3A_167] : memref<808000xf32, #tpu.memory_space<vmem_shared>> -> memref<25000xf32, #tpu.memory_space<vmem_shared>>
      %dma_start3A_528 = tpu.memref_slice %arg10[%add3A_167] : memref<808000xf32, #tpu.memory_space<vmem_shared>> -> memref<25000xf32, #tpu.memory_space<vmem_shared>>
      tpu.enqueue_dma source(%dma_start3A_528 : memref<25000xf32, #tpu.memory_space<vmem_shared>>) target(%arg9 : memref<25000xf32, #tpu.memory_space<vmem>>) target_semaphore(%run_scoped3A : memref<!tpu.dma_semaphore, #tpu.memory_space<semaphore_mem>>)
      %dma_wait3A_529 = tpu.memref_slice %arg10[%add3A_167] : memref<808000xf32, #tpu.memory_space<vmem_shared>> -> memref<25000xf32, #tpu.memory_space<vmem_shared>>
      %dma_wait3A_530 = tpu.memref_slice %arg10[%add3A_167] : memref<808000xf32, #tpu.memory_space<vmem_shared>> -> memref<25000xf32, #tpu.memory_space<vmem_shared>>
      tpu.wait_dma2 semaphore(%run_scoped3A : memref<!tpu.dma_semaphore, #tpu.memory_space<semaphore_mem>>) src(%dma_wait3A_530 : memref<25000xf32, #tpu.memory_space<vmem_shared>>) dst(%arg9 : memref<25000xf32, #tpu.memory_space<vmem>>)
      tpu.yield
    }) : () -> ()
    %add3A_168 = arith.addi %mul3A_158, %add3A_167 : i32
    "tpu.region"() ({
      %run_scoped3A = tpu.sem_alloc : memref<!tpu.dma_semaphore, #tpu.memory_space<semaphore_mem>>
      %dma_start3A_527 = tpu.memref_slice %arg4[%add3A_168] : memref<16000000xf32, #tpu.memory_space<hbm>> -> memref<25000xf32, #tpu.memory_space<hbm>>
      %dma_start3A_528 = tpu.memref_slice %arg4[%add3A_168] : memref<16000000xf32, #tpu.memory_space<hbm>> -> memref<25000xf32, #tpu.memory_space<hbm>>
      tpu.enqueue_dma source(%arg9 : memref<25000xf32, #tpu.memory_space<vmem>>) target(%dma_start3A_528 : memref<25000xf32, #tpu.memory_space<hbm>>) target_semaphore(%run_scoped3A : memref<!tpu.dma_semaphore, #tpu.memory_space<semaphore_mem>>)
      %dma_wait3A_529 = tpu.memref_slice %arg4[%add3A_168] : memref<16000000xf32, #tpu.memory_space<hbm>> -> memref<25000xf32, #tpu.memory_space<hbm>>
      %dma_wait3A_530 = tpu.memref_slice %arg4[%add3A_168] : memref<16000000xf32, #tpu.memory_space<hbm>> -> memref<25000xf32, #tpu.memory_space<hbm>>
      tpu.wait_dma2 semaphore(%run_scoped3A : memref<!tpu.dma_semaphore, #tpu.memory_space<semaphore_mem>>) src(%arg9 : memref<25000xf32, #tpu.memory_space<vmem>>) dst(%dma_wait3A_530 : memref<25000xf32, #tpu.memory_space<hbm>>)
      tpu.yield
    }) : () -> ()
    %barrier3A_169 = arith.constant 0 : index
    tpu.barrier barrier_id(%barrier3A_169)
    %mul3A_170 = arith.constant 50000 : i32
    %mul3A_171 = arith.muli %arg1, %mul3A_170 : i32
    %add3A_172 = arith.constant 0 : i32
    %add3A_173 = arith.addi %mul3A_171, %add3A_172 : i32
    %dma_start3A_174 = tpu.memref_slice %arg10[%add3A_173] : memref<808000xf32, #tpu.memory_space<vmem_shared>> -> memref<25000xf32, #tpu.memory_space<vmem_shared>>
    %dma_start3A_175 = tpu.memref_slice %arg10[%add3A_173] : memref<808000xf32, #tpu.memory_space<vmem_shared>> -> memref<25000xf32, #tpu.memory_space<vmem_shared>>
    tpu.enqueue_dma source(%arg8 : memref<25000xf32, #tpu.memory_space<vmem>>) target(%dma_start3A_175 : memref<25000xf32, #tpu.memory_space<vmem_shared>>) target_semaphore(%arg12 : memref<!tpu.dma_semaphore, #tpu.memory_space<semaphore_mem>>)
    %mul3A_176 = arith.constant 50000 : i32
    %mul3A_177 = arith.muli %arg1, %mul3A_176 : i32
    %add3A_178 = arith.constant 25000 : i32
    %add3A_179 = arith.addi %mul3A_177, %add3A_178 : i32
    %dma_start3A_180 = tpu.memref_slice %arg10[%add3A_179] : memref<808000xf32, #tpu.memory_space<vmem_shared>> -> memref<25000xf32, #tpu.memory_space<vmem_shared>>
    %dma_start3A_181 = tpu.memref_slice %arg10[%add3A_179] : memref<808000xf32, #tpu.memory_space<vmem_shared>> -> memref<25000xf32, #tpu.memory_space<vmem_shared>>
    tpu.enqueue_dma source(%arg8 : memref<25000xf32, #tpu.memory_space<vmem>>) target(%dma_start3A_181 : memref<25000xf32, #tpu.memory_space<vmem_shared>>) target_semaphore(%arg12 : memref<!tpu.dma_semaphore, #tpu.memory_space<semaphore_mem>>)
    %mul3A_182 = arith.constant 10 : i32
    %mul3A_183 = arith.muli %arg0, %mul3A_182 : i32
    %add3A_184 = arith.constant 3 : i32
    %add3A_185 = arith.addi %mul3A_183, %add3A_184 : i32
    %mul3A_186 = arith.constant 800000 : i32
    %mul3A_187 = arith.muli %add3A_185, %mul3A_186 : i32
    %scan3A_188 = arith.constant 0 : i32
    %scan3A_189 = arith.constant 0 : i32
    %scan3A_190 = arith.constant 500 : i32
    %scan3A_191 = arith.addi %scan3A_189, %scan3A_190 : i32
    %scan3A_192 = arith.constant 1 : i32
    scf.for %scan3A_527 = %scan3A_189 to %scan3A_191 step %scan3A_192  : i32 {
      %mul3A_528 = arith.constant 16 : i32
      %mul3A_529 = arith.muli %scan3A_527, %mul3A_528 : i32
      %get3A = arith.index_cast %mul3A_529 : i32 to index
      %get3A_530 = tpu.vector_load %arg5[%get3A] {strides = array<i32>} : memref<8000xi32, #tpu.memory_space<vmem>>, vector<16xi32>,
      %get3A_531 = vector.shape_cast %get3A_530 : vector<16xi32> to vector<16xi32>
      %sub3A = vector.broadcast %mul3A_187 : i32 to vector<16xi32>
      %sub3A_532 = arith.subi %get3A_531, %sub3A : vector<16xi32>
      %ge3A = arith.constant 0 : i32
      %ge3A_533 = vector.broadcast %ge3A : i32 to vector<16xi32>
      %ge3A_534 = arith.cmpi sge, %sub3A_532, %ge3A_533 : vector<16xi32>
      %lt3A = arith.constant 800000 : i32
      %lt3A_535 = vector.broadcast %lt3A : i32 to vector<16xi32>
      %lt3A_536 = arith.cmpi slt, %sub3A_532, %lt3A_535 : vector<16xi32>
      %and3A = arith.andi %ge3A_534, %lt3A_536 : vector<16xi1>
      %mul3A_537 = arith.constant 16 : i32
      %mul3A_538 = arith.muli %scan3A_527, %mul3A_537 : i32
      %add3A_539 = arith.constant 800000 : i32
      %add3A_540 = arith.addi %add3A_539, %mul3A_538 : i32
      %add3A_541 = vector.broadcast %add3A_540 : i32 to vector<16xi32>
      %add3A_542 = arith.addi %add3A_541, %iota3A : vector<16xi32>
      %select_n3A = arith.select %and3A, %sub3A_532, %add3A_542 : vector<16xi1>, vector<16xi32>
      %swap3A = arith.index_cast %mul3A_529 : i32 to index
      %swap3A_543 = tpu.vector_load %arg6[%swap3A] {strides = array<i32>} : memref<8000xi32, #tpu.memory_space<vmem>>, vector<16xi32>,
      %swap3A_544 = vector.shape_cast %swap3A_543 : vector<16xi32> to vector<16xi32>
      %swap3A_545 = vector.shape_cast %select_n3A : vector<16xi32> to vector<16xi32>
      tpu.vector_store %arg6[%swap3A], %swap3A_545 {strides = array<i32>} : memref<8000xi32, #tpu.memory_space<vmem>>, vector<16xi32>,
    }
    %scan3A_193 = arith.constant 500 : i32
    %dma_wait3A_194 = tpu.memref_slice %arg10[%add3A_173] : memref<808000xf32, #tpu.memory_space<vmem_shared>> -> memref<25000xf32, #tpu.memory_space<vmem_shared>>
    %dma_wait3A_195 = tpu.memref_slice %arg10[%add3A_173] : memref<808000xf32, #tpu.memory_space<vmem_shared>> -> memref<25000xf32, #tpu.memory_space<vmem_shared>>
    tpu.wait_dma2 semaphore(%arg12 : memref<!tpu.dma_semaphore, #tpu.memory_space<semaphore_mem>>) src(%arg8 : memref<25000xf32, #tpu.memory_space<vmem>>) dst(%dma_wait3A_195 : memref<25000xf32, #tpu.memory_space<vmem_shared>>)
    %dma_wait3A_196 = tpu.memref_slice %arg10[%add3A_179] : memref<808000xf32, #tpu.memory_space<vmem_shared>> -> memref<25000xf32, #tpu.memory_space<vmem_shared>>
    %dma_wait3A_197 = tpu.memref_slice %arg10[%add3A_179] : memref<808000xf32, #tpu.memory_space<vmem_shared>> -> memref<25000xf32, #tpu.memory_space<vmem_shared>>
    tpu.wait_dma2 semaphore(%arg12 : memref<!tpu.dma_semaphore, #tpu.memory_space<semaphore_mem>>) src(%arg8 : memref<25000xf32, #tpu.memory_space<vmem>>) dst(%dma_wait3A_197 : memref<25000xf32, #tpu.memory_space<vmem_shared>>)
    %barrier3A_198 = arith.constant 0 : index
    tpu.barrier barrier_id(%barrier3A_198)
    %dma_start3A_199 = arith.constant 0 : i32
    %dma_start3A_200 = tpu.memref_slice %arg10[%dma_start3A_199] : memref<808000xf32, #tpu.memory_space<vmem_shared>> -> memref<808000xf32, #tpu.memory_space<vmem_shared>>
    tpu.enqueue_indirect_dma source(%arg7 : memref<8000xf32, #tpu.memory_space<vmem>>) target(%dma_start3A_200 : memref<808000xf32, #tpu.memory_space<vmem_shared>>) offsets(%arg6 : memref<8000xi32, #tpu.memory_space<vmem>>) semaphore(%arg11 : memref<!tpu.dma_semaphore, #tpu.memory_space<semaphore_mem>>) {add = true}
    %dma_wait3A_201 = arith.constant 0 : i32
    %dma_wait3A_202 = tpu.memref_slice %arg10[%dma_wait3A_201] : memref<808000xf32, #tpu.memory_space<vmem_shared>> -> memref<808000xf32, #tpu.memory_space<vmem_shared>>
    tpu.wait_indirect_dma semaphore(%arg11 : memref<!tpu.dma_semaphore, #tpu.memory_space<semaphore_mem>>) src(%arg7 : memref<8000xf32, #tpu.memory_space<vmem>>) dst(%dma_wait3A_202 : memref<808000xf32, #tpu.memory_space<vmem_shared>>)
    %barrier3A_203 = arith.constant 0 : index
    tpu.barrier barrier_id(%barrier3A_203)
    %mul3A_204 = arith.constant 10 : i32
    %mul3A_205 = arith.muli %arg0, %mul3A_204 : i32
    %add3A_206 = arith.constant 3 : i32
    %add3A_207 = arith.addi %mul3A_205, %add3A_206 : i32
    %mul3A_208 = arith.constant 800000 : i32
    %mul3A_209 = arith.muli %add3A_207, %mul3A_208 : i32
    %mul3A_210 = arith.constant 50000 : i32
    %mul3A_211 = arith.muli %arg1, %mul3A_210 : i32
    %add3A_212 = arith.constant 0 : i32
    %add3A_213 = arith.addi %mul3A_211, %add3A_212 : i32
    "tpu.region"() ({
      %run_scoped3A = tpu.sem_alloc : memref<!tpu.dma_semaphore, #tpu.memory_space<semaphore_mem>>
      %dma_start3A_527 = tpu.memref_slice %arg10[%add3A_213] : memref<808000xf32, #tpu.memory_space<vmem_shared>> -> memref<25000xf32, #tpu.memory_space<vmem_shared>>
      %dma_start3A_528 = tpu.memref_slice %arg10[%add3A_213] : memref<808000xf32, #tpu.memory_space<vmem_shared>> -> memref<25000xf32, #tpu.memory_space<vmem_shared>>
      tpu.enqueue_dma source(%dma_start3A_528 : memref<25000xf32, #tpu.memory_space<vmem_shared>>) target(%arg9 : memref<25000xf32, #tpu.memory_space<vmem>>) target_semaphore(%run_scoped3A : memref<!tpu.dma_semaphore, #tpu.memory_space<semaphore_mem>>)
      %dma_wait3A_529 = tpu.memref_slice %arg10[%add3A_213] : memref<808000xf32, #tpu.memory_space<vmem_shared>> -> memref<25000xf32, #tpu.memory_space<vmem_shared>>
      %dma_wait3A_530 = tpu.memref_slice %arg10[%add3A_213] : memref<808000xf32, #tpu.memory_space<vmem_shared>> -> memref<25000xf32, #tpu.memory_space<vmem_shared>>
      tpu.wait_dma2 semaphore(%run_scoped3A : memref<!tpu.dma_semaphore, #tpu.memory_space<semaphore_mem>>) src(%dma_wait3A_530 : memref<25000xf32, #tpu.memory_space<vmem_shared>>) dst(%arg9 : memref<25000xf32, #tpu.memory_space<vmem>>)
      tpu.yield
    }) : () -> ()
    %add3A_214 = arith.addi %mul3A_209, %add3A_213 : i32
    "tpu.region"() ({
      %run_scoped3A = tpu.sem_alloc : memref<!tpu.dma_semaphore, #tpu.memory_space<semaphore_mem>>
      %dma_start3A_527 = tpu.memref_slice %arg4[%add3A_214] : memref<16000000xf32, #tpu.memory_space<hbm>> -> memref<25000xf32, #tpu.memory_space<hbm>>
      %dma_start3A_528 = tpu.memref_slice %arg4[%add3A_214] : memref<16000000xf32, #tpu.memory_space<hbm>> -> memref<25000xf32, #tpu.memory_space<hbm>>
      tpu.enqueue_dma source(%arg9 : memref<25000xf32, #tpu.memory_space<vmem>>) target(%dma_start3A_528 : memref<25000xf32, #tpu.memory_space<hbm>>) target_semaphore(%run_scoped3A : memref<!tpu.dma_semaphore, #tpu.memory_space<semaphore_mem>>)
      %dma_wait3A_529 = tpu.memref_slice %arg4[%add3A_214] : memref<16000000xf32, #tpu.memory_space<hbm>> -> memref<25000xf32, #tpu.memory_space<hbm>>
      %dma_wait3A_530 = tpu.memref_slice %arg4[%add3A_214] : memref<16000000xf32, #tpu.memory_space<hbm>> -> memref<25000xf32, #tpu.memory_space<hbm>>
      tpu.wait_dma2 semaphore(%run_scoped3A : memref<!tpu.dma_semaphore, #tpu.memory_space<semaphore_mem>>) src(%arg9 : memref<25000xf32, #tpu.memory_space<vmem>>) dst(%dma_wait3A_530 : memref<25000xf32, #tpu.memory_space<hbm>>)
      tpu.yield
    }) : () -> ()
    %mul3A_215 = arith.constant 50000 : i32
    %mul3A_216 = arith.muli %arg1, %mul3A_215 : i32
    %add3A_217 = arith.constant 25000 : i32
    %add3A_218 = arith.addi %mul3A_216, %add3A_217 : i32
    "tpu.region"() ({
      %run_scoped3A = tpu.sem_alloc : memref<!tpu.dma_semaphore, #tpu.memory_space<semaphore_mem>>
      %dma_start3A_527 = tpu.memref_slice %arg10[%add3A_218] : memref<808000xf32, #tpu.memory_space<vmem_shared>> -> memref<25000xf32, #tpu.memory_space<vmem_shared>>
      %dma_start3A_528 = tpu.memref_slice %arg10[%add3A_218] : memref<808000xf32, #tpu.memory_space<vmem_shared>> -> memref<25000xf32, #tpu.memory_space<vmem_shared>>
      tpu.enqueue_dma source(%dma_start3A_528 : memref<25000xf32, #tpu.memory_space<vmem_shared>>) target(%arg9 : memref<25000xf32, #tpu.memory_space<vmem>>) target_semaphore(%run_scoped3A : memref<!tpu.dma_semaphore, #tpu.memory_space<semaphore_mem>>)
      %dma_wait3A_529 = tpu.memref_slice %arg10[%add3A_218] : memref<808000xf32, #tpu.memory_space<vmem_shared>> -> memref<25000xf32, #tpu.memory_space<vmem_shared>>
      %dma_wait3A_530 = tpu.memref_slice %arg10[%add3A_218] : memref<808000xf32, #tpu.memory_space<vmem_shared>> -> memref<25000xf32, #tpu.memory_space<vmem_shared>>
      tpu.wait_dma2 semaphore(%run_scoped3A : memref<!tpu.dma_semaphore, #tpu.memory_space<semaphore_mem>>) src(%dma_wait3A_530 : memref<25000xf32, #tpu.memory_space<vmem_shared>>) dst(%arg9 : memref<25000xf32, #tpu.memory_space<vmem>>)
      tpu.yield
    }) : () -> ()
    %add3A_219 = arith.addi %mul3A_209, %add3A_218 : i32
    "tpu.region"() ({
      %run_scoped3A = tpu.sem_alloc : memref<!tpu.dma_semaphore, #tpu.memory_space<semaphore_mem>>
      %dma_start3A_527 = tpu.memref_slice %arg4[%add3A_219] : memref<16000000xf32, #tpu.memory_space<hbm>> -> memref<25000xf32, #tpu.memory_space<hbm>>
      %dma_start3A_528 = tpu.memref_slice %arg4[%add3A_219] : memref<16000000xf32, #tpu.memory_space<hbm>> -> memref<25000xf32, #tpu.memory_space<hbm>>
      tpu.enqueue_dma source(%arg9 : memref<25000xf32, #tpu.memory_space<vmem>>) target(%dma_start3A_528 : memref<25000xf32, #tpu.memory_space<hbm>>) target_semaphore(%run_scoped3A : memref<!tpu.dma_semaphore, #tpu.memory_space<semaphore_mem>>)
      %dma_wait3A_529 = tpu.memref_slice %arg4[%add3A_219] : memref<16000000xf32, #tpu.memory_space<hbm>> -> memref<25000xf32, #tpu.memory_space<hbm>>
      %dma_wait3A_530 = tpu.memref_slice %arg4[%add3A_219] : memref<16000000xf32, #tpu.memory_space<hbm>> -> memref<25000xf32, #tpu.memory_space<hbm>>
      tpu.wait_dma2 semaphore(%run_scoped3A : memref<!tpu.dma_semaphore, #tpu.memory_space<semaphore_mem>>) src(%arg9 : memref<25000xf32, #tpu.memory_space<vmem>>) dst(%dma_wait3A_530 : memref<25000xf32, #tpu.memory_space<hbm>>)
      tpu.yield
    }) : () -> ()
    %barrier3A_220 = arith.constant 0 : index
    tpu.barrier barrier_id(%barrier3A_220)
    %mul3A_221 = arith.constant 50000 : i32
    %mul3A_222 = arith.muli %arg1, %mul3A_221 : i32
    %add3A_223 = arith.constant 0 : i32
    %add3A_224 = arith.addi %mul3A_222, %add3A_223 : i32
    %dma_start3A_225 = tpu.memref_slice %arg10[%add3A_224] : memref<808000xf32, #tpu.memory_space<vmem_shared>> -> memref<25000xf32, #tpu.memory_space<vmem_shared>>
    %dma_start3A_226 = tpu.memref_slice %arg10[%add3A_224] : memref<808000xf32, #tpu.memory_space<vmem_shared>> -> memref<25000xf32, #tpu.memory_space<vmem_shared>>
    tpu.enqueue_dma source(%arg8 : memref<25000xf32, #tpu.memory_space<vmem>>) target(%dma_start3A_226 : memref<25000xf32, #tpu.memory_space<vmem_shared>>) target_semaphore(%arg12 : memref<!tpu.dma_semaphore, #tpu.memory_space<semaphore_mem>>)
    %mul3A_227 = arith.constant 50000 : i32
    %mul3A_228 = arith.muli %arg1, %mul3A_227 : i32
    %add3A_229 = arith.constant 25000 : i32
    %add3A_230 = arith.addi %mul3A_228, %add3A_229 : i32
    %dma_start3A_231 = tpu.memref_slice %arg10[%add3A_230] : memref<808000xf32, #tpu.memory_space<vmem_shared>> -> memref<25000xf32, #tpu.memory_space<vmem_shared>>
    %dma_start3A_232 = tpu.memref_slice %arg10[%add3A_230] : memref<808000xf32, #tpu.memory_space<vmem_shared>> -> memref<25000xf32, #tpu.memory_space<vmem_shared>>
    tpu.enqueue_dma source(%arg8 : memref<25000xf32, #tpu.memory_space<vmem>>) target(%dma_start3A_232 : memref<25000xf32, #tpu.memory_space<vmem_shared>>) target_semaphore(%arg12 : memref<!tpu.dma_semaphore, #tpu.memory_space<semaphore_mem>>)
    %mul3A_233 = arith.constant 10 : i32
    %mul3A_234 = arith.muli %arg0, %mul3A_233 : i32
    %add3A_235 = arith.constant 4 : i32
    %add3A_236 = arith.addi %mul3A_234, %add3A_235 : i32
    %mul3A_237 = arith.constant 800000 : i32
    %mul3A_238 = arith.muli %add3A_236, %mul3A_237 : i32
    %scan3A_239 = arith.constant 0 : i32
    %scan3A_240 = arith.constant 0 : i32
    %scan3A_241 = arith.constant 500 : i32
    %scan3A_242 = arith.addi %scan3A_240, %scan3A_241 : i32
    %scan3A_243 = arith.constant 1 : i32
    scf.for %scan3A_527 = %scan3A_240 to %scan3A_242 step %scan3A_243  : i32 {
      %mul3A_528 = arith.constant 16 : i32
      %mul3A_529 = arith.muli %scan3A_527, %mul3A_528 : i32
      %get3A = arith.index_cast %mul3A_529 : i32 to index
      %get3A_530 = tpu.vector_load %arg5[%get3A] {strides = array<i32>} : memref<8000xi32, #tpu.memory_space<vmem>>, vector<16xi32>,
      %get3A_531 = vector.shape_cast %get3A_530 : vector<16xi32> to vector<16xi32>
      %sub3A = vector.broadcast %mul3A_238 : i32 to vector<16xi32>
      %sub3A_532 = arith.subi %get3A_531, %sub3A : vector<16xi32>
      %ge3A = arith.constant 0 : i32
      %ge3A_533 = vector.broadcast %ge3A : i32 to vector<16xi32>
      %ge3A_534 = arith.cmpi sge, %sub3A_532, %ge3A_533 : vector<16xi32>
      %lt3A = arith.constant 800000 : i32
      %lt3A_535 = vector.broadcast %lt3A : i32 to vector<16xi32>
      %lt3A_536 = arith.cmpi slt, %sub3A_532, %lt3A_535 : vector<16xi32>
      %and3A = arith.andi %ge3A_534, %lt3A_536 : vector<16xi1>
      %mul3A_537 = arith.constant 16 : i32
      %mul3A_538 = arith.muli %scan3A_527, %mul3A_537 : i32
      %add3A_539 = arith.constant 800000 : i32
      %add3A_540 = arith.addi %add3A_539, %mul3A_538 : i32
      %add3A_541 = vector.broadcast %add3A_540 : i32 to vector<16xi32>
      %add3A_542 = arith.addi %add3A_541, %iota3A : vector<16xi32>
      %select_n3A = arith.select %and3A, %sub3A_532, %add3A_542 : vector<16xi1>, vector<16xi32>
      %swap3A = arith.index_cast %mul3A_529 : i32 to index
      %swap3A_543 = tpu.vector_load %arg6[%swap3A] {strides = array<i32>} : memref<8000xi32, #tpu.memory_space<vmem>>, vector<16xi32>,
      %swap3A_544 = vector.shape_cast %swap3A_543 : vector<16xi32> to vector<16xi32>
      %swap3A_545 = vector.shape_cast %select_n3A : vector<16xi32> to vector<16xi32>
      tpu.vector_store %arg6[%swap3A], %swap3A_545 {strides = array<i32>} : memref<8000xi32, #tpu.memory_space<vmem>>, vector<16xi32>,
    }
    %scan3A_244 = arith.constant 500 : i32
    %dma_wait3A_245 = tpu.memref_slice %arg10[%add3A_224] : memref<808000xf32, #tpu.memory_space<vmem_shared>> -> memref<25000xf32, #tpu.memory_space<vmem_shared>>
    %dma_wait3A_246 = tpu.memref_slice %arg10[%add3A_224] : memref<808000xf32, #tpu.memory_space<vmem_shared>> -> memref<25000xf32, #tpu.memory_space<vmem_shared>>
    tpu.wait_dma2 semaphore(%arg12 : memref<!tpu.dma_semaphore, #tpu.memory_space<semaphore_mem>>) src(%arg8 : memref<25000xf32, #tpu.memory_space<vmem>>) dst(%dma_wait3A_246 : memref<25000xf32, #tpu.memory_space<vmem_shared>>)
    %dma_wait3A_247 = tpu.memref_slice %arg10[%add3A_230] : memref<808000xf32, #tpu.memory_space<vmem_shared>> -> memref<25000xf32, #tpu.memory_space<vmem_shared>>
    %dma_wait3A_248 = tpu.memref_slice %arg10[%add3A_230] : memref<808000xf32, #tpu.memory_space<vmem_shared>> -> memref<25000xf32, #tpu.memory_space<vmem_shared>>
    tpu.wait_dma2 semaphore(%arg12 : memref<!tpu.dma_semaphore, #tpu.memory_space<semaphore_mem>>) src(%arg8 : memref<25000xf32, #tpu.memory_space<vmem>>) dst(%dma_wait3A_248 : memref<25000xf32, #tpu.memory_space<vmem_shared>>)
    %barrier3A_249 = arith.constant 0 : index
    tpu.barrier barrier_id(%barrier3A_249)
    %dma_start3A_250 = arith.constant 0 : i32
    %dma_start3A_251 = tpu.memref_slice %arg10[%dma_start3A_250] : memref<808000xf32, #tpu.memory_space<vmem_shared>> -> memref<808000xf32, #tpu.memory_space<vmem_shared>>
    tpu.enqueue_indirect_dma source(%arg7 : memref<8000xf32, #tpu.memory_space<vmem>>) target(%dma_start3A_251 : memref<808000xf32, #tpu.memory_space<vmem_shared>>) offsets(%arg6 : memref<8000xi32, #tpu.memory_space<vmem>>) semaphore(%arg11 : memref<!tpu.dma_semaphore, #tpu.memory_space<semaphore_mem>>) {add = true}
    %dma_wait3A_252 = arith.constant 0 : i32
    %dma_wait3A_253 = tpu.memref_slice %arg10[%dma_wait3A_252] : memref<808000xf32, #tpu.memory_space<vmem_shared>> -> memref<808000xf32, #tpu.memory_space<vmem_shared>>
    tpu.wait_indirect_dma semaphore(%arg11 : memref<!tpu.dma_semaphore, #tpu.memory_space<semaphore_mem>>) src(%arg7 : memref<8000xf32, #tpu.memory_space<vmem>>) dst(%dma_wait3A_253 : memref<808000xf32, #tpu.memory_space<vmem_shared>>)
    %barrier3A_254 = arith.constant 0 : index
    tpu.barrier barrier_id(%barrier3A_254)
    %mul3A_255 = arith.constant 10 : i32
    %mul3A_256 = arith.muli %arg0, %mul3A_255 : i32
    %add3A_257 = arith.constant 4 : i32
    %add3A_258 = arith.addi %mul3A_256, %add3A_257 : i32
    %mul3A_259 = arith.constant 800000 : i32
    %mul3A_260 = arith.muli %add3A_258, %mul3A_259 : i32
    %mul3A_261 = arith.constant 50000 : i32
    %mul3A_262 = arith.muli %arg1, %mul3A_261 : i32
    %add3A_263 = arith.constant 0 : i32
    %add3A_264 = arith.addi %mul3A_262, %add3A_263 : i32
    "tpu.region"() ({
      %run_scoped3A = tpu.sem_alloc : memref<!tpu.dma_semaphore, #tpu.memory_space<semaphore_mem>>
      %dma_start3A_527 = tpu.memref_slice %arg10[%add3A_264] : memref<808000xf32, #tpu.memory_space<vmem_shared>> -> memref<25000xf32, #tpu.memory_space<vmem_shared>>
      %dma_start3A_528 = tpu.memref_slice %arg10[%add3A_264] : memref<808000xf32, #tpu.memory_space<vmem_shared>> -> memref<25000xf32, #tpu.memory_space<vmem_shared>>
      tpu.enqueue_dma source(%dma_start3A_528 : memref<25000xf32, #tpu.memory_space<vmem_shared>>) target(%arg9 : memref<25000xf32, #tpu.memory_space<vmem>>) target_semaphore(%run_scoped3A : memref<!tpu.dma_semaphore, #tpu.memory_space<semaphore_mem>>)
      %dma_wait3A_529 = tpu.memref_slice %arg10[%add3A_264] : memref<808000xf32, #tpu.memory_space<vmem_shared>> -> memref<25000xf32, #tpu.memory_space<vmem_shared>>
      %dma_wait3A_530 = tpu.memref_slice %arg10[%add3A_264] : memref<808000xf32, #tpu.memory_space<vmem_shared>> -> memref<25000xf32, #tpu.memory_space<vmem_shared>>
      tpu.wait_dma2 semaphore(%run_scoped3A : memref<!tpu.dma_semaphore, #tpu.memory_space<semaphore_mem>>) src(%dma_wait3A_530 : memref<25000xf32, #tpu.memory_space<vmem_shared>>) dst(%arg9 : memref<25000xf32, #tpu.memory_space<vmem>>)
      tpu.yield
    }) : () -> ()
    %add3A_265 = arith.addi %mul3A_260, %add3A_264 : i32
    "tpu.region"() ({
      %run_scoped3A = tpu.sem_alloc : memref<!tpu.dma_semaphore, #tpu.memory_space<semaphore_mem>>
      %dma_start3A_527 = tpu.memref_slice %arg4[%add3A_265] : memref<16000000xf32, #tpu.memory_space<hbm>> -> memref<25000xf32, #tpu.memory_space<hbm>>
      %dma_start3A_528 = tpu.memref_slice %arg4[%add3A_265] : memref<16000000xf32, #tpu.memory_space<hbm>> -> memref<25000xf32, #tpu.memory_space<hbm>>
      tpu.enqueue_dma source(%arg9 : memref<25000xf32, #tpu.memory_space<vmem>>) target(%dma_start3A_528 : memref<25000xf32, #tpu.memory_space<hbm>>) target_semaphore(%run_scoped3A : memref<!tpu.dma_semaphore, #tpu.memory_space<semaphore_mem>>)
      %dma_wait3A_529 = tpu.memref_slice %arg4[%add3A_265] : memref<16000000xf32, #tpu.memory_space<hbm>> -> memref<25000xf32, #tpu.memory_space<hbm>>
      %dma_wait3A_530 = tpu.memref_slice %arg4[%add3A_265] : memref<16000000xf32, #tpu.memory_space<hbm>> -> memref<25000xf32, #tpu.memory_space<hbm>>
      tpu.wait_dma2 semaphore(%run_scoped3A : memref<!tpu.dma_semaphore, #tpu.memory_space<semaphore_mem>>) src(%arg9 : memref<25000xf32, #tpu.memory_space<vmem>>) dst(%dma_wait3A_530 : memref<25000xf32, #tpu.memory_space<hbm>>)
      tpu.yield
    }) : () -> ()
    %mul3A_266 = arith.constant 50000 : i32
    %mul3A_267 = arith.muli %arg1, %mul3A_266 : i32
    %add3A_268 = arith.constant 25000 : i32
    %add3A_269 = arith.addi %mul3A_267, %add3A_268 : i32
    "tpu.region"() ({
      %run_scoped3A = tpu.sem_alloc : memref<!tpu.dma_semaphore, #tpu.memory_space<semaphore_mem>>
      %dma_start3A_527 = tpu.memref_slice %arg10[%add3A_269] : memref<808000xf32, #tpu.memory_space<vmem_shared>> -> memref<25000xf32, #tpu.memory_space<vmem_shared>>
      %dma_start3A_528 = tpu.memref_slice %arg10[%add3A_269] : memref<808000xf32, #tpu.memory_space<vmem_shared>> -> memref<25000xf32, #tpu.memory_space<vmem_shared>>
      tpu.enqueue_dma source(%dma_start3A_528 : memref<25000xf32, #tpu.memory_space<vmem_shared>>) target(%arg9 : memref<25000xf32, #tpu.memory_space<vmem>>) target_semaphore(%run_scoped3A : memref<!tpu.dma_semaphore, #tpu.memory_space<semaphore_mem>>)
      %dma_wait3A_529 = tpu.memref_slice %arg10[%add3A_269] : memref<808000xf32, #tpu.memory_space<vmem_shared>> -> memref<25000xf32, #tpu.memory_space<vmem_shared>>
      %dma_wait3A_530 = tpu.memref_slice %arg10[%add3A_269] : memref<808000xf32, #tpu.memory_space<vmem_shared>> -> memref<25000xf32, #tpu.memory_space<vmem_shared>>
      tpu.wait_dma2 semaphore(%run_scoped3A : memref<!tpu.dma_semaphore, #tpu.memory_space<semaphore_mem>>) src(%dma_wait3A_530 : memref<25000xf32, #tpu.memory_space<vmem_shared>>) dst(%arg9 : memref<25000xf32, #tpu.memory_space<vmem>>)
      tpu.yield
    }) : () -> ()
    %add3A_270 = arith.addi %mul3A_260, %add3A_269 : i32
    "tpu.region"() ({
      %run_scoped3A = tpu.sem_alloc : memref<!tpu.dma_semaphore, #tpu.memory_space<semaphore_mem>>
      %dma_start3A_527 = tpu.memref_slice %arg4[%add3A_270] : memref<16000000xf32, #tpu.memory_space<hbm>> -> memref<25000xf32, #tpu.memory_space<hbm>>
      %dma_start3A_528 = tpu.memref_slice %arg4[%add3A_270] : memref<16000000xf32, #tpu.memory_space<hbm>> -> memref<25000xf32, #tpu.memory_space<hbm>>
      tpu.enqueue_dma source(%arg9 : memref<25000xf32, #tpu.memory_space<vmem>>) target(%dma_start3A_528 : memref<25000xf32, #tpu.memory_space<hbm>>) target_semaphore(%run_scoped3A : memref<!tpu.dma_semaphore, #tpu.memory_space<semaphore_mem>>)
      %dma_wait3A_529 = tpu.memref_slice %arg4[%add3A_270] : memref<16000000xf32, #tpu.memory_space<hbm>> -> memref<25000xf32, #tpu.memory_space<hbm>>
      %dma_wait3A_530 = tpu.memref_slice %arg4[%add3A_270] : memref<16000000xf32, #tpu.memory_space<hbm>> -> memref<25000xf32, #tpu.memory_space<hbm>>
      tpu.wait_dma2 semaphore(%run_scoped3A : memref<!tpu.dma_semaphore, #tpu.memory_space<semaphore_mem>>) src(%arg9 : memref<25000xf32, #tpu.memory_space<vmem>>) dst(%dma_wait3A_530 : memref<25000xf32, #tpu.memory_space<hbm>>)
      tpu.yield
    }) : () -> ()
    %barrier3A_271 = arith.constant 0 : index
    tpu.barrier barrier_id(%barrier3A_271)
    %mul3A_272 = arith.constant 50000 : i32
    %mul3A_273 = arith.muli %arg1, %mul3A_272 : i32
    %add3A_274 = arith.constant 0 : i32
    %add3A_275 = arith.addi %mul3A_273, %add3A_274 : i32
    %dma_start3A_276 = tpu.memref_slice %arg10[%add3A_275] : memref<808000xf32, #tpu.memory_space<vmem_shared>> -> memref<25000xf32, #tpu.memory_space<vmem_shared>>
    %dma_start3A_277 = tpu.memref_slice %arg10[%add3A_275] : memref<808000xf32, #tpu.memory_space<vmem_shared>> -> memref<25000xf32, #tpu.memory_space<vmem_shared>>
    tpu.enqueue_dma source(%arg8 : memref<25000xf32, #tpu.memory_space<vmem>>) target(%dma_start3A_277 : memref<25000xf32, #tpu.memory_space<vmem_shared>>) target_semaphore(%arg12 : memref<!tpu.dma_semaphore, #tpu.memory_space<semaphore_mem>>)
    %mul3A_278 = arith.constant 50000 : i32
    %mul3A_279 = arith.muli %arg1, %mul3A_278 : i32
    %add3A_280 = arith.constant 25000 : i32
    %add3A_281 = arith.addi %mul3A_279, %add3A_280 : i32
    %dma_start3A_282 = tpu.memref_slice %arg10[%add3A_281] : memref<808000xf32, #tpu.memory_space<vmem_shared>> -> memref<25000xf32, #tpu.memory_space<vmem_shared>>
    %dma_start3A_283 = tpu.memref_slice %arg10[%add3A_281] : memref<808000xf32, #tpu.memory_space<vmem_shared>> -> memref<25000xf32, #tpu.memory_space<vmem_shared>>
    tpu.enqueue_dma source(%arg8 : memref<25000xf32, #tpu.memory_space<vmem>>) target(%dma_start3A_283 : memref<25000xf32, #tpu.memory_space<vmem_shared>>) target_semaphore(%arg12 : memref<!tpu.dma_semaphore, #tpu.memory_space<semaphore_mem>>)
    %mul3A_284 = arith.constant 10 : i32
    %mul3A_285 = arith.muli %arg0, %mul3A_284 : i32
    %add3A_286 = arith.constant 5 : i32
    %add3A_287 = arith.addi %mul3A_285, %add3A_286 : i32
    %mul3A_288 = arith.constant 800000 : i32
    %mul3A_289 = arith.muli %add3A_287, %mul3A_288 : i32
    %scan3A_290 = arith.constant 0 : i32
    %scan3A_291 = arith.constant 0 : i32
    %scan3A_292 = arith.constant 500 : i32
    %scan3A_293 = arith.addi %scan3A_291, %scan3A_292 : i32
    %scan3A_294 = arith.constant 1 : i32
    scf.for %scan3A_527 = %scan3A_291 to %scan3A_293 step %scan3A_294  : i32 {
      %mul3A_528 = arith.constant 16 : i32
      %mul3A_529 = arith.muli %scan3A_527, %mul3A_528 : i32
      %get3A = arith.index_cast %mul3A_529 : i32 to index
      %get3A_530 = tpu.vector_load %arg5[%get3A] {strides = array<i32>} : memref<8000xi32, #tpu.memory_space<vmem>>, vector<16xi32>,
      %get3A_531 = vector.shape_cast %get3A_530 : vector<16xi32> to vector<16xi32>
      %sub3A = vector.broadcast %mul3A_289 : i32 to vector<16xi32>
      %sub3A_532 = arith.subi %get3A_531, %sub3A : vector<16xi32>
      %ge3A = arith.constant 0 : i32
      %ge3A_533 = vector.broadcast %ge3A : i32 to vector<16xi32>
      %ge3A_534 = arith.cmpi sge, %sub3A_532, %ge3A_533 : vector<16xi32>
      %lt3A = arith.constant 800000 : i32
      %lt3A_535 = vector.broadcast %lt3A : i32 to vector<16xi32>
      %lt3A_536 = arith.cmpi slt, %sub3A_532, %lt3A_535 : vector<16xi32>
      %and3A = arith.andi %ge3A_534, %lt3A_536 : vector<16xi1>
      %mul3A_537 = arith.constant 16 : i32
      %mul3A_538 = arith.muli %scan3A_527, %mul3A_537 : i32
      %add3A_539 = arith.constant 800000 : i32
      %add3A_540 = arith.addi %add3A_539, %mul3A_538 : i32
      %add3A_541 = vector.broadcast %add3A_540 : i32 to vector<16xi32>
      %add3A_542 = arith.addi %add3A_541, %iota3A : vector<16xi32>
      %select_n3A = arith.select %and3A, %sub3A_532, %add3A_542 : vector<16xi1>, vector<16xi32>
      %swap3A = arith.index_cast %mul3A_529 : i32 to index
      %swap3A_543 = tpu.vector_load %arg6[%swap3A] {strides = array<i32>} : memref<8000xi32, #tpu.memory_space<vmem>>, vector<16xi32>,
      %swap3A_544 = vector.shape_cast %swap3A_543 : vector<16xi32> to vector<16xi32>
      %swap3A_545 = vector.shape_cast %select_n3A : vector<16xi32> to vector<16xi32>
      tpu.vector_store %arg6[%swap3A], %swap3A_545 {strides = array<i32>} : memref<8000xi32, #tpu.memory_space<vmem>>, vector<16xi32>,
    }
    %scan3A_295 = arith.constant 500 : i32
    %dma_wait3A_296 = tpu.memref_slice %arg10[%add3A_275] : memref<808000xf32, #tpu.memory_space<vmem_shared>> -> memref<25000xf32, #tpu.memory_space<vmem_shared>>
    %dma_wait3A_297 = tpu.memref_slice %arg10[%add3A_275] : memref<808000xf32, #tpu.memory_space<vmem_shared>> -> memref<25000xf32, #tpu.memory_space<vmem_shared>>
    tpu.wait_dma2 semaphore(%arg12 : memref<!tpu.dma_semaphore, #tpu.memory_space<semaphore_mem>>) src(%arg8 : memref<25000xf32, #tpu.memory_space<vmem>>) dst(%dma_wait3A_297 : memref<25000xf32, #tpu.memory_space<vmem_shared>>)
    %dma_wait3A_298 = tpu.memref_slice %arg10[%add3A_281] : memref<808000xf32, #tpu.memory_space<vmem_shared>> -> memref<25000xf32, #tpu.memory_space<vmem_shared>>
    %dma_wait3A_299 = tpu.memref_slice %arg10[%add3A_281] : memref<808000xf32, #tpu.memory_space<vmem_shared>> -> memref<25000xf32, #tpu.memory_space<vmem_shared>>
    tpu.wait_dma2 semaphore(%arg12 : memref<!tpu.dma_semaphore, #tpu.memory_space<semaphore_mem>>) src(%arg8 : memref<25000xf32, #tpu.memory_space<vmem>>) dst(%dma_wait3A_299 : memref<25000xf32, #tpu.memory_space<vmem_shared>>)
    %barrier3A_300 = arith.constant 0 : index
    tpu.barrier barrier_id(%barrier3A_300)
    %dma_start3A_301 = arith.constant 0 : i32
    %dma_start3A_302 = tpu.memref_slice %arg10[%dma_start3A_301] : memref<808000xf32, #tpu.memory_space<vmem_shared>> -> memref<808000xf32, #tpu.memory_space<vmem_shared>>
    tpu.enqueue_indirect_dma source(%arg7 : memref<8000xf32, #tpu.memory_space<vmem>>) target(%dma_start3A_302 : memref<808000xf32, #tpu.memory_space<vmem_shared>>) offsets(%arg6 : memref<8000xi32, #tpu.memory_space<vmem>>) semaphore(%arg11 : memref<!tpu.dma_semaphore, #tpu.memory_space<semaphore_mem>>) {add = true}
    %dma_wait3A_303 = arith.constant 0 : i32
    %dma_wait3A_304 = tpu.memref_slice %arg10[%dma_wait3A_303] : memref<808000xf32, #tpu.memory_space<vmem_shared>> -> memref<808000xf32, #tpu.memory_space<vmem_shared>>
    tpu.wait_indirect_dma semaphore(%arg11 : memref<!tpu.dma_semaphore, #tpu.memory_space<semaphore_mem>>) src(%arg7 : memref<8000xf32, #tpu.memory_space<vmem>>) dst(%dma_wait3A_304 : memref<808000xf32, #tpu.memory_space<vmem_shared>>)
    %barrier3A_305 = arith.constant 0 : index
    tpu.barrier barrier_id(%barrier3A_305)
    %mul3A_306 = arith.constant 10 : i32
    %mul3A_307 = arith.muli %arg0, %mul3A_306 : i32
    %add3A_308 = arith.constant 5 : i32
    %add3A_309 = arith.addi %mul3A_307, %add3A_308 : i32
    %mul3A_310 = arith.constant 800000 : i32
    %mul3A_311 = arith.muli %add3A_309, %mul3A_310 : i32
    %mul3A_312 = arith.constant 50000 : i32
    %mul3A_313 = arith.muli %arg1, %mul3A_312 : i32
    %add3A_314 = arith.constant 0 : i32
    %add3A_315 = arith.addi %mul3A_313, %add3A_314 : i32
    "tpu.region"() ({
      %run_scoped3A = tpu.sem_alloc : memref<!tpu.dma_semaphore, #tpu.memory_space<semaphore_mem>>
      %dma_start3A_527 = tpu.memref_slice %arg10[%add3A_315] : memref<808000xf32, #tpu.memory_space<vmem_shared>> -> memref<25000xf32, #tpu.memory_space<vmem_shared>>
      %dma_start3A_528 = tpu.memref_slice %arg10[%add3A_315] : memref<808000xf32, #tpu.memory_space<vmem_shared>> -> memref<25000xf32, #tpu.memory_space<vmem_shared>>
      tpu.enqueue_dma source(%dma_start3A_528 : memref<25000xf32, #tpu.memory_space<vmem_shared>>) target(%arg9 : memref<25000xf32, #tpu.memory_space<vmem>>) target_semaphore(%run_scoped3A : memref<!tpu.dma_semaphore, #tpu.memory_space<semaphore_mem>>)
      %dma_wait3A_529 = tpu.memref_slice %arg10[%add3A_315] : memref<808000xf32, #tpu.memory_space<vmem_shared>> -> memref<25000xf32, #tpu.memory_space<vmem_shared>>
      %dma_wait3A_530 = tpu.memref_slice %arg10[%add3A_315] : memref<808000xf32, #tpu.memory_space<vmem_shared>> -> memref<25000xf32, #tpu.memory_space<vmem_shared>>
      tpu.wait_dma2 semaphore(%run_scoped3A : memref<!tpu.dma_semaphore, #tpu.memory_space<semaphore_mem>>) src(%dma_wait3A_530 : memref<25000xf32, #tpu.memory_space<vmem_shared>>) dst(%arg9 : memref<25000xf32, #tpu.memory_space<vmem>>)
      tpu.yield
    }) : () -> ()
    %add3A_316 = arith.addi %mul3A_311, %add3A_315 : i32
    "tpu.region"() ({
      %run_scoped3A = tpu.sem_alloc : memref<!tpu.dma_semaphore, #tpu.memory_space<semaphore_mem>>
      %dma_start3A_527 = tpu.memref_slice %arg4[%add3A_316] : memref<16000000xf32, #tpu.memory_space<hbm>> -> memref<25000xf32, #tpu.memory_space<hbm>>
      %dma_start3A_528 = tpu.memref_slice %arg4[%add3A_316] : memref<16000000xf32, #tpu.memory_space<hbm>> -> memref<25000xf32, #tpu.memory_space<hbm>>
      tpu.enqueue_dma source(%arg9 : memref<25000xf32, #tpu.memory_space<vmem>>) target(%dma_start3A_528 : memref<25000xf32, #tpu.memory_space<hbm>>) target_semaphore(%run_scoped3A : memref<!tpu.dma_semaphore, #tpu.memory_space<semaphore_mem>>)
      %dma_wait3A_529 = tpu.memref_slice %arg4[%add3A_316] : memref<16000000xf32, #tpu.memory_space<hbm>> -> memref<25000xf32, #tpu.memory_space<hbm>>
      %dma_wait3A_530 = tpu.memref_slice %arg4[%add3A_316] : memref<16000000xf32, #tpu.memory_space<hbm>> -> memref<25000xf32, #tpu.memory_space<hbm>>
      tpu.wait_dma2 semaphore(%run_scoped3A : memref<!tpu.dma_semaphore, #tpu.memory_space<semaphore_mem>>) src(%arg9 : memref<25000xf32, #tpu.memory_space<vmem>>) dst(%dma_wait3A_530 : memref<25000xf32, #tpu.memory_space<hbm>>)
      tpu.yield
    }) : () -> ()
    %mul3A_317 = arith.constant 50000 : i32
    %mul3A_318 = arith.muli %arg1, %mul3A_317 : i32
    %add3A_319 = arith.constant 25000 : i32
    %add3A_320 = arith.addi %mul3A_318, %add3A_319 : i32
    "tpu.region"() ({
      %run_scoped3A = tpu.sem_alloc : memref<!tpu.dma_semaphore, #tpu.memory_space<semaphore_mem>>
      %dma_start3A_527 = tpu.memref_slice %arg10[%add3A_320] : memref<808000xf32, #tpu.memory_space<vmem_shared>> -> memref<25000xf32, #tpu.memory_space<vmem_shared>>
      %dma_start3A_528 = tpu.memref_slice %arg10[%add3A_320] : memref<808000xf32, #tpu.memory_space<vmem_shared>> -> memref<25000xf32, #tpu.memory_space<vmem_shared>>
      tpu.enqueue_dma source(%dma_start3A_528 : memref<25000xf32, #tpu.memory_space<vmem_shared>>) target(%arg9 : memref<25000xf32, #tpu.memory_space<vmem>>) target_semaphore(%run_scoped3A : memref<!tpu.dma_semaphore, #tpu.memory_space<semaphore_mem>>)
      %dma_wait3A_529 = tpu.memref_slice %arg10[%add3A_320] : memref<808000xf32, #tpu.memory_space<vmem_shared>> -> memref<25000xf32, #tpu.memory_space<vmem_shared>>
      %dma_wait3A_530 = tpu.memref_slice %arg10[%add3A_320] : memref<808000xf32, #tpu.memory_space<vmem_shared>> -> memref<25000xf32, #tpu.memory_space<vmem_shared>>
      tpu.wait_dma2 semaphore(%run_scoped3A : memref<!tpu.dma_semaphore, #tpu.memory_space<semaphore_mem>>) src(%dma_wait3A_530 : memref<25000xf32, #tpu.memory_space<vmem_shared>>) dst(%arg9 : memref<25000xf32, #tpu.memory_space<vmem>>)
      tpu.yield
    }) : () -> ()
    %add3A_321 = arith.addi %mul3A_311, %add3A_320 : i32
    "tpu.region"() ({
      %run_scoped3A = tpu.sem_alloc : memref<!tpu.dma_semaphore, #tpu.memory_space<semaphore_mem>>
      %dma_start3A_527 = tpu.memref_slice %arg4[%add3A_321] : memref<16000000xf32, #tpu.memory_space<hbm>> -> memref<25000xf32, #tpu.memory_space<hbm>>
      %dma_start3A_528 = tpu.memref_slice %arg4[%add3A_321] : memref<16000000xf32, #tpu.memory_space<hbm>> -> memref<25000xf32, #tpu.memory_space<hbm>>
      tpu.enqueue_dma source(%arg9 : memref<25000xf32, #tpu.memory_space<vmem>>) target(%dma_start3A_528 : memref<25000xf32, #tpu.memory_space<hbm>>) target_semaphore(%run_scoped3A : memref<!tpu.dma_semaphore, #tpu.memory_space<semaphore_mem>>)
      %dma_wait3A_529 = tpu.memref_slice %arg4[%add3A_321] : memref<16000000xf32, #tpu.memory_space<hbm>> -> memref<25000xf32, #tpu.memory_space<hbm>>
      %dma_wait3A_530 = tpu.memref_slice %arg4[%add3A_321] : memref<16000000xf32, #tpu.memory_space<hbm>> -> memref<25000xf32, #tpu.memory_space<hbm>>
      tpu.wait_dma2 semaphore(%run_scoped3A : memref<!tpu.dma_semaphore, #tpu.memory_space<semaphore_mem>>) src(%arg9 : memref<25000xf32, #tpu.memory_space<vmem>>) dst(%dma_wait3A_530 : memref<25000xf32, #tpu.memory_space<hbm>>)
      tpu.yield
    }) : () -> ()
    %barrier3A_322 = arith.constant 0 : index
    tpu.barrier barrier_id(%barrier3A_322)
    %mul3A_323 = arith.constant 50000 : i32
    %mul3A_324 = arith.muli %arg1, %mul3A_323 : i32
    %add3A_325 = arith.constant 0 : i32
    %add3A_326 = arith.addi %mul3A_324, %add3A_325 : i32
    %dma_start3A_327 = tpu.memref_slice %arg10[%add3A_326] : memref<808000xf32, #tpu.memory_space<vmem_shared>> -> memref<25000xf32, #tpu.memory_space<vmem_shared>>
    %dma_start3A_328 = tpu.memref_slice %arg10[%add3A_326] : memref<808000xf32, #tpu.memory_space<vmem_shared>> -> memref<25000xf32, #tpu.memory_space<vmem_shared>>
    tpu.enqueue_dma source(%arg8 : memref<25000xf32, #tpu.memory_space<vmem>>) target(%dma_start3A_328 : memref<25000xf32, #tpu.memory_space<vmem_shared>>) target_semaphore(%arg12 : memref<!tpu.dma_semaphore, #tpu.memory_space<semaphore_mem>>)
    %mul3A_329 = arith.constant 50000 : i32
    %mul3A_330 = arith.muli %arg1, %mul3A_329 : i32
    %add3A_331 = arith.constant 25000 : i32
    %add3A_332 = arith.addi %mul3A_330, %add3A_331 : i32
    %dma_start3A_333 = tpu.memref_slice %arg10[%add3A_332] : memref<808000xf32, #tpu.memory_space<vmem_shared>> -> memref<25000xf32, #tpu.memory_space<vmem_shared>>
    %dma_start3A_334 = tpu.memref_slice %arg10[%add3A_332] : memref<808000xf32, #tpu.memory_space<vmem_shared>> -> memref<25000xf32, #tpu.memory_space<vmem_shared>>
    tpu.enqueue_dma source(%arg8 : memref<25000xf32, #tpu.memory_space<vmem>>) target(%dma_start3A_334 : memref<25000xf32, #tpu.memory_space<vmem_shared>>) target_semaphore(%arg12 : memref<!tpu.dma_semaphore, #tpu.memory_space<semaphore_mem>>)
    %mul3A_335 = arith.constant 10 : i32
    %mul3A_336 = arith.muli %arg0, %mul3A_335 : i32
    %add3A_337 = arith.constant 6 : i32
    %add3A_338 = arith.addi %mul3A_336, %add3A_337 : i32
    %mul3A_339 = arith.constant 800000 : i32
    %mul3A_340 = arith.muli %add3A_338, %mul3A_339 : i32
    %scan3A_341 = arith.constant 0 : i32
    %scan3A_342 = arith.constant 0 : i32
    %scan3A_343 = arith.constant 500 : i32
    %scan3A_344 = arith.addi %scan3A_342, %scan3A_343 : i32
    %scan3A_345 = arith.constant 1 : i32
    scf.for %scan3A_527 = %scan3A_342 to %scan3A_344 step %scan3A_345  : i32 {
      %mul3A_528 = arith.constant 16 : i32
      %mul3A_529 = arith.muli %scan3A_527, %mul3A_528 : i32
      %get3A = arith.index_cast %mul3A_529 : i32 to index
      %get3A_530 = tpu.vector_load %arg5[%get3A] {strides = array<i32>} : memref<8000xi32, #tpu.memory_space<vmem>>, vector<16xi32>,
      %get3A_531 = vector.shape_cast %get3A_530 : vector<16xi32> to vector<16xi32>
      %sub3A = vector.broadcast %mul3A_340 : i32 to vector<16xi32>
      %sub3A_532 = arith.subi %get3A_531, %sub3A : vector<16xi32>
      %ge3A = arith.constant 0 : i32
      %ge3A_533 = vector.broadcast %ge3A : i32 to vector<16xi32>
      %ge3A_534 = arith.cmpi sge, %sub3A_532, %ge3A_533 : vector<16xi32>
      %lt3A = arith.constant 800000 : i32
      %lt3A_535 = vector.broadcast %lt3A : i32 to vector<16xi32>
      %lt3A_536 = arith.cmpi slt, %sub3A_532, %lt3A_535 : vector<16xi32>
      %and3A = arith.andi %ge3A_534, %lt3A_536 : vector<16xi1>
      %mul3A_537 = arith.constant 16 : i32
      %mul3A_538 = arith.muli %scan3A_527, %mul3A_537 : i32
      %add3A_539 = arith.constant 800000 : i32
      %add3A_540 = arith.addi %add3A_539, %mul3A_538 : i32
      %add3A_541 = vector.broadcast %add3A_540 : i32 to vector<16xi32>
      %add3A_542 = arith.addi %add3A_541, %iota3A : vector<16xi32>
      %select_n3A = arith.select %and3A, %sub3A_532, %add3A_542 : vector<16xi1>, vector<16xi32>
      %swap3A = arith.index_cast %mul3A_529 : i32 to index
      %swap3A_543 = tpu.vector_load %arg6[%swap3A] {strides = array<i32>} : memref<8000xi32, #tpu.memory_space<vmem>>, vector<16xi32>,
      %swap3A_544 = vector.shape_cast %swap3A_543 : vector<16xi32> to vector<16xi32>
      %swap3A_545 = vector.shape_cast %select_n3A : vector<16xi32> to vector<16xi32>
      tpu.vector_store %arg6[%swap3A], %swap3A_545 {strides = array<i32>} : memref<8000xi32, #tpu.memory_space<vmem>>, vector<16xi32>,
    }
    %scan3A_346 = arith.constant 500 : i32
    %dma_wait3A_347 = tpu.memref_slice %arg10[%add3A_326] : memref<808000xf32, #tpu.memory_space<vmem_shared>> -> memref<25000xf32, #tpu.memory_space<vmem_shared>>
    %dma_wait3A_348 = tpu.memref_slice %arg10[%add3A_326] : memref<808000xf32, #tpu.memory_space<vmem_shared>> -> memref<25000xf32, #tpu.memory_space<vmem_shared>>
    tpu.wait_dma2 semaphore(%arg12 : memref<!tpu.dma_semaphore, #tpu.memory_space<semaphore_mem>>) src(%arg8 : memref<25000xf32, #tpu.memory_space<vmem>>) dst(%dma_wait3A_348 : memref<25000xf32, #tpu.memory_space<vmem_shared>>)
    %dma_wait3A_349 = tpu.memref_slice %arg10[%add3A_332] : memref<808000xf32, #tpu.memory_space<vmem_shared>> -> memref<25000xf32, #tpu.memory_space<vmem_shared>>
    %dma_wait3A_350 = tpu.memref_slice %arg10[%add3A_332] : memref<808000xf32, #tpu.memory_space<vmem_shared>> -> memref<25000xf32, #tpu.memory_space<vmem_shared>>
    tpu.wait_dma2 semaphore(%arg12 : memref<!tpu.dma_semaphore, #tpu.memory_space<semaphore_mem>>) src(%arg8 : memref<25000xf32, #tpu.memory_space<vmem>>) dst(%dma_wait3A_350 : memref<25000xf32, #tpu.memory_space<vmem_shared>>)
    %barrier3A_351 = arith.constant 0 : index
    tpu.barrier barrier_id(%barrier3A_351)
    %dma_start3A_352 = arith.constant 0 : i32
    %dma_start3A_353 = tpu.memref_slice %arg10[%dma_start3A_352] : memref<808000xf32, #tpu.memory_space<vmem_shared>> -> memref<808000xf32, #tpu.memory_space<vmem_shared>>
    tpu.enqueue_indirect_dma source(%arg7 : memref<8000xf32, #tpu.memory_space<vmem>>) target(%dma_start3A_353 : memref<808000xf32, #tpu.memory_space<vmem_shared>>) offsets(%arg6 : memref<8000xi32, #tpu.memory_space<vmem>>) semaphore(%arg11 : memref<!tpu.dma_semaphore, #tpu.memory_space<semaphore_mem>>) {add = true}
    %dma_wait3A_354 = arith.constant 0 : i32
    %dma_wait3A_355 = tpu.memref_slice %arg10[%dma_wait3A_354] : memref<808000xf32, #tpu.memory_space<vmem_shared>> -> memref<808000xf32, #tpu.memory_space<vmem_shared>>
    tpu.wait_indirect_dma semaphore(%arg11 : memref<!tpu.dma_semaphore, #tpu.memory_space<semaphore_mem>>) src(%arg7 : memref<8000xf32, #tpu.memory_space<vmem>>) dst(%dma_wait3A_355 : memref<808000xf32, #tpu.memory_space<vmem_shared>>)
    %barrier3A_356 = arith.constant 0 : index
    tpu.barrier barrier_id(%barrier3A_356)
    %mul3A_357 = arith.constant 10 : i32
    %mul3A_358 = arith.muli %arg0, %mul3A_357 : i32
    %add3A_359 = arith.constant 6 : i32
    %add3A_360 = arith.addi %mul3A_358, %add3A_359 : i32
    %mul3A_361 = arith.constant 800000 : i32
    %mul3A_362 = arith.muli %add3A_360, %mul3A_361 : i32
    %mul3A_363 = arith.constant 50000 : i32
    %mul3A_364 = arith.muli %arg1, %mul3A_363 : i32
    %add3A_365 = arith.constant 0 : i32
    %add3A_366 = arith.addi %mul3A_364, %add3A_365 : i32
    "tpu.region"() ({
      %run_scoped3A = tpu.sem_alloc : memref<!tpu.dma_semaphore, #tpu.memory_space<semaphore_mem>>
      %dma_start3A_527 = tpu.memref_slice %arg10[%add3A_366] : memref<808000xf32, #tpu.memory_space<vmem_shared>> -> memref<25000xf32, #tpu.memory_space<vmem_shared>>
      %dma_start3A_528 = tpu.memref_slice %arg10[%add3A_366] : memref<808000xf32, #tpu.memory_space<vmem_shared>> -> memref<25000xf32, #tpu.memory_space<vmem_shared>>
      tpu.enqueue_dma source(%dma_start3A_528 : memref<25000xf32, #tpu.memory_space<vmem_shared>>) target(%arg9 : memref<25000xf32, #tpu.memory_space<vmem>>) target_semaphore(%run_scoped3A : memref<!tpu.dma_semaphore, #tpu.memory_space<semaphore_mem>>)
      %dma_wait3A_529 = tpu.memref_slice %arg10[%add3A_366] : memref<808000xf32, #tpu.memory_space<vmem_shared>> -> memref<25000xf32, #tpu.memory_space<vmem_shared>>
      %dma_wait3A_530 = tpu.memref_slice %arg10[%add3A_366] : memref<808000xf32, #tpu.memory_space<vmem_shared>> -> memref<25000xf32, #tpu.memory_space<vmem_shared>>
      tpu.wait_dma2 semaphore(%run_scoped3A : memref<!tpu.dma_semaphore, #tpu.memory_space<semaphore_mem>>) src(%dma_wait3A_530 : memref<25000xf32, #tpu.memory_space<vmem_shared>>) dst(%arg9 : memref<25000xf32, #tpu.memory_space<vmem>>)
      tpu.yield
    }) : () -> ()
    %add3A_367 = arith.addi %mul3A_362, %add3A_366 : i32
    "tpu.region"() ({
      %run_scoped3A = tpu.sem_alloc : memref<!tpu.dma_semaphore, #tpu.memory_space<semaphore_mem>>
      %dma_start3A_527 = tpu.memref_slice %arg4[%add3A_367] : memref<16000000xf32, #tpu.memory_space<hbm>> -> memref<25000xf32, #tpu.memory_space<hbm>>
      %dma_start3A_528 = tpu.memref_slice %arg4[%add3A_367] : memref<16000000xf32, #tpu.memory_space<hbm>> -> memref<25000xf32, #tpu.memory_space<hbm>>
      tpu.enqueue_dma source(%arg9 : memref<25000xf32, #tpu.memory_space<vmem>>) target(%dma_start3A_528 : memref<25000xf32, #tpu.memory_space<hbm>>) target_semaphore(%run_scoped3A : memref<!tpu.dma_semaphore, #tpu.memory_space<semaphore_mem>>)
      %dma_wait3A_529 = tpu.memref_slice %arg4[%add3A_367] : memref<16000000xf32, #tpu.memory_space<hbm>> -> memref<25000xf32, #tpu.memory_space<hbm>>
      %dma_wait3A_530 = tpu.memref_slice %arg4[%add3A_367] : memref<16000000xf32, #tpu.memory_space<hbm>> -> memref<25000xf32, #tpu.memory_space<hbm>>
      tpu.wait_dma2 semaphore(%run_scoped3A : memref<!tpu.dma_semaphore, #tpu.memory_space<semaphore_mem>>) src(%arg9 : memref<25000xf32, #tpu.memory_space<vmem>>) dst(%dma_wait3A_530 : memref<25000xf32, #tpu.memory_space<hbm>>)
      tpu.yield
    }) : () -> ()
    %mul3A_368 = arith.constant 50000 : i32
    %mul3A_369 = arith.muli %arg1, %mul3A_368 : i32
    %add3A_370 = arith.constant 25000 : i32
    %add3A_371 = arith.addi %mul3A_369, %add3A_370 : i32
    "tpu.region"() ({
      %run_scoped3A = tpu.sem_alloc : memref<!tpu.dma_semaphore, #tpu.memory_space<semaphore_mem>>
      %dma_start3A_527 = tpu.memref_slice %arg10[%add3A_371] : memref<808000xf32, #tpu.memory_space<vmem_shared>> -> memref<25000xf32, #tpu.memory_space<vmem_shared>>
      %dma_start3A_528 = tpu.memref_slice %arg10[%add3A_371] : memref<808000xf32, #tpu.memory_space<vmem_shared>> -> memref<25000xf32, #tpu.memory_space<vmem_shared>>
      tpu.enqueue_dma source(%dma_start3A_528 : memref<25000xf32, #tpu.memory_space<vmem_shared>>) target(%arg9 : memref<25000xf32, #tpu.memory_space<vmem>>) target_semaphore(%run_scoped3A : memref<!tpu.dma_semaphore, #tpu.memory_space<semaphore_mem>>)
      %dma_wait3A_529 = tpu.memref_slice %arg10[%add3A_371] : memref<808000xf32, #tpu.memory_space<vmem_shared>> -> memref<25000xf32, #tpu.memory_space<vmem_shared>>
      %dma_wait3A_530 = tpu.memref_slice %arg10[%add3A_371] : memref<808000xf32, #tpu.memory_space<vmem_shared>> -> memref<25000xf32, #tpu.memory_space<vmem_shared>>
      tpu.wait_dma2 semaphore(%run_scoped3A : memref<!tpu.dma_semaphore, #tpu.memory_space<semaphore_mem>>) src(%dma_wait3A_530 : memref<25000xf32, #tpu.memory_space<vmem_shared>>) dst(%arg9 : memref<25000xf32, #tpu.memory_space<vmem>>)
      tpu.yield
    }) : () -> ()
    %add3A_372 = arith.addi %mul3A_362, %add3A_371 : i32
    "tpu.region"() ({
      %run_scoped3A = tpu.sem_alloc : memref<!tpu.dma_semaphore, #tpu.memory_space<semaphore_mem>>
      %dma_start3A_527 = tpu.memref_slice %arg4[%add3A_372] : memref<16000000xf32, #tpu.memory_space<hbm>> -> memref<25000xf32, #tpu.memory_space<hbm>>
      %dma_start3A_528 = tpu.memref_slice %arg4[%add3A_372] : memref<16000000xf32, #tpu.memory_space<hbm>> -> memref<25000xf32, #tpu.memory_space<hbm>>
      tpu.enqueue_dma source(%arg9 : memref<25000xf32, #tpu.memory_space<vmem>>) target(%dma_start3A_528 : memref<25000xf32, #tpu.memory_space<hbm>>) target_semaphore(%run_scoped3A : memref<!tpu.dma_semaphore, #tpu.memory_space<semaphore_mem>>)
      %dma_wait3A_529 = tpu.memref_slice %arg4[%add3A_372] : memref<16000000xf32, #tpu.memory_space<hbm>> -> memref<25000xf32, #tpu.memory_space<hbm>>
      %dma_wait3A_530 = tpu.memref_slice %arg4[%add3A_372] : memref<16000000xf32, #tpu.memory_space<hbm>> -> memref<25000xf32, #tpu.memory_space<hbm>>
      tpu.wait_dma2 semaphore(%run_scoped3A : memref<!tpu.dma_semaphore, #tpu.memory_space<semaphore_mem>>) src(%arg9 : memref<25000xf32, #tpu.memory_space<vmem>>) dst(%dma_wait3A_530 : memref<25000xf32, #tpu.memory_space<hbm>>)
      tpu.yield
    }) : () -> ()
    %barrier3A_373 = arith.constant 0 : index
    tpu.barrier barrier_id(%barrier3A_373)
    %mul3A_374 = arith.constant 50000 : i32
    %mul3A_375 = arith.muli %arg1, %mul3A_374 : i32
    %add3A_376 = arith.constant 0 : i32
    %add3A_377 = arith.addi %mul3A_375, %add3A_376 : i32
    %dma_start3A_378 = tpu.memref_slice %arg10[%add3A_377] : memref<808000xf32, #tpu.memory_space<vmem_shared>> -> memref<25000xf32, #tpu.memory_space<vmem_shared>>
    %dma_start3A_379 = tpu.memref_slice %arg10[%add3A_377] : memref<808000xf32, #tpu.memory_space<vmem_shared>> -> memref<25000xf32, #tpu.memory_space<vmem_shared>>
    tpu.enqueue_dma source(%arg8 : memref<25000xf32, #tpu.memory_space<vmem>>) target(%dma_start3A_379 : memref<25000xf32, #tpu.memory_space<vmem_shared>>) target_semaphore(%arg12 : memref<!tpu.dma_semaphore, #tpu.memory_space<semaphore_mem>>)
    %mul3A_380 = arith.constant 50000 : i32
    %mul3A_381 = arith.muli %arg1, %mul3A_380 : i32
    %add3A_382 = arith.constant 25000 : i32
    %add3A_383 = arith.addi %mul3A_381, %add3A_382 : i32
    %dma_start3A_384 = tpu.memref_slice %arg10[%add3A_383] : memref<808000xf32, #tpu.memory_space<vmem_shared>> -> memref<25000xf32, #tpu.memory_space<vmem_shared>>
    %dma_start3A_385 = tpu.memref_slice %arg10[%add3A_383] : memref<808000xf32, #tpu.memory_space<vmem_shared>> -> memref<25000xf32, #tpu.memory_space<vmem_shared>>
    tpu.enqueue_dma source(%arg8 : memref<25000xf32, #tpu.memory_space<vmem>>) target(%dma_start3A_385 : memref<25000xf32, #tpu.memory_space<vmem_shared>>) target_semaphore(%arg12 : memref<!tpu.dma_semaphore, #tpu.memory_space<semaphore_mem>>)
    %mul3A_386 = arith.constant 10 : i32
    %mul3A_387 = arith.muli %arg0, %mul3A_386 : i32
    %add3A_388 = arith.constant 7 : i32
    %add3A_389 = arith.addi %mul3A_387, %add3A_388 : i32
    %mul3A_390 = arith.constant 800000 : i32
    %mul3A_391 = arith.muli %add3A_389, %mul3A_390 : i32
    %scan3A_392 = arith.constant 0 : i32
    %scan3A_393 = arith.constant 0 : i32
    %scan3A_394 = arith.constant 500 : i32
    %scan3A_395 = arith.addi %scan3A_393, %scan3A_394 : i32
    %scan3A_396 = arith.constant 1 : i32
    scf.for %scan3A_527 = %scan3A_393 to %scan3A_395 step %scan3A_396  : i32 {
      %mul3A_528 = arith.constant 16 : i32
      %mul3A_529 = arith.muli %scan3A_527, %mul3A_528 : i32
      %get3A = arith.index_cast %mul3A_529 : i32 to index
      %get3A_530 = tpu.vector_load %arg5[%get3A] {strides = array<i32>} : memref<8000xi32, #tpu.memory_space<vmem>>, vector<16xi32>,
      %get3A_531 = vector.shape_cast %get3A_530 : vector<16xi32> to vector<16xi32>
      %sub3A = vector.broadcast %mul3A_391 : i32 to vector<16xi32>
      %sub3A_532 = arith.subi %get3A_531, %sub3A : vector<16xi32>
      %ge3A = arith.constant 0 : i32
      %ge3A_533 = vector.broadcast %ge3A : i32 to vector<16xi32>
      %ge3A_534 = arith.cmpi sge, %sub3A_532, %ge3A_533 : vector<16xi32>
      %lt3A = arith.constant 800000 : i32
      %lt3A_535 = vector.broadcast %lt3A : i32 to vector<16xi32>
      %lt3A_536 = arith.cmpi slt, %sub3A_532, %lt3A_535 : vector<16xi32>
      %and3A = arith.andi %ge3A_534, %lt3A_536 : vector<16xi1>
      %mul3A_537 = arith.constant 16 : i32
      %mul3A_538 = arith.muli %scan3A_527, %mul3A_537 : i32
      %add3A_539 = arith.constant 800000 : i32
      %add3A_540 = arith.addi %add3A_539, %mul3A_538 : i32
      %add3A_541 = vector.broadcast %add3A_540 : i32 to vector<16xi32>
      %add3A_542 = arith.addi %add3A_541, %iota3A : vector<16xi32>
      %select_n3A = arith.select %and3A, %sub3A_532, %add3A_542 : vector<16xi1>, vector<16xi32>
      %swap3A = arith.index_cast %mul3A_529 : i32 to index
      %swap3A_543 = tpu.vector_load %arg6[%swap3A] {strides = array<i32>} : memref<8000xi32, #tpu.memory_space<vmem>>, vector<16xi32>,
      %swap3A_544 = vector.shape_cast %swap3A_543 : vector<16xi32> to vector<16xi32>
      %swap3A_545 = vector.shape_cast %select_n3A : vector<16xi32> to vector<16xi32>
      tpu.vector_store %arg6[%swap3A], %swap3A_545 {strides = array<i32>} : memref<8000xi32, #tpu.memory_space<vmem>>, vector<16xi32>,
    }
    %scan3A_397 = arith.constant 500 : i32
    %dma_wait3A_398 = tpu.memref_slice %arg10[%add3A_377] : memref<808000xf32, #tpu.memory_space<vmem_shared>> -> memref<25000xf32, #tpu.memory_space<vmem_shared>>
    %dma_wait3A_399 = tpu.memref_slice %arg10[%add3A_377] : memref<808000xf32, #tpu.memory_space<vmem_shared>> -> memref<25000xf32, #tpu.memory_space<vmem_shared>>
    tpu.wait_dma2 semaphore(%arg12 : memref<!tpu.dma_semaphore, #tpu.memory_space<semaphore_mem>>) src(%arg8 : memref<25000xf32, #tpu.memory_space<vmem>>) dst(%dma_wait3A_399 : memref<25000xf32, #tpu.memory_space<vmem_shared>>)
    %dma_wait3A_400 = tpu.memref_slice %arg10[%add3A_383] : memref<808000xf32, #tpu.memory_space<vmem_shared>> -> memref<25000xf32, #tpu.memory_space<vmem_shared>>
    %dma_wait3A_401 = tpu.memref_slice %arg10[%add3A_383] : memref<808000xf32, #tpu.memory_space<vmem_shared>> -> memref<25000xf32, #tpu.memory_space<vmem_shared>>
    tpu.wait_dma2 semaphore(%arg12 : memref<!tpu.dma_semaphore, #tpu.memory_space<semaphore_mem>>) src(%arg8 : memref<25000xf32, #tpu.memory_space<vmem>>) dst(%dma_wait3A_401 : memref<25000xf32, #tpu.memory_space<vmem_shared>>)
    %barrier3A_402 = arith.constant 0 : index
    tpu.barrier barrier_id(%barrier3A_402)
    %dma_start3A_403 = arith.constant 0 : i32
    %dma_start3A_404 = tpu.memref_slice %arg10[%dma_start3A_403] : memref<808000xf32, #tpu.memory_space<vmem_shared>> -> memref<808000xf32, #tpu.memory_space<vmem_shared>>
    tpu.enqueue_indirect_dma source(%arg7 : memref<8000xf32, #tpu.memory_space<vmem>>) target(%dma_start3A_404 : memref<808000xf32, #tpu.memory_space<vmem_shared>>) offsets(%arg6 : memref<8000xi32, #tpu.memory_space<vmem>>) semaphore(%arg11 : memref<!tpu.dma_semaphore, #tpu.memory_space<semaphore_mem>>) {add = true}
    %dma_wait3A_405 = arith.constant 0 : i32
    %dma_wait3A_406 = tpu.memref_slice %arg10[%dma_wait3A_405] : memref<808000xf32, #tpu.memory_space<vmem_shared>> -> memref<808000xf32, #tpu.memory_space<vmem_shared>>
    tpu.wait_indirect_dma semaphore(%arg11 : memref<!tpu.dma_semaphore, #tpu.memory_space<semaphore_mem>>) src(%arg7 : memref<8000xf32, #tpu.memory_space<vmem>>) dst(%dma_wait3A_406 : memref<808000xf32, #tpu.memory_space<vmem_shared>>)
    %barrier3A_407 = arith.constant 0 : index
    tpu.barrier barrier_id(%barrier3A_407)
    %mul3A_408 = arith.constant 10 : i32
    %mul3A_409 = arith.muli %arg0, %mul3A_408 : i32
    %add3A_410 = arith.constant 7 : i32
    %add3A_411 = arith.addi %mul3A_409, %add3A_410 : i32
    %mul3A_412 = arith.constant 800000 : i32
    %mul3A_413 = arith.muli %add3A_411, %mul3A_412 : i32
    %mul3A_414 = arith.constant 50000 : i32
    %mul3A_415 = arith.muli %arg1, %mul3A_414 : i32
    %add3A_416 = arith.constant 0 : i32
    %add3A_417 = arith.addi %mul3A_415, %add3A_416 : i32
    "tpu.region"() ({
      %run_scoped3A = tpu.sem_alloc : memref<!tpu.dma_semaphore, #tpu.memory_space<semaphore_mem>>
      %dma_start3A_527 = tpu.memref_slice %arg10[%add3A_417] : memref<808000xf32, #tpu.memory_space<vmem_shared>> -> memref<25000xf32, #tpu.memory_space<vmem_shared>>
      %dma_start3A_528 = tpu.memref_slice %arg10[%add3A_417] : memref<808000xf32, #tpu.memory_space<vmem_shared>> -> memref<25000xf32, #tpu.memory_space<vmem_shared>>
      tpu.enqueue_dma source(%dma_start3A_528 : memref<25000xf32, #tpu.memory_space<vmem_shared>>) target(%arg9 : memref<25000xf32, #tpu.memory_space<vmem>>) target_semaphore(%run_scoped3A : memref<!tpu.dma_semaphore, #tpu.memory_space<semaphore_mem>>)
      %dma_wait3A_529 = tpu.memref_slice %arg10[%add3A_417] : memref<808000xf32, #tpu.memory_space<vmem_shared>> -> memref<25000xf32, #tpu.memory_space<vmem_shared>>
      %dma_wait3A_530 = tpu.memref_slice %arg10[%add3A_417] : memref<808000xf32, #tpu.memory_space<vmem_shared>> -> memref<25000xf32, #tpu.memory_space<vmem_shared>>
      tpu.wait_dma2 semaphore(%run_scoped3A : memref<!tpu.dma_semaphore, #tpu.memory_space<semaphore_mem>>) src(%dma_wait3A_530 : memref<25000xf32, #tpu.memory_space<vmem_shared>>) dst(%arg9 : memref<25000xf32, #tpu.memory_space<vmem>>)
      tpu.yield
    }) : () -> ()
    %add3A_418 = arith.addi %mul3A_413, %add3A_417 : i32
    "tpu.region"() ({
      %run_scoped3A = tpu.sem_alloc : memref<!tpu.dma_semaphore, #tpu.memory_space<semaphore_mem>>
      %dma_start3A_527 = tpu.memref_slice %arg4[%add3A_418] : memref<16000000xf32, #tpu.memory_space<hbm>> -> memref<25000xf32, #tpu.memory_space<hbm>>
      %dma_start3A_528 = tpu.memref_slice %arg4[%add3A_418] : memref<16000000xf32, #tpu.memory_space<hbm>> -> memref<25000xf32, #tpu.memory_space<hbm>>
      tpu.enqueue_dma source(%arg9 : memref<25000xf32, #tpu.memory_space<vmem>>) target(%dma_start3A_528 : memref<25000xf32, #tpu.memory_space<hbm>>) target_semaphore(%run_scoped3A : memref<!tpu.dma_semaphore, #tpu.memory_space<semaphore_mem>>)
      %dma_wait3A_529 = tpu.memref_slice %arg4[%add3A_418] : memref<16000000xf32, #tpu.memory_space<hbm>> -> memref<25000xf32, #tpu.memory_space<hbm>>
      %dma_wait3A_530 = tpu.memref_slice %arg4[%add3A_418] : memref<16000000xf32, #tpu.memory_space<hbm>> -> memref<25000xf32, #tpu.memory_space<hbm>>
      tpu.wait_dma2 semaphore(%run_scoped3A : memref<!tpu.dma_semaphore, #tpu.memory_space<semaphore_mem>>) src(%arg9 : memref<25000xf32, #tpu.memory_space<vmem>>) dst(%dma_wait3A_530 : memref<25000xf32, #tpu.memory_space<hbm>>)
      tpu.yield
    }) : () -> ()
    %mul3A_419 = arith.constant 50000 : i32
    %mul3A_420 = arith.muli %arg1, %mul3A_419 : i32
    %add3A_421 = arith.constant 25000 : i32
    %add3A_422 = arith.addi %mul3A_420, %add3A_421 : i32
    "tpu.region"() ({
      %run_scoped3A = tpu.sem_alloc : memref<!tpu.dma_semaphore, #tpu.memory_space<semaphore_mem>>
      %dma_start3A_527 = tpu.memref_slice %arg10[%add3A_422] : memref<808000xf32, #tpu.memory_space<vmem_shared>> -> memref<25000xf32, #tpu.memory_space<vmem_shared>>
      %dma_start3A_528 = tpu.memref_slice %arg10[%add3A_422] : memref<808000xf32, #tpu.memory_space<vmem_shared>> -> memref<25000xf32, #tpu.memory_space<vmem_shared>>
      tpu.enqueue_dma source(%dma_start3A_528 : memref<25000xf32, #tpu.memory_space<vmem_shared>>) target(%arg9 : memref<25000xf32, #tpu.memory_space<vmem>>) target_semaphore(%run_scoped3A : memref<!tpu.dma_semaphore, #tpu.memory_space<semaphore_mem>>)
      %dma_wait3A_529 = tpu.memref_slice %arg10[%add3A_422] : memref<808000xf32, #tpu.memory_space<vmem_shared>> -> memref<25000xf32, #tpu.memory_space<vmem_shared>>
      %dma_wait3A_530 = tpu.memref_slice %arg10[%add3A_422] : memref<808000xf32, #tpu.memory_space<vmem_shared>> -> memref<25000xf32, #tpu.memory_space<vmem_shared>>
      tpu.wait_dma2 semaphore(%run_scoped3A : memref<!tpu.dma_semaphore, #tpu.memory_space<semaphore_mem>>) src(%dma_wait3A_530 : memref<25000xf32, #tpu.memory_space<vmem_shared>>) dst(%arg9 : memref<25000xf32, #tpu.memory_space<vmem>>)
      tpu.yield
    }) : () -> ()
    %add3A_423 = arith.addi %mul3A_413, %add3A_422 : i32
    "tpu.region"() ({
      %run_scoped3A = tpu.sem_alloc : memref<!tpu.dma_semaphore, #tpu.memory_space<semaphore_mem>>
      %dma_start3A_527 = tpu.memref_slice %arg4[%add3A_423] : memref<16000000xf32, #tpu.memory_space<hbm>> -> memref<25000xf32, #tpu.memory_space<hbm>>
      %dma_start3A_528 = tpu.memref_slice %arg4[%add3A_423] : memref<16000000xf32, #tpu.memory_space<hbm>> -> memref<25000xf32, #tpu.memory_space<hbm>>
      tpu.enqueue_dma source(%arg9 : memref<25000xf32, #tpu.memory_space<vmem>>) target(%dma_start3A_528 : memref<25000xf32, #tpu.memory_space<hbm>>) target_semaphore(%run_scoped3A : memref<!tpu.dma_semaphore, #tpu.memory_space<semaphore_mem>>)
      %dma_wait3A_529 = tpu.memref_slice %arg4[%add3A_423] : memref<16000000xf32, #tpu.memory_space<hbm>> -> memref<25000xf32, #tpu.memory_space<hbm>>
      %dma_wait3A_530 = tpu.memref_slice %arg4[%add3A_423] : memref<16000000xf32, #tpu.memory_space<hbm>> -> memref<25000xf32, #tpu.memory_space<hbm>>
      tpu.wait_dma2 semaphore(%run_scoped3A : memref<!tpu.dma_semaphore, #tpu.memory_space<semaphore_mem>>) src(%arg9 : memref<25000xf32, #tpu.memory_space<vmem>>) dst(%dma_wait3A_530 : memref<25000xf32, #tpu.memory_space<hbm>>)
      tpu.yield
    }) : () -> ()
    %barrier3A_424 = arith.constant 0 : index
    tpu.barrier barrier_id(%barrier3A_424)
    %mul3A_425 = arith.constant 50000 : i32
    %mul3A_426 = arith.muli %arg1, %mul3A_425 : i32
    %add3A_427 = arith.constant 0 : i32
    %add3A_428 = arith.addi %mul3A_426, %add3A_427 : i32
    %dma_start3A_429 = tpu.memref_slice %arg10[%add3A_428] : memref<808000xf32, #tpu.memory_space<vmem_shared>> -> memref<25000xf32, #tpu.memory_space<vmem_shared>>
    %dma_start3A_430 = tpu.memref_slice %arg10[%add3A_428] : memref<808000xf32, #tpu.memory_space<vmem_shared>> -> memref<25000xf32, #tpu.memory_space<vmem_shared>>
    tpu.enqueue_dma source(%arg8 : memref<25000xf32, #tpu.memory_space<vmem>>) target(%dma_start3A_430 : memref<25000xf32, #tpu.memory_space<vmem_shared>>) target_semaphore(%arg12 : memref<!tpu.dma_semaphore, #tpu.memory_space<semaphore_mem>>)
    %mul3A_431 = arith.constant 50000 : i32
    %mul3A_432 = arith.muli %arg1, %mul3A_431 : i32
    %add3A_433 = arith.constant 25000 : i32
    %add3A_434 = arith.addi %mul3A_432, %add3A_433 : i32
    %dma_start3A_435 = tpu.memref_slice %arg10[%add3A_434] : memref<808000xf32, #tpu.memory_space<vmem_shared>> -> memref<25000xf32, #tpu.memory_space<vmem_shared>>
    %dma_start3A_436 = tpu.memref_slice %arg10[%add3A_434] : memref<808000xf32, #tpu.memory_space<vmem_shared>> -> memref<25000xf32, #tpu.memory_space<vmem_shared>>
    tpu.enqueue_dma source(%arg8 : memref<25000xf32, #tpu.memory_space<vmem>>) target(%dma_start3A_436 : memref<25000xf32, #tpu.memory_space<vmem_shared>>) target_semaphore(%arg12 : memref<!tpu.dma_semaphore, #tpu.memory_space<semaphore_mem>>)
    %mul3A_437 = arith.constant 10 : i32
    %mul3A_438 = arith.muli %arg0, %mul3A_437 : i32
    %add3A_439 = arith.constant 8 : i32
    %add3A_440 = arith.addi %mul3A_438, %add3A_439 : i32
    %mul3A_441 = arith.constant 800000 : i32
    %mul3A_442 = arith.muli %add3A_440, %mul3A_441 : i32
    %scan3A_443 = arith.constant 0 : i32
    %scan3A_444 = arith.constant 0 : i32
    %scan3A_445 = arith.constant 500 : i32
    %scan3A_446 = arith.addi %scan3A_444, %scan3A_445 : i32
    %scan3A_447 = arith.constant 1 : i32
    scf.for %scan3A_527 = %scan3A_444 to %scan3A_446 step %scan3A_447  : i32 {
      %mul3A_528 = arith.constant 16 : i32
      %mul3A_529 = arith.muli %scan3A_527, %mul3A_528 : i32
      %get3A = arith.index_cast %mul3A_529 : i32 to index
      %get3A_530 = tpu.vector_load %arg5[%get3A] {strides = array<i32>} : memref<8000xi32, #tpu.memory_space<vmem>>, vector<16xi32>,
      %get3A_531 = vector.shape_cast %get3A_530 : vector<16xi32> to vector<16xi32>
      %sub3A = vector.broadcast %mul3A_442 : i32 to vector<16xi32>
      %sub3A_532 = arith.subi %get3A_531, %sub3A : vector<16xi32>
      %ge3A = arith.constant 0 : i32
      %ge3A_533 = vector.broadcast %ge3A : i32 to vector<16xi32>
      %ge3A_534 = arith.cmpi sge, %sub3A_532, %ge3A_533 : vector<16xi32>
      %lt3A = arith.constant 800000 : i32
      %lt3A_535 = vector.broadcast %lt3A : i32 to vector<16xi32>
      %lt3A_536 = arith.cmpi slt, %sub3A_532, %lt3A_535 : vector<16xi32>
      %and3A = arith.andi %ge3A_534, %lt3A_536 : vector<16xi1>
      %mul3A_537 = arith.constant 16 : i32
      %mul3A_538 = arith.muli %scan3A_527, %mul3A_537 : i32
      %add3A_539 = arith.constant 800000 : i32
      %add3A_540 = arith.addi %add3A_539, %mul3A_538 : i32
      %add3A_541 = vector.broadcast %add3A_540 : i32 to vector<16xi32>
      %add3A_542 = arith.addi %add3A_541, %iota3A : vector<16xi32>
      %select_n3A = arith.select %and3A, %sub3A_532, %add3A_542 : vector<16xi1>, vector<16xi32>
      %swap3A = arith.index_cast %mul3A_529 : i32 to index
      %swap3A_543 = tpu.vector_load %arg6[%swap3A] {strides = array<i32>} : memref<8000xi32, #tpu.memory_space<vmem>>, vector<16xi32>,
      %swap3A_544 = vector.shape_cast %swap3A_543 : vector<16xi32> to vector<16xi32>
      %swap3A_545 = vector.shape_cast %select_n3A : vector<16xi32> to vector<16xi32>
      tpu.vector_store %arg6[%swap3A], %swap3A_545 {strides = array<i32>} : memref<8000xi32, #tpu.memory_space<vmem>>, vector<16xi32>,
    }
    %scan3A_448 = arith.constant 500 : i32
    %dma_wait3A_449 = tpu.memref_slice %arg10[%add3A_428] : memref<808000xf32, #tpu.memory_space<vmem_shared>> -> memref<25000xf32, #tpu.memory_space<vmem_shared>>
    %dma_wait3A_450 = tpu.memref_slice %arg10[%add3A_428] : memref<808000xf32, #tpu.memory_space<vmem_shared>> -> memref<25000xf32, #tpu.memory_space<vmem_shared>>
    tpu.wait_dma2 semaphore(%arg12 : memref<!tpu.dma_semaphore, #tpu.memory_space<semaphore_mem>>) src(%arg8 : memref<25000xf32, #tpu.memory_space<vmem>>) dst(%dma_wait3A_450 : memref<25000xf32, #tpu.memory_space<vmem_shared>>)
    %dma_wait3A_451 = tpu.memref_slice %arg10[%add3A_434] : memref<808000xf32, #tpu.memory_space<vmem_shared>> -> memref<25000xf32, #tpu.memory_space<vmem_shared>>
    %dma_wait3A_452 = tpu.memref_slice %arg10[%add3A_434] : memref<808000xf32, #tpu.memory_space<vmem_shared>> -> memref<25000xf32, #tpu.memory_space<vmem_shared>>
    tpu.wait_dma2 semaphore(%arg12 : memref<!tpu.dma_semaphore, #tpu.memory_space<semaphore_mem>>) src(%arg8 : memref<25000xf32, #tpu.memory_space<vmem>>) dst(%dma_wait3A_452 : memref<25000xf32, #tpu.memory_space<vmem_shared>>)
    %barrier3A_453 = arith.constant 0 : index
    tpu.barrier barrier_id(%barrier3A_453)
    %dma_start3A_454 = arith.constant 0 : i32
    %dma_start3A_455 = tpu.memref_slice %arg10[%dma_start3A_454] : memref<808000xf32, #tpu.memory_space<vmem_shared>> -> memref<808000xf32, #tpu.memory_space<vmem_shared>>
    tpu.enqueue_indirect_dma source(%arg7 : memref<8000xf32, #tpu.memory_space<vmem>>) target(%dma_start3A_455 : memref<808000xf32, #tpu.memory_space<vmem_shared>>) offsets(%arg6 : memref<8000xi32, #tpu.memory_space<vmem>>) semaphore(%arg11 : memref<!tpu.dma_semaphore, #tpu.memory_space<semaphore_mem>>) {add = true}
    %dma_wait3A_456 = arith.constant 0 : i32
    %dma_wait3A_457 = tpu.memref_slice %arg10[%dma_wait3A_456] : memref<808000xf32, #tpu.memory_space<vmem_shared>> -> memref<808000xf32, #tpu.memory_space<vmem_shared>>
    tpu.wait_indirect_dma semaphore(%arg11 : memref<!tpu.dma_semaphore, #tpu.memory_space<semaphore_mem>>) src(%arg7 : memref<8000xf32, #tpu.memory_space<vmem>>) dst(%dma_wait3A_457 : memref<808000xf32, #tpu.memory_space<vmem_shared>>)
    %barrier3A_458 = arith.constant 0 : index
    tpu.barrier barrier_id(%barrier3A_458)
    %mul3A_459 = arith.constant 10 : i32
    %mul3A_460 = arith.muli %arg0, %mul3A_459 : i32
    %add3A_461 = arith.constant 8 : i32
    %add3A_462 = arith.addi %mul3A_460, %add3A_461 : i32
    %mul3A_463 = arith.constant 800000 : i32
    %mul3A_464 = arith.muli %add3A_462, %mul3A_463 : i32
    %mul3A_465 = arith.constant 50000 : i32
    %mul3A_466 = arith.muli %arg1, %mul3A_465 : i32
    %add3A_467 = arith.constant 0 : i32
    %add3A_468 = arith.addi %mul3A_466, %add3A_467 : i32
    "tpu.region"() ({
      %run_scoped3A = tpu.sem_alloc : memref<!tpu.dma_semaphore, #tpu.memory_space<semaphore_mem>>
      %dma_start3A_527 = tpu.memref_slice %arg10[%add3A_468] : memref<808000xf32, #tpu.memory_space<vmem_shared>> -> memref<25000xf32, #tpu.memory_space<vmem_shared>>
      %dma_start3A_528 = tpu.memref_slice %arg10[%add3A_468] : memref<808000xf32, #tpu.memory_space<vmem_shared>> -> memref<25000xf32, #tpu.memory_space<vmem_shared>>
      tpu.enqueue_dma source(%dma_start3A_528 : memref<25000xf32, #tpu.memory_space<vmem_shared>>) target(%arg9 : memref<25000xf32, #tpu.memory_space<vmem>>) target_semaphore(%run_scoped3A : memref<!tpu.dma_semaphore, #tpu.memory_space<semaphore_mem>>)
      %dma_wait3A_529 = tpu.memref_slice %arg10[%add3A_468] : memref<808000xf32, #tpu.memory_space<vmem_shared>> -> memref<25000xf32, #tpu.memory_space<vmem_shared>>
      %dma_wait3A_530 = tpu.memref_slice %arg10[%add3A_468] : memref<808000xf32, #tpu.memory_space<vmem_shared>> -> memref<25000xf32, #tpu.memory_space<vmem_shared>>
      tpu.wait_dma2 semaphore(%run_scoped3A : memref<!tpu.dma_semaphore, #tpu.memory_space<semaphore_mem>>) src(%dma_wait3A_530 : memref<25000xf32, #tpu.memory_space<vmem_shared>>) dst(%arg9 : memref<25000xf32, #tpu.memory_space<vmem>>)
      tpu.yield
    }) : () -> ()
    %add3A_469 = arith.addi %mul3A_464, %add3A_468 : i32
    "tpu.region"() ({
      %run_scoped3A = tpu.sem_alloc : memref<!tpu.dma_semaphore, #tpu.memory_space<semaphore_mem>>
      %dma_start3A_527 = tpu.memref_slice %arg4[%add3A_469] : memref<16000000xf32, #tpu.memory_space<hbm>> -> memref<25000xf32, #tpu.memory_space<hbm>>
      %dma_start3A_528 = tpu.memref_slice %arg4[%add3A_469] : memref<16000000xf32, #tpu.memory_space<hbm>> -> memref<25000xf32, #tpu.memory_space<hbm>>
      tpu.enqueue_dma source(%arg9 : memref<25000xf32, #tpu.memory_space<vmem>>) target(%dma_start3A_528 : memref<25000xf32, #tpu.memory_space<hbm>>) target_semaphore(%run_scoped3A : memref<!tpu.dma_semaphore, #tpu.memory_space<semaphore_mem>>)
      %dma_wait3A_529 = tpu.memref_slice %arg4[%add3A_469] : memref<16000000xf32, #tpu.memory_space<hbm>> -> memref<25000xf32, #tpu.memory_space<hbm>>
      %dma_wait3A_530 = tpu.memref_slice %arg4[%add3A_469] : memref<16000000xf32, #tpu.memory_space<hbm>> -> memref<25000xf32, #tpu.memory_space<hbm>>
      tpu.wait_dma2 semaphore(%run_scoped3A : memref<!tpu.dma_semaphore, #tpu.memory_space<semaphore_mem>>) src(%arg9 : memref<25000xf32, #tpu.memory_space<vmem>>) dst(%dma_wait3A_530 : memref<25000xf32, #tpu.memory_space<hbm>>)
      tpu.yield
    }) : () -> ()
    %mul3A_470 = arith.constant 50000 : i32
    %mul3A_471 = arith.muli %arg1, %mul3A_470 : i32
    %add3A_472 = arith.constant 25000 : i32
    %add3A_473 = arith.addi %mul3A_471, %add3A_472 : i32
    "tpu.region"() ({
      %run_scoped3A = tpu.sem_alloc : memref<!tpu.dma_semaphore, #tpu.memory_space<semaphore_mem>>
      %dma_start3A_527 = tpu.memref_slice %arg10[%add3A_473] : memref<808000xf32, #tpu.memory_space<vmem_shared>> -> memref<25000xf32, #tpu.memory_space<vmem_shared>>
      %dma_start3A_528 = tpu.memref_slice %arg10[%add3A_473] : memref<808000xf32, #tpu.memory_space<vmem_shared>> -> memref<25000xf32, #tpu.memory_space<vmem_shared>>
      tpu.enqueue_dma source(%dma_start3A_528 : memref<25000xf32, #tpu.memory_space<vmem_shared>>) target(%arg9 : memref<25000xf32, #tpu.memory_space<vmem>>) target_semaphore(%run_scoped3A : memref<!tpu.dma_semaphore, #tpu.memory_space<semaphore_mem>>)
      %dma_wait3A_529 = tpu.memref_slice %arg10[%add3A_473] : memref<808000xf32, #tpu.memory_space<vmem_shared>> -> memref<25000xf32, #tpu.memory_space<vmem_shared>>
      %dma_wait3A_530 = tpu.memref_slice %arg10[%add3A_473] : memref<808000xf32, #tpu.memory_space<vmem_shared>> -> memref<25000xf32, #tpu.memory_space<vmem_shared>>
      tpu.wait_dma2 semaphore(%run_scoped3A : memref<!tpu.dma_semaphore, #tpu.memory_space<semaphore_mem>>) src(%dma_wait3A_530 : memref<25000xf32, #tpu.memory_space<vmem_shared>>) dst(%arg9 : memref<25000xf32, #tpu.memory_space<vmem>>)
      tpu.yield
    }) : () -> ()
    %add3A_474 = arith.addi %mul3A_464, %add3A_473 : i32
    "tpu.region"() ({
      %run_scoped3A = tpu.sem_alloc : memref<!tpu.dma_semaphore, #tpu.memory_space<semaphore_mem>>
      %dma_start3A_527 = tpu.memref_slice %arg4[%add3A_474] : memref<16000000xf32, #tpu.memory_space<hbm>> -> memref<25000xf32, #tpu.memory_space<hbm>>
      %dma_start3A_528 = tpu.memref_slice %arg4[%add3A_474] : memref<16000000xf32, #tpu.memory_space<hbm>> -> memref<25000xf32, #tpu.memory_space<hbm>>
      tpu.enqueue_dma source(%arg9 : memref<25000xf32, #tpu.memory_space<vmem>>) target(%dma_start3A_528 : memref<25000xf32, #tpu.memory_space<hbm>>) target_semaphore(%run_scoped3A : memref<!tpu.dma_semaphore, #tpu.memory_space<semaphore_mem>>)
      %dma_wait3A_529 = tpu.memref_slice %arg4[%add3A_474] : memref<16000000xf32, #tpu.memory_space<hbm>> -> memref<25000xf32, #tpu.memory_space<hbm>>
      %dma_wait3A_530 = tpu.memref_slice %arg4[%add3A_474] : memref<16000000xf32, #tpu.memory_space<hbm>> -> memref<25000xf32, #tpu.memory_space<hbm>>
      tpu.wait_dma2 semaphore(%run_scoped3A : memref<!tpu.dma_semaphore, #tpu.memory_space<semaphore_mem>>) src(%arg9 : memref<25000xf32, #tpu.memory_space<vmem>>) dst(%dma_wait3A_530 : memref<25000xf32, #tpu.memory_space<hbm>>)
      tpu.yield
    }) : () -> ()
    %barrier3A_475 = arith.constant 0 : index
    tpu.barrier barrier_id(%barrier3A_475)
    %mul3A_476 = arith.constant 50000 : i32
    %mul3A_477 = arith.muli %arg1, %mul3A_476 : i32
    %add3A_478 = arith.constant 0 : i32
    %add3A_479 = arith.addi %mul3A_477, %add3A_478 : i32
    %dma_start3A_480 = tpu.memref_slice %arg10[%add3A_479] : memref<808000xf32, #tpu.memory_space<vmem_shared>> -> memref<25000xf32, #tpu.memory_space<vmem_shared>>
    %dma_start3A_481 = tpu.memref_slice %arg10[%add3A_479] : memref<808000xf32, #tpu.memory_space<vmem_shared>> -> memref<25000xf32, #tpu.memory_space<vmem_shared>>
    tpu.enqueue_dma source(%arg8 : memref<25000xf32, #tpu.memory_space<vmem>>) target(%dma_start3A_481 : memref<25000xf32, #tpu.memory_space<vmem_shared>>) target_semaphore(%arg12 : memref<!tpu.dma_semaphore, #tpu.memory_space<semaphore_mem>>)
    %mul3A_482 = arith.constant 50000 : i32
    %mul3A_483 = arith.muli %arg1, %mul3A_482 : i32
    %add3A_484 = arith.constant 25000 : i32
    %add3A_485 = arith.addi %mul3A_483, %add3A_484 : i32
    %dma_start3A_486 = tpu.memref_slice %arg10[%add3A_485] : memref<808000xf32, #tpu.memory_space<vmem_shared>> -> memref<25000xf32, #tpu.memory_space<vmem_shared>>
    %dma_start3A_487 = tpu.memref_slice %arg10[%add3A_485] : memref<808000xf32, #tpu.memory_space<vmem_shared>> -> memref<25000xf32, #tpu.memory_space<vmem_shared>>
    tpu.enqueue_dma source(%arg8 : memref<25000xf32, #tpu.memory_space<vmem>>) target(%dma_start3A_487 : memref<25000xf32, #tpu.memory_space<vmem_shared>>) target_semaphore(%arg12 : memref<!tpu.dma_semaphore, #tpu.memory_space<semaphore_mem>>)
    %mul3A_488 = arith.constant 10 : i32
    %mul3A_489 = arith.muli %arg0, %mul3A_488 : i32
    %add3A_490 = arith.constant 9 : i32
    %add3A_491 = arith.addi %mul3A_489, %add3A_490 : i32
    %mul3A_492 = arith.constant 800000 : i32
    %mul3A_493 = arith.muli %add3A_491, %mul3A_492 : i32
    %scan3A_494 = arith.constant 0 : i32
    %scan3A_495 = arith.constant 0 : i32
    %scan3A_496 = arith.constant 500 : i32
    %scan3A_497 = arith.addi %scan3A_495, %scan3A_496 : i32
    %scan3A_498 = arith.constant 1 : i32
    scf.for %scan3A_527 = %scan3A_495 to %scan3A_497 step %scan3A_498  : i32 {
      %mul3A_528 = arith.constant 16 : i32
      %mul3A_529 = arith.muli %scan3A_527, %mul3A_528 : i32
      %get3A = arith.index_cast %mul3A_529 : i32 to index
      %get3A_530 = tpu.vector_load %arg5[%get3A] {strides = array<i32>} : memref<8000xi32, #tpu.memory_space<vmem>>, vector<16xi32>,
      %get3A_531 = vector.shape_cast %get3A_530 : vector<16xi32> to vector<16xi32>
      %sub3A = vector.broadcast %mul3A_493 : i32 to vector<16xi32>
      %sub3A_532 = arith.subi %get3A_531, %sub3A : vector<16xi32>
      %ge3A = arith.constant 0 : i32
      %ge3A_533 = vector.broadcast %ge3A : i32 to vector<16xi32>
      %ge3A_534 = arith.cmpi sge, %sub3A_532, %ge3A_533 : vector<16xi32>
      %lt3A = arith.constant 800000 : i32
      %lt3A_535 = vector.broadcast %lt3A : i32 to vector<16xi32>
      %lt3A_536 = arith.cmpi slt, %sub3A_532, %lt3A_535 : vector<16xi32>
      %and3A = arith.andi %ge3A_534, %lt3A_536 : vector<16xi1>
      %mul3A_537 = arith.constant 16 : i32
      %mul3A_538 = arith.muli %scan3A_527, %mul3A_537 : i32
      %add3A_539 = arith.constant 800000 : i32
      %add3A_540 = arith.addi %add3A_539, %mul3A_538 : i32
      %add3A_541 = vector.broadcast %add3A_540 : i32 to vector<16xi32>
      %add3A_542 = arith.addi %add3A_541, %iota3A : vector<16xi32>
      %select_n3A = arith.select %and3A, %sub3A_532, %add3A_542 : vector<16xi1>, vector<16xi32>
      %swap3A = arith.index_cast %mul3A_529 : i32 to index
      %swap3A_543 = tpu.vector_load %arg6[%swap3A] {strides = array<i32>} : memref<8000xi32, #tpu.memory_space<vmem>>, vector<16xi32>,
      %swap3A_544 = vector.shape_cast %swap3A_543 : vector<16xi32> to vector<16xi32>
      %swap3A_545 = vector.shape_cast %select_n3A : vector<16xi32> to vector<16xi32>
      tpu.vector_store %arg6[%swap3A], %swap3A_545 {strides = array<i32>} : memref<8000xi32, #tpu.memory_space<vmem>>, vector<16xi32>,
    }
    %scan3A_499 = arith.constant 500 : i32
    %dma_wait3A_500 = tpu.memref_slice %arg10[%add3A_479] : memref<808000xf32, #tpu.memory_space<vmem_shared>> -> memref<25000xf32, #tpu.memory_space<vmem_shared>>
    %dma_wait3A_501 = tpu.memref_slice %arg10[%add3A_479] : memref<808000xf32, #tpu.memory_space<vmem_shared>> -> memref<25000xf32, #tpu.memory_space<vmem_shared>>
    tpu.wait_dma2 semaphore(%arg12 : memref<!tpu.dma_semaphore, #tpu.memory_space<semaphore_mem>>) src(%arg8 : memref<25000xf32, #tpu.memory_space<vmem>>) dst(%dma_wait3A_501 : memref<25000xf32, #tpu.memory_space<vmem_shared>>)
    %dma_wait3A_502 = tpu.memref_slice %arg10[%add3A_485] : memref<808000xf32, #tpu.memory_space<vmem_shared>> -> memref<25000xf32, #tpu.memory_space<vmem_shared>>
    %dma_wait3A_503 = tpu.memref_slice %arg10[%add3A_485] : memref<808000xf32, #tpu.memory_space<vmem_shared>> -> memref<25000xf32, #tpu.memory_space<vmem_shared>>
    tpu.wait_dma2 semaphore(%arg12 : memref<!tpu.dma_semaphore, #tpu.memory_space<semaphore_mem>>) src(%arg8 : memref<25000xf32, #tpu.memory_space<vmem>>) dst(%dma_wait3A_503 : memref<25000xf32, #tpu.memory_space<vmem_shared>>)
    %barrier3A_504 = arith.constant 0 : index
    tpu.barrier barrier_id(%barrier3A_504)
    %dma_start3A_505 = arith.constant 0 : i32
    %dma_start3A_506 = tpu.memref_slice %arg10[%dma_start3A_505] : memref<808000xf32, #tpu.memory_space<vmem_shared>> -> memref<808000xf32, #tpu.memory_space<vmem_shared>>
    tpu.enqueue_indirect_dma source(%arg7 : memref<8000xf32, #tpu.memory_space<vmem>>) target(%dma_start3A_506 : memref<808000xf32, #tpu.memory_space<vmem_shared>>) offsets(%arg6 : memref<8000xi32, #tpu.memory_space<vmem>>) semaphore(%arg11 : memref<!tpu.dma_semaphore, #tpu.memory_space<semaphore_mem>>) {add = true}
    %dma_wait3A_507 = arith.constant 0 : i32
    %dma_wait3A_508 = tpu.memref_slice %arg10[%dma_wait3A_507] : memref<808000xf32, #tpu.memory_space<vmem_shared>> -> memref<808000xf32, #tpu.memory_space<vmem_shared>>
    tpu.wait_indirect_dma semaphore(%arg11 : memref<!tpu.dma_semaphore, #tpu.memory_space<semaphore_mem>>) src(%arg7 : memref<8000xf32, #tpu.memory_space<vmem>>) dst(%dma_wait3A_508 : memref<808000xf32, #tpu.memory_space<vmem_shared>>)
    %barrier3A_509 = arith.constant 0 : index
    tpu.barrier barrier_id(%barrier3A_509)
    %mul3A_510 = arith.constant 10 : i32
    %mul3A_511 = arith.muli %arg0, %mul3A_510 : i32
    %add3A_512 = arith.constant 9 : i32
    %add3A_513 = arith.addi %mul3A_511, %add3A_512 : i32
    %mul3A_514 = arith.constant 800000 : i32
    %mul3A_515 = arith.muli %add3A_513, %mul3A_514 : i32
    %mul3A_516 = arith.constant 50000 : i32
    %mul3A_517 = arith.muli %arg1, %mul3A_516 : i32
    %add3A_518 = arith.constant 0 : i32
    %add3A_519 = arith.addi %mul3A_517, %add3A_518 : i32
    "tpu.region"() ({
      %run_scoped3A = tpu.sem_alloc : memref<!tpu.dma_semaphore, #tpu.memory_space<semaphore_mem>>
      %dma_start3A_527 = tpu.memref_slice %arg10[%add3A_519] : memref<808000xf32, #tpu.memory_space<vmem_shared>> -> memref<25000xf32, #tpu.memory_space<vmem_shared>>
      %dma_start3A_528 = tpu.memref_slice %arg10[%add3A_519] : memref<808000xf32, #tpu.memory_space<vmem_shared>> -> memref<25000xf32, #tpu.memory_space<vmem_shared>>
      tpu.enqueue_dma source(%dma_start3A_528 : memref<25000xf32, #tpu.memory_space<vmem_shared>>) target(%arg9 : memref<25000xf32, #tpu.memory_space<vmem>>) target_semaphore(%run_scoped3A : memref<!tpu.dma_semaphore, #tpu.memory_space<semaphore_mem>>)
      %dma_wait3A_529 = tpu.memref_slice %arg10[%add3A_519] : memref<808000xf32, #tpu.memory_space<vmem_shared>> -> memref<25000xf32, #tpu.memory_space<vmem_shared>>
      %dma_wait3A_530 = tpu.memref_slice %arg10[%add3A_519] : memref<808000xf32, #tpu.memory_space<vmem_shared>> -> memref<25000xf32, #tpu.memory_space<vmem_shared>>
      tpu.wait_dma2 semaphore(%run_scoped3A : memref<!tpu.dma_semaphore, #tpu.memory_space<semaphore_mem>>) src(%dma_wait3A_530 : memref<25000xf32, #tpu.memory_space<vmem_shared>>) dst(%arg9 : memref<25000xf32, #tpu.memory_space<vmem>>)
      tpu.yield
    }) : () -> ()
    %add3A_520 = arith.addi %mul3A_515, %add3A_519 : i32
    "tpu.region"() ({
      %run_scoped3A = tpu.sem_alloc : memref<!tpu.dma_semaphore, #tpu.memory_space<semaphore_mem>>
      %dma_start3A_527 = tpu.memref_slice %arg4[%add3A_520] : memref<16000000xf32, #tpu.memory_space<hbm>> -> memref<25000xf32, #tpu.memory_space<hbm>>
      %dma_start3A_528 = tpu.memref_slice %arg4[%add3A_520] : memref<16000000xf32, #tpu.memory_space<hbm>> -> memref<25000xf32, #tpu.memory_space<hbm>>
      tpu.enqueue_dma source(%arg9 : memref<25000xf32, #tpu.memory_space<vmem>>) target(%dma_start3A_528 : memref<25000xf32, #tpu.memory_space<hbm>>) target_semaphore(%run_scoped3A : memref<!tpu.dma_semaphore, #tpu.memory_space<semaphore_mem>>)
      %dma_wait3A_529 = tpu.memref_slice %arg4[%add3A_520] : memref<16000000xf32, #tpu.memory_space<hbm>> -> memref<25000xf32, #tpu.memory_space<hbm>>
      %dma_wait3A_530 = tpu.memref_slice %arg4[%add3A_520] : memref<16000000xf32, #tpu.memory_space<hbm>> -> memref<25000xf32, #tpu.memory_space<hbm>>
      tpu.wait_dma2 semaphore(%run_scoped3A : memref<!tpu.dma_semaphore, #tpu.memory_space<semaphore_mem>>) src(%arg9 : memref<25000xf32, #tpu.memory_space<vmem>>) dst(%dma_wait3A_530 : memref<25000xf32, #tpu.memory_space<hbm>>)
      tpu.yield
    }) : () -> ()
    %mul3A_521 = arith.constant 50000 : i32
    %mul3A_522 = arith.muli %arg1, %mul3A_521 : i32
    %add3A_523 = arith.constant 25000 : i32
    %add3A_524 = arith.addi %mul3A_522, %add3A_523 : i32
    "tpu.region"() ({
      %run_scoped3A = tpu.sem_alloc : memref<!tpu.dma_semaphore, #tpu.memory_space<semaphore_mem>>
      %dma_start3A_527 = tpu.memref_slice %arg10[%add3A_524] : memref<808000xf32, #tpu.memory_space<vmem_shared>> -> memref<25000xf32, #tpu.memory_space<vmem_shared>>
      %dma_start3A_528 = tpu.memref_slice %arg10[%add3A_524] : memref<808000xf32, #tpu.memory_space<vmem_shared>> -> memref<25000xf32, #tpu.memory_space<vmem_shared>>
      tpu.enqueue_dma source(%dma_start3A_528 : memref<25000xf32, #tpu.memory_space<vmem_shared>>) target(%arg9 : memref<25000xf32, #tpu.memory_space<vmem>>) target_semaphore(%run_scoped3A : memref<!tpu.dma_semaphore, #tpu.memory_space<semaphore_mem>>)
      %dma_wait3A_529 = tpu.memref_slice %arg10[%add3A_524] : memref<808000xf32, #tpu.memory_space<vmem_shared>> -> memref<25000xf32, #tpu.memory_space<vmem_shared>>
      %dma_wait3A_530 = tpu.memref_slice %arg10[%add3A_524] : memref<808000xf32, #tpu.memory_space<vmem_shared>> -> memref<25000xf32, #tpu.memory_space<vmem_shared>>
      tpu.wait_dma2 semaphore(%run_scoped3A : memref<!tpu.dma_semaphore, #tpu.memory_space<semaphore_mem>>) src(%dma_wait3A_530 : memref<25000xf32, #tpu.memory_space<vmem_shared>>) dst(%arg9 : memref<25000xf32, #tpu.memory_space<vmem>>)
      tpu.yield
    }) : () -> ()
    %add3A_525 = arith.addi %mul3A_515, %add3A_524 : i32
    "tpu.region"() ({
      %run_scoped3A = tpu.sem_alloc : memref<!tpu.dma_semaphore, #tpu.memory_space<semaphore_mem>>
      %dma_start3A_527 = tpu.memref_slice %arg4[%add3A_525] : memref<16000000xf32, #tpu.memory_space<hbm>> -> memref<25000xf32, #tpu.memory_space<hbm>>
      %dma_start3A_528 = tpu.memref_slice %arg4[%add3A_525] : memref<16000000xf32, #tpu.memory_space<hbm>> -> memref<25000xf32, #tpu.memory_space<hbm>>
      tpu.enqueue_dma source(%arg9 : memref<25000xf32, #tpu.memory_space<vmem>>) target(%dma_start3A_528 : memref<25000xf32, #tpu.memory_space<hbm>>) target_semaphore(%run_scoped3A : memref<!tpu.dma_semaphore, #tpu.memory_space<semaphore_mem>>)
      %dma_wait3A_529 = tpu.memref_slice %arg4[%add3A_525] : memref<16000000xf32, #tpu.memory_space<hbm>> -> memref<25000xf32, #tpu.memory_space<hbm>>
      %dma_wait3A_530 = tpu.memref_slice %arg4[%add3A_525] : memref<16000000xf32, #tpu.memory_space<hbm>> -> memref<25000xf32, #tpu.memory_space<hbm>>
      tpu.wait_dma2 semaphore(%run_scoped3A : memref<!tpu.dma_semaphore, #tpu.memory_space<semaphore_mem>>) src(%arg9 : memref<25000xf32, #tpu.memory_space<vmem>>) dst(%dma_wait3A_530 : memref<25000xf32, #tpu.memory_space<hbm>>)
      tpu.yield
    }) : () -> ()
    %barrier3A_526 = arith.constant 0 : index
    tpu.barrier barrier_id(%barrier3A_526)
    return
  }
}

module attributes {stable_mosaic.version = 14 : i64} {
  func.func @_gcn_body(%arg0: i32, %arg1: i32, %arg2: memref<800x2000xf32, #tpu.memory_space<vmem>>, %arg3: memref<200x256xf32, #tpu.memory_space<vmem>>, %arg4: memref<800x256xf32, #tpu.memory_space<vmem>>, %arg5: memref<2000x256xf32, #tpu.memory_space<vmem>>, %arg6: memref<8000x256xf32, #tpu.memory_space<vmem>>, %arg7: memref<2000x1xf32, #tpu.memory_space<vmem>>, %arg8: memref<8000x1xf32, #tpu.memory_space<vmem>>, %arg9: memref<2000x256xf32, #tpu.memory_space<vmem>>, %arg10: memref<8000x256xf32, #tpu.memory_space<vmem>>, %arg11: memref<2000x256xf32, #tpu.memory_space<vmem>>, %arg12: memref<8000x256xf32, #tpu.memory_space<vmem>>) attributes {dimension_semantics = [#tpu.dimension_semantics<arbitrary>, #tpu.dimension_semantics<arbitrary>], iteration_bounds = array<i64: 4, 10>, scalar_prefetch = 0 : i64, scratch_operands = 6 : i64, tpu.core_type = #tpu.core_type<tc>, window_params = [{transform_indices = @transform_0, window_bounds = array<i64: 800, 2000>}, {transform_indices = @transform_1, window_bounds = array<i64: 200, 256>}, {transform_indices = @transform_2, window_bounds = array<i64: 800, 256>}, {pipeline_mode = #tpu.pipeline_mode<synchronous>, transform_indices = @transform_3, window_bounds = array<i64: 2000, 256>}, {pipeline_mode = #tpu.pipeline_mode<synchronous>, transform_indices = @transform_4, window_bounds = array<i64: 8000, 256>}]} {
    %get3A = arith.constant 0 : index
    %get3A_0 = arith.constant 0 : index
    %get3A_1 = vector.load %arg2[%get3A, %get3A_0] : memref<800x2000xf32, #tpu.memory_space<vmem>>, vector<800x2000xf32>
    %min3A = arith.constant 1.000000e+00 : f32
    %min3A_2 = vector.broadcast %min3A : f32 to vector<800x2000xf32>
    %min3A_3 = arith.minimumf %get3A_1, %min3A_2 : vector<800x2000xf32>
    %mul3A = arith.constant 800 : i32
    %mul3A_4 = arith.muli %arg1, %mul3A : i32
    %eq3A = arith.constant 0 : i32
    %eq3A_5 = arith.cmpi eq, %arg0, %eq3A : i32
    %convert_element_type3A = arith.extui %eq3A_5 : i1 to i32
    %cond3A = arith.constant 0 : i32
    %cond3A_6 = arith.cmpi ne, %convert_element_type3A, %cond3A : i32
    scf.if %cond3A_6 {
      %broadcast_in_dim3A = arith.constant 1.000000e+00 : f32
      %broadcast_in_dim3A_34 = vector.broadcast %broadcast_in_dim3A : f32 to vector<2000x1xf32>
      %dot_general3A = arith.constant dense<0.000000e+00> : vector<800x1xf32>
      %dot_general3A_35 = tpu.matmul %min3A_3, %broadcast_in_dim3A_34, %dot_general3A {dimension_numbers = #tpu.dot_dimension_numbers<[1], [0], [0], [1], [0, 0, 1, 1], [], []>, transpose_lhs_hint = false} : vector<800x2000xf32>, vector<2000x1xf32>, vector<800x1xf32> -> vector<800x1xf32>
      %swap3A = arith.index_cast %mul3A_4 : i32 to index
      %swap3A_36 = arith.constant 0 : index
      %swap3A_37 = vector.load %arg8[%swap3A, %swap3A_36] : memref<8000x1xf32, #tpu.memory_space<vmem>>, vector<800x1xf32>
      tpu.vector_store %arg8[%swap3A, %swap3A_36], %dot_general3A_35 {strides = array<i32>} : memref<8000x1xf32, #tpu.memory_space<vmem>>, vector<800x1xf32>,
      %broadcast_in_dim3A_38 = arith.constant 1.000000e+00 : f32
      %broadcast_in_dim3A_39 = vector.broadcast %broadcast_in_dim3A_38 : f32 to vector<800x1xf32>
      %dot_general3A_40 = arith.constant dense<0.000000e+00> : vector<2000x1xf32>
      %dot_general3A_41 = tpu.matmul %min3A_3, %broadcast_in_dim3A_39, %dot_general3A_40 {dimension_numbers = #tpu.dot_dimension_numbers<[0], [0], [1], [1], [0, 1, 1, 1], [], []>, transpose_lhs_hint = false} : vector<800x2000xf32>, vector<800x1xf32>, vector<2000x1xf32> -> vector<2000x1xf32>
      %get3A_42 = arith.constant 0 : index
      %get3A_43 = arith.constant 0 : index
      %get3A_44 = vector.load %arg4[%get3A_42, %get3A_43] : memref<800x256xf32, #tpu.memory_space<vmem>>, vector<800x256xf32>
      %mul3A_45 = arith.constant 800 : i32
      %mul3A_46 = arith.muli %arg1, %mul3A_45 : i32
      %swap3A_47 = arith.index_cast %mul3A_46 : i32 to index
      %swap3A_48 = arith.constant 0 : index
      %swap3A_49 = vector.load %arg12[%swap3A_47, %swap3A_48] : memref<8000x256xf32, #tpu.memory_space<vmem>>, vector<800x256xf32>
      tpu.vector_store %arg12[%swap3A_47, %swap3A_48], %get3A_44 {strides = array<i32>} : memref<8000x256xf32, #tpu.memory_space<vmem>>, vector<800x256xf32>,
      %mul3A_50 = arith.constant 2.500000e-01 : f32
      %mul3A_51 = vector.broadcast %mul3A_50 : f32 to vector<800x256xf32>
      %mul3A_52 = arith.mulf %get3A_44, %mul3A_51 : vector<800x256xf32>
      %swap3A_53 = arith.index_cast %mul3A_46 : i32 to index
      %swap3A_54 = arith.constant 0 : index
      %swap3A_55 = vector.load %arg6[%swap3A_53, %swap3A_54] : memref<8000x256xf32, #tpu.memory_space<vmem>>, vector<800x256xf32>
      tpu.vector_store %arg6[%swap3A_53, %swap3A_54], %mul3A_52 {strides = array<i32>} : memref<8000x256xf32, #tpu.memory_space<vmem>>, vector<800x256xf32>,
      %lt3A = arith.constant 10 : i32
      %lt3A_56 = arith.cmpi slt, %arg1, %lt3A : i32
      %convert_element_type3A_57 = arith.extui %lt3A_56 : i1 to i32
      %cond3A_58 = arith.constant 0 : i32
      %cond3A_59 = arith.cmpi ne, %convert_element_type3A_57, %cond3A_58 : i32
      scf.if %cond3A_59 {
        %get3A_69 = arith.constant 0 : index
        %get3A_70 = arith.constant 0 : index
        %get3A_71 = vector.load %arg3[%get3A_69, %get3A_70] : memref<200x256xf32, #tpu.memory_space<vmem>>, vector<200x256xf32>
        %mul3A_72 = arith.constant 200 : i32
        %mul3A_73 = arith.muli %arg1, %mul3A_72 : i32
        %swap3A_74 = arith.index_cast %mul3A_73 : i32 to index
        %swap3A_75 = arith.constant 0 : index
        %swap3A_76 = vector.load %arg11[%swap3A_74, %swap3A_75] : memref<2000x256xf32, #tpu.memory_space<vmem>>, vector<200x256xf32>
        tpu.vector_store %arg11[%swap3A_74, %swap3A_75], %get3A_71 {strides = array<i32>} : memref<2000x256xf32, #tpu.memory_space<vmem>>, vector<200x256xf32>,
        %mul3A_77 = arith.constant 2.500000e-01 : f32
        %mul3A_78 = vector.broadcast %mul3A_77 : f32 to vector<200x256xf32>
        %mul3A_79 = arith.mulf %get3A_71, %mul3A_78 : vector<200x256xf32>
        %swap3A_80 = arith.index_cast %mul3A_73 : i32 to index
        %swap3A_81 = arith.constant 0 : index
        %swap3A_82 = vector.load %arg5[%swap3A_80, %swap3A_81] : memref<2000x256xf32, #tpu.memory_space<vmem>>, vector<200x256xf32>
        tpu.vector_store %arg5[%swap3A_80, %swap3A_81], %mul3A_79 {strides = array<i32>} : memref<2000x256xf32, #tpu.memory_space<vmem>>, vector<200x256xf32>,
      } else {
      }
      %eq3A_60 = arith.constant 0 : i32
      %eq3A_61 = arith.cmpi eq, %arg1, %eq3A_60 : i32
      %convert_element_type3A_62 = arith.extui %eq3A_61 : i1 to i32
      %cond3A_63 = arith.constant 0 : i32
      %cond3A_64 = arith.cmpi ne, %convert_element_type3A_62, %cond3A_63 : i32
      scf.if %cond3A_64 {
        %swap3A_69 = arith.constant 0 : index
        %swap3A_70 = arith.constant 0 : index
        %swap3A_71 = vector.load %arg7[%swap3A_69, %swap3A_70] : memref<2000x1xf32, #tpu.memory_space<vmem>>, vector<2000x1xf32>
        tpu.vector_store %arg7[%swap3A_69, %swap3A_70], %dot_general3A_41 {strides = array<i32>} : memref<2000x1xf32, #tpu.memory_space<vmem>>, vector<2000x1xf32>,
      } else {
      }
      %gt3A = arith.constant 0 : i32
      %gt3A_65 = arith.cmpi sgt, %arg1, %gt3A : i32
      %convert_element_type3A_66 = arith.extui %gt3A_65 : i1 to i32
      %cond3A_67 = arith.constant 0 : i32
      %cond3A_68 = arith.cmpi ne, %convert_element_type3A_66, %cond3A_67 : i32
      scf.if %cond3A_68 {
        %get3A_69 = arith.constant 0 : index
        %get3A_70 = arith.constant 0 : index
        %get3A_71 = vector.load %arg7[%get3A_69, %get3A_70] : memref<2000x1xf32, #tpu.memory_space<vmem>>, vector<2000x1xf32>
        %add3A = arith.addf %get3A_71, %dot_general3A_41 : vector<2000x1xf32>
        %swap3A_72 = arith.constant 0 : index
        %swap3A_73 = arith.constant 0 : index
        %swap3A_74 = vector.load %arg7[%swap3A_72, %swap3A_73] : memref<2000x1xf32, #tpu.memory_space<vmem>>, vector<2000x1xf32>
        tpu.vector_store %arg7[%swap3A_72, %swap3A_73], %add3A {strides = array<i32>} : memref<2000x1xf32, #tpu.memory_space<vmem>>, vector<2000x1xf32>,
      } else {
      }
    } else {
    }
    %eq3A_7 = arith.constant 1 : i32
    %eq3A_8 = arith.cmpi eq, %arg0, %eq3A_7 : i32
    %eq3A_9 = arith.constant 0 : i32
    %eq3A_10 = arith.cmpi eq, %arg1, %eq3A_9 : i32
    %and3A = arith.andi %eq3A_8, %eq3A_10 : i1
    %convert_element_type3A_11 = arith.extui %and3A : i1 to i32
    %cond3A_12 = arith.constant 0 : i32
    %cond3A_13 = arith.cmpi ne, %convert_element_type3A_11, %cond3A_12 : i32
    scf.if %cond3A_13 {
      %get3A_34 = arith.constant 0 : index
      %get3A_35 = arith.constant 0 : index
      %get3A_36 = vector.load %arg7[%get3A_34, %get3A_35] : memref<2000x1xf32, #tpu.memory_space<vmem>>, vector<2000x1xf32>
      %gt3A = arith.constant 0.000000e+00 : f32
      %gt3A_37 = vector.broadcast %gt3A : f32 to vector<2000x1xf32>
      %gt3A_38 = arith.cmpf ogt, %get3A_36, %gt3A_37 : vector<2000x1xf32>
      %get3A_39 = arith.constant 0 : index
      %get3A_40 = arith.constant 0 : index
      %get3A_41 = vector.load %arg7[%get3A_39, %get3A_40] : memref<2000x1xf32, #tpu.memory_space<vmem>>, vector<2000x1xf32>
      %rsqrt3A = math.rsqrt %get3A_41 : vector<2000x1xf32>
      %jit3A = arith.constant 0.000000e+00 : f32
      %broadcast_in_dim3A = vector.broadcast %jit3A : f32 to vector<2000x1xf32>
      %select_n3A = arith.select %gt3A_38, %rsqrt3A, %broadcast_in_dim3A : vector<2000x1xi1>, vector<2000x1xf32>
      %swap3A = arith.constant 0 : index
      %swap3A_42 = arith.constant 0 : index
      %swap3A_43 = vector.load %arg7[%swap3A, %swap3A_42] : memref<2000x1xf32, #tpu.memory_space<vmem>>, vector<2000x1xf32>
      tpu.vector_store %arg7[%swap3A, %swap3A_42], %select_n3A {strides = array<i32>} : memref<2000x1xf32, #tpu.memory_space<vmem>>, vector<2000x1xf32>,
      %get3A_44 = arith.constant 0 : index
      %get3A_45 = arith.constant 0 : index
      %get3A_46 = vector.load %arg8[%get3A_44, %get3A_45] : memref<8000x1xf32, #tpu.memory_space<vmem>>, vector<8000x1xf32>
      %gt3A_47 = arith.constant 0.000000e+00 : f32
      %gt3A_48 = vector.broadcast %gt3A_47 : f32 to vector<8000x1xf32>
      %gt3A_49 = arith.cmpf ogt, %get3A_46, %gt3A_48 : vector<8000x1xf32>
      %get3A_50 = arith.constant 0 : index
      %get3A_51 = arith.constant 0 : index
      %get3A_52 = vector.load %arg8[%get3A_50, %get3A_51] : memref<8000x1xf32, #tpu.memory_space<vmem>>, vector<8000x1xf32>
      %rsqrt3A_53 = math.rsqrt %get3A_52 : vector<8000x1xf32>
      %jit3A_54 = arith.constant 0.000000e+00 : f32
      %broadcast_in_dim3A_55 = vector.broadcast %jit3A_54 : f32 to vector<8000x1xf32>
      %select_n3A_56 = arith.select %gt3A_49, %rsqrt3A_53, %broadcast_in_dim3A_55 : vector<8000x1xi1>, vector<8000x1xf32>
      %swap3A_57 = arith.constant 0 : index
      %swap3A_58 = arith.constant 0 : index
      %swap3A_59 = vector.load %arg8[%swap3A_57, %swap3A_58] : memref<8000x1xf32, #tpu.memory_space<vmem>>, vector<8000x1xf32>
      tpu.vector_store %arg8[%swap3A_57, %swap3A_58], %select_n3A_56 {strides = array<i32>} : memref<8000x1xf32, #tpu.memory_space<vmem>>, vector<8000x1xf32>,
      %get3A_60 = arith.constant 0 : index
      %get3A_61 = arith.constant 0 : index
      %get3A_62 = vector.load %arg11[%get3A_60, %get3A_61] : memref<2000x256xf32, #tpu.memory_space<vmem>>, vector<2000x256xf32>
      %get3A_63 = arith.constant 0 : index
      %get3A_64 = arith.constant 0 : index
      %get3A_65 = vector.load %arg7[%get3A_63, %get3A_64] : memref<2000x1xf32, #tpu.memory_space<vmem>>, vector<2000x1xf32>
      %mul3A_66 = vector.broadcast %get3A_65 : vector<2000x1xf32> to vector<2000x256xf32>
      %mul3A_67 = arith.mulf %get3A_62, %mul3A_66 : vector<2000x256xf32>
      %swap3A_68 = arith.constant 0 : index
      %swap3A_69 = arith.constant 0 : index
      %swap3A_70 = vector.load %arg9[%swap3A_68, %swap3A_69] : memref<2000x256xf32, #tpu.memory_space<vmem>>, vector<2000x256xf32>
      tpu.vector_store %arg9[%swap3A_68, %swap3A_69], %mul3A_67 {strides = array<i32>} : memref<2000x256xf32, #tpu.memory_space<vmem>>, vector<2000x256xf32>,
      %get3A_71 = arith.constant 0 : index
      %get3A_72 = arith.constant 0 : index
      %get3A_73 = vector.load %arg12[%get3A_71, %get3A_72] : memref<8000x256xf32, #tpu.memory_space<vmem>>, vector<8000x256xf32>
      %get3A_74 = arith.constant 0 : index
      %get3A_75 = arith.constant 0 : index
      %get3A_76 = vector.load %arg8[%get3A_74, %get3A_75] : memref<8000x1xf32, #tpu.memory_space<vmem>>, vector<8000x1xf32>
      %mul3A_77 = vector.broadcast %get3A_76 : vector<8000x1xf32> to vector<8000x256xf32>
      %mul3A_78 = arith.mulf %get3A_73, %mul3A_77 : vector<8000x256xf32>
      %swap3A_79 = arith.constant 0 : index
      %swap3A_80 = arith.constant 0 : index
      %swap3A_81 = vector.load %arg10[%swap3A_79, %swap3A_80] : memref<8000x256xf32, #tpu.memory_space<vmem>>, vector<8000x256xf32>
      tpu.vector_store %arg10[%swap3A_79, %swap3A_80], %mul3A_78 {strides = array<i32>} : memref<8000x256xf32, #tpu.memory_space<vmem>>, vector<8000x256xf32>,
    } else {
    }
    %ge3A = arith.constant 2 : i32
    %ge3A_14 = arith.cmpi sge, %arg0, %ge3A : i32
    %eq3A_15 = arith.constant 0 : i32
    %eq3A_16 = arith.cmpi eq, %arg1, %eq3A_15 : i32
    %and3A_17 = arith.andi %ge3A_14, %eq3A_16 : i1
    %convert_element_type3A_18 = arith.extui %and3A_17 : i1 to i32
    %cond3A_19 = arith.constant 0 : i32
    %cond3A_20 = arith.cmpi ne, %convert_element_type3A_18, %cond3A_19 : i32
    scf.if %cond3A_20 {
      %get3A_34 = arith.constant 0 : index
      %get3A_35 = arith.constant 0 : index
      %get3A_36 = vector.load %arg7[%get3A_34, %get3A_35] : memref<2000x1xf32, #tpu.memory_space<vmem>>, vector<2000x1xf32>
      %get3A_37 = arith.constant 0 : index
      %get3A_38 = arith.constant 0 : index
      %get3A_39 = vector.load %arg11[%get3A_37, %get3A_38] : memref<2000x256xf32, #tpu.memory_space<vmem>>, vector<2000x256xf32>
      %mul3A_40 = vector.broadcast %get3A_36 : vector<2000x1xf32> to vector<2000x256xf32>
      %mul3A_41 = arith.mulf %mul3A_40, %get3A_39 : vector<2000x256xf32>
      %get3A_42 = arith.constant 0 : index
      %get3A_43 = arith.constant 0 : index
      %get3A_44 = vector.load %arg5[%get3A_42, %get3A_43] : memref<2000x256xf32, #tpu.memory_space<vmem>>, vector<2000x256xf32>
      %mul3A_45 = arith.constant 2.500000e-01 : f32
      %mul3A_46 = vector.broadcast %mul3A_45 : f32 to vector<2000x256xf32>
      %mul3A_47 = arith.mulf %mul3A_46, %mul3A_41 : vector<2000x256xf32>
      %add3A = arith.addf %get3A_44, %mul3A_47 : vector<2000x256xf32>
      %swap3A = arith.constant 0 : index
      %swap3A_48 = arith.constant 0 : index
      %swap3A_49 = vector.load %arg5[%swap3A, %swap3A_48] : memref<2000x256xf32, #tpu.memory_space<vmem>>, vector<2000x256xf32>
      tpu.vector_store %arg5[%swap3A, %swap3A_48], %add3A {strides = array<i32>} : memref<2000x256xf32, #tpu.memory_space<vmem>>, vector<2000x256xf32>,
      %get3A_50 = arith.constant 0 : index
      %get3A_51 = arith.constant 0 : index
      %get3A_52 = vector.load %arg6[%get3A_50, %get3A_51] : memref<8000x256xf32, #tpu.memory_space<vmem>>, vector<8000x256xf32>
      %get3A_53 = arith.constant 0 : index
      %get3A_54 = arith.constant 0 : index
      %get3A_55 = vector.load %arg12[%get3A_53, %get3A_54] : memref<8000x256xf32, #tpu.memory_space<vmem>>, vector<8000x256xf32>
      %mul3A_56 = arith.constant 2.500000e-01 : f32
      %mul3A_57 = vector.broadcast %mul3A_56 : f32 to vector<8000x256xf32>
      %mul3A_58 = arith.mulf %mul3A_57, %get3A_55 : vector<8000x256xf32>
      %add3A_59 = arith.addf %get3A_52, %mul3A_58 : vector<8000x256xf32>
      %swap3A_60 = arith.constant 0 : index
      %swap3A_61 = arith.constant 0 : index
      %swap3A_62 = vector.load %arg6[%swap3A_60, %swap3A_61] : memref<8000x256xf32, #tpu.memory_space<vmem>>, vector<8000x256xf32>
      tpu.vector_store %arg6[%swap3A_60, %swap3A_61], %add3A_59 {strides = array<i32>} : memref<8000x256xf32, #tpu.memory_space<vmem>>, vector<8000x256xf32>,
      %get3A_63 = arith.constant 0 : index
      %get3A_64 = arith.constant 0 : index
      %get3A_65 = vector.load %arg7[%get3A_63, %get3A_64] : memref<2000x1xf32, #tpu.memory_space<vmem>>, vector<2000x1xf32>
      %mul3A_66 = vector.broadcast %get3A_65 : vector<2000x1xf32> to vector<2000x256xf32>
      %mul3A_67 = arith.mulf %mul3A_66, %mul3A_41 : vector<2000x256xf32>
      %swap3A_68 = arith.constant 0 : index
      %swap3A_69 = arith.constant 0 : index
      %swap3A_70 = vector.load %arg9[%swap3A_68, %swap3A_69] : memref<2000x256xf32, #tpu.memory_space<vmem>>, vector<2000x256xf32>
      tpu.vector_store %arg9[%swap3A_68, %swap3A_69], %mul3A_67 {strides = array<i32>} : memref<2000x256xf32, #tpu.memory_space<vmem>>, vector<2000x256xf32>,
      %get3A_71 = arith.constant 0 : index
      %get3A_72 = arith.constant 0 : index
      %get3A_73 = vector.load %arg8[%get3A_71, %get3A_72] : memref<8000x1xf32, #tpu.memory_space<vmem>>, vector<8000x1xf32>
      %get3A_74 = arith.constant 0 : index
      %get3A_75 = arith.constant 0 : index
      %get3A_76 = vector.load %arg12[%get3A_74, %get3A_75] : memref<8000x256xf32, #tpu.memory_space<vmem>>, vector<8000x256xf32>
      %mul3A_77 = vector.broadcast %get3A_73 : vector<8000x1xf32> to vector<8000x256xf32>
      %mul3A_78 = arith.mulf %mul3A_77, %get3A_76 : vector<8000x256xf32>
      %swap3A_79 = arith.constant 0 : index
      %swap3A_80 = arith.constant 0 : index
      %swap3A_81 = vector.load %arg10[%swap3A_79, %swap3A_80] : memref<8000x256xf32, #tpu.memory_space<vmem>>, vector<8000x256xf32>
      tpu.vector_store %arg10[%swap3A_79, %swap3A_80], %mul3A_78 {strides = array<i32>} : memref<8000x256xf32, #tpu.memory_space<vmem>>, vector<8000x256xf32>,
    } else {
    }
    %ge3A_21 = arith.constant 1 : i32
    %ge3A_22 = arith.cmpi sge, %arg0, %ge3A_21 : i32
    %convert_element_type3A_23 = arith.extui %ge3A_22 : i1 to i32
    %cond3A_24 = arith.constant 0 : i32
    %cond3A_25 = arith.cmpi ne, %convert_element_type3A_23, %cond3A_24 : i32
    scf.if %cond3A_25 {
      %get3A_34 = arith.constant 0 : index
      %get3A_35 = arith.constant 0 : index
      %get3A_36 = vector.load %arg9[%get3A_34, %get3A_35] : memref<2000x256xf32, #tpu.memory_space<vmem>>, vector<2000x256xf32>
      %dot_general3A = arith.constant dense<0.000000e+00> : vector<800x256xf32>
      %dot_general3A_37 = tpu.matmul %min3A_3, %get3A_36, %dot_general3A {dimension_numbers = #tpu.dot_dimension_numbers<[1], [0], [0], [1], [0, 0, 1, 1], [], []>, transpose_lhs_hint = false} : vector<800x2000xf32>, vector<2000x256xf32>, vector<800x256xf32> -> vector<800x256xf32>
      %get3A_38 = arith.index_cast %mul3A_4 : i32 to index
      %get3A_39 = arith.constant 0 : index
      %get3A_40 = vector.load %arg8[%get3A_38, %get3A_39] : memref<8000x1xf32, #tpu.memory_space<vmem>>, vector<800x1xf32>
      %mul3A_41 = vector.broadcast %get3A_40 : vector<800x1xf32> to vector<800x256xf32>
      %mul3A_42 = arith.mulf %mul3A_41, %dot_general3A_37 : vector<800x256xf32>
      %swap3A = arith.index_cast %mul3A_4 : i32 to index
      %swap3A_43 = arith.constant 0 : index
      %swap3A_44 = vector.load %arg12[%swap3A, %swap3A_43] : memref<8000x256xf32, #tpu.memory_space<vmem>>, vector<800x256xf32>
      tpu.vector_store %arg12[%swap3A, %swap3A_43], %mul3A_42 {strides = array<i32>} : memref<8000x256xf32, #tpu.memory_space<vmem>>, vector<800x256xf32>,
      %get3A_45 = arith.index_cast %mul3A_4 : i32 to index
      %get3A_46 = arith.constant 0 : index
      %get3A_47 = vector.load %arg10[%get3A_45, %get3A_46] : memref<8000x256xf32, #tpu.memory_space<vmem>>, vector<800x256xf32>
      %dot_general3A_48 = arith.constant dense<0.000000e+00> : vector<2000x256xf32>
      %dot_general3A_49 = tpu.matmul %min3A_3, %get3A_47, %dot_general3A_48 {dimension_numbers = #tpu.dot_dimension_numbers<[0], [0], [1], [1], [0, 1, 1, 1], [], []>, transpose_lhs_hint = false} : vector<800x2000xf32>, vector<800x256xf32>, vector<2000x256xf32> -> vector<2000x256xf32>
      %eq3A_50 = arith.constant 0 : i32
      %eq3A_51 = arith.cmpi eq, %arg1, %eq3A_50 : i32
      %convert_element_type3A_52 = arith.extui %eq3A_51 : i1 to i32
      %cond3A_53 = arith.constant 0 : i32
      %cond3A_54 = arith.cmpi ne, %convert_element_type3A_52, %cond3A_53 : i32
      scf.if %cond3A_54 {
        %swap3A_59 = arith.constant 0 : index
        %swap3A_60 = arith.constant 0 : index
        %swap3A_61 = vector.load %arg11[%swap3A_59, %swap3A_60] : memref<2000x256xf32, #tpu.memory_space<vmem>>, vector<2000x256xf32>
        tpu.vector_store %arg11[%swap3A_59, %swap3A_60], %dot_general3A_49 {strides = array<i32>} : memref<2000x256xf32, #tpu.memory_space<vmem>>, vector<2000x256xf32>,
      } else {
      }
      %gt3A = arith.constant 0 : i32
      %gt3A_55 = arith.cmpi sgt, %arg1, %gt3A : i32
      %convert_element_type3A_56 = arith.extui %gt3A_55 : i1 to i32
      %cond3A_57 = arith.constant 0 : i32
      %cond3A_58 = arith.cmpi ne, %convert_element_type3A_56, %cond3A_57 : i32
      scf.if %cond3A_58 {
        %get3A_59 = arith.constant 0 : index
        %get3A_60 = arith.constant 0 : index
        %get3A_61 = vector.load %arg11[%get3A_59, %get3A_60] : memref<2000x256xf32, #tpu.memory_space<vmem>>, vector<2000x256xf32>
        %add3A = arith.addf %get3A_61, %dot_general3A_49 : vector<2000x256xf32>
        %swap3A_62 = arith.constant 0 : index
        %swap3A_63 = arith.constant 0 : index
        %swap3A_64 = vector.load %arg11[%swap3A_62, %swap3A_63] : memref<2000x256xf32, #tpu.memory_space<vmem>>, vector<2000x256xf32>
        tpu.vector_store %arg11[%swap3A_62, %swap3A_63], %add3A {strides = array<i32>} : memref<2000x256xf32, #tpu.memory_space<vmem>>, vector<2000x256xf32>,
      } else {
      }
    } else {
    }
    %eq3A_26 = arith.constant 3 : i32
    %eq3A_27 = arith.cmpi eq, %arg0, %eq3A_26 : i32
    %eq3A_28 = arith.constant 9 : i32
    %eq3A_29 = arith.cmpi eq, %arg1, %eq3A_28 : i32
    %and3A_30 = arith.andi %eq3A_27, %eq3A_29 : i1
    %convert_element_type3A_31 = arith.extui %and3A_30 : i1 to i32
    %cond3A_32 = arith.constant 0 : i32
    %cond3A_33 = arith.cmpi ne, %convert_element_type3A_31, %cond3A_32 : i32
    scf.if %cond3A_33 {
      %get3A_34 = arith.constant 0 : index
      %get3A_35 = arith.constant 0 : index
      %get3A_36 = vector.load %arg5[%get3A_34, %get3A_35] : memref<2000x256xf32, #tpu.memory_space<vmem>>, vector<2000x256xf32>
      %get3A_37 = arith.constant 0 : index
      %get3A_38 = arith.constant 0 : index
      %get3A_39 = vector.load %arg7[%get3A_37, %get3A_38] : memref<2000x1xf32, #tpu.memory_space<vmem>>, vector<2000x1xf32>
      %get3A_40 = arith.constant 0 : index
      %get3A_41 = arith.constant 0 : index
      %get3A_42 = vector.load %arg11[%get3A_40, %get3A_41] : memref<2000x256xf32, #tpu.memory_space<vmem>>, vector<2000x256xf32>
      %mul3A_43 = vector.broadcast %get3A_39 : vector<2000x1xf32> to vector<2000x256xf32>
      %mul3A_44 = arith.mulf %mul3A_43, %get3A_42 : vector<2000x256xf32>
      %mul3A_45 = arith.constant 2.500000e-01 : f32
      %mul3A_46 = vector.broadcast %mul3A_45 : f32 to vector<2000x256xf32>
      %mul3A_47 = arith.mulf %mul3A_46, %mul3A_44 : vector<2000x256xf32>
      %add3A = arith.addf %get3A_36, %mul3A_47 : vector<2000x256xf32>
      %swap3A = arith.constant 0 : index
      %swap3A_48 = arith.constant 0 : index
      %swap3A_49 = vector.load %arg5[%swap3A, %swap3A_48] : memref<2000x256xf32, #tpu.memory_space<vmem>>, vector<2000x256xf32>
      tpu.vector_store %arg5[%swap3A, %swap3A_48], %add3A {strides = array<i32>} : memref<2000x256xf32, #tpu.memory_space<vmem>>, vector<2000x256xf32>,
      %get3A_50 = arith.constant 0 : index
      %get3A_51 = arith.constant 0 : index
      %get3A_52 = vector.load %arg6[%get3A_50, %get3A_51] : memref<8000x256xf32, #tpu.memory_space<vmem>>, vector<8000x256xf32>
      %get3A_53 = arith.constant 0 : index
      %get3A_54 = arith.constant 0 : index
      %get3A_55 = vector.load %arg12[%get3A_53, %get3A_54] : memref<8000x256xf32, #tpu.memory_space<vmem>>, vector<8000x256xf32>
      %mul3A_56 = arith.constant 2.500000e-01 : f32
      %mul3A_57 = vector.broadcast %mul3A_56 : f32 to vector<8000x256xf32>
      %mul3A_58 = arith.mulf %mul3A_57, %get3A_55 : vector<8000x256xf32>
      %add3A_59 = arith.addf %get3A_52, %mul3A_58 : vector<8000x256xf32>
      %swap3A_60 = arith.constant 0 : index
      %swap3A_61 = arith.constant 0 : index
      %swap3A_62 = vector.load %arg6[%swap3A_60, %swap3A_61] : memref<8000x256xf32, #tpu.memory_space<vmem>>, vector<8000x256xf32>
      tpu.vector_store %arg6[%swap3A_60, %swap3A_61], %add3A_59 {strides = array<i32>} : memref<8000x256xf32, #tpu.memory_space<vmem>>, vector<8000x256xf32>,
    } else {
    }
    return
  }
  func.func @transform_0(%arg0: i32, %arg1: i32) -> (i32, i32) {
    %c0_i32 = arith.constant 0 : i32
    %c0_i32_0 = arith.constant 0 : i32
    return %arg1, %c0_i32 : i32, i32
  }
  func.func @transform_1(%arg0: i32, %arg1: i32) -> (i32, i32) {
    %eq3A = arith.constant 0 : i32
    %eq3A_0 = arith.cmpi eq, %arg0, %eq3A : i32
    %lt3A = arith.constant 10 : i32
    %lt3A_1 = arith.cmpi slt, %arg1, %lt3A : i32
    %and3A = arith.andi %eq3A_0, %lt3A_1 : i1
    %jit3A = arith.constant 9 : i32
    %select_n3A = arith.select %and3A, %arg1, %jit3A : i32
    %c0_i32 = arith.constant 0 : i32
    %c0_i32_2 = arith.constant 0 : i32
    return %select_n3A, %c0_i32 : i32, i32
  }
  func.func @transform_2(%arg0: i32, %arg1: i32) -> (i32, i32) {
    %eq3A = arith.constant 0 : i32
    %eq3A_0 = arith.cmpi eq, %arg0, %eq3A : i32
    %jit3A = arith.constant 9 : i32
    %select_n3A = arith.select %eq3A_0, %arg1, %jit3A : i32
    %c0_i32 = arith.constant 0 : i32
    %c0_i32_1 = arith.constant 0 : i32
    return %select_n3A, %c0_i32 : i32, i32
  }
  func.func @transform_3(%arg0: i32, %arg1: i32) -> (i32, i32) {
    %c0_i32 = arith.constant 0 : i32
    %c0_i32_0 = arith.constant 0 : i32
    %c0_i32_1 = arith.constant 0 : i32
    return %c0_i32, %c0_i32_0 : i32, i32
  }
  func.func @transform_4(%arg0: i32, %arg1: i32) -> (i32, i32) {
    %c0_i32 = arith.constant 0 : i32
    %c0_i32_0 = arith.constant 0 : i32
    %c0_i32_1 = arith.constant 0 : i32
    return %c0_i32, %c0_i32_0 : i32, i32
  }
}

</mosaic_0001>

<sc_bundles>
// kernel: kernel.4.cloned.1.call-start
scs
__scs_entry_jumppad:
0x0: {  	(pc) =	sbr.rel $0x88, $3  }
0x1: {  	(tag) =	ssettag $0x0;
	lr =	simm.s32 $0x1  }
0x2: {  	[smem:$0x3F9D] =	sst lr;
	_ =	strace $0xD0000000  }
0x3: {  	_ = 	snop  }
0x4: {  	_ = 	snop  }
0x5: {  	_ = 	snop  }
0x6: {  	_ = 	snop  }
0x7: {  	_ = 	snop  }
__scs_overlays_trampoline_lowered:
0x8: {  	[smem:$0x3FAC] =	sst s0  }
0x9: {  	[smem:$0x3FAD] =	sst s1  }
0xa: {  	[smem:$0x3FAE] =	sst s2  }
0xb: {  	[smem:$0x3FAF] =	sst s3  }
0xc: {  	[smem:$0x3FB0] =	sst s4  }
0xd: {  	[smem:$0x3FB1] =	sst s5  }
0xe: {  	[smem:$0x3FB2] =	sst s6  }
0xf: {  	[smem:$0x3FB3] =	sst s7  }
0x10: {  	[smem:$0x3FB4] =	sst s8  }
0x11: {  	[smem:$0x3FB5] =	sst s9;
	s0 =	simm.s32 @!p0 $0x0  }
0x12: {  	s1 =	sld [smem:$0x3F9B];
	s0 =	simm.s32 @p0 $0x1  }
0x13: {  	[smem:$0x3FB6] =	sst s0;
	s0 =	simm.s32 @!p1 $0x0  }
0x14: {  	s2 =	sld [smem:$0x3F9A];
	s0 =	simm.s32 @p1 $0x1  }
0x15: {  	[smem:$0x3FB7] =	sst s0;
	s0 =	simm.s32 @!p2 $0x0  }
0x16: {  	s3 =	sld [smem:$0x3FDB];
	s0 =	simm.s32 @p2 $0x1  }
0x17: {  	s4 =	simm.s32 $0x1BF5;
	[smem:$0x3FB9] =	sst s0  }
0x18: {  	s0 =	sld [smem:$0x3F9C];
	_ =	swait.ge [sflag:s4], $0x0  }
0x19: {  	s7 =	sld [smem:$0x3F9D]  }
0x1a: {  	s8 =	sadd.s32 $0xFFFFE003, lr  }
0x1b: {  	s9 =	sadd.s32 $0xFFFFFEF7, lr;
	s5 =	simm.s32 $0xFFFFFFFF;
	p2 =	slt.u32 s8, $0xFFFFF086  }
0x1c: {  	p1 =	slt.u32 s9, $0xF7A;
	s5 =	simm.s32 @!p2 $0x0  }
0x1d: {  	s5 =	simm.s32 @p1 $0x1;
	p0 =	seq.s32 s7, s2  }
0x1e: {  	s7 =	smul.u32 @!p0 $0xF7A, s2;
	p2 =	seq.s32 @!p0 s5, $0x0  }
0x1f: {  	s9 =	smul.u32 $0xF7A, s1;
	s8 =	simm.s32 @!p0 $0x1BF5;
	p2 =	por !p2, p0  }
0x20: {  	[sflag:s8] =	ssyncset.s32 @!p0 $0xFFFFF086;
	s6 =	sadd.s32 @!p0 s3, s7;
	s7 =	simm.s32 @!p0 $0x108  }
0x21: {  	s3 =	sadd.s32 s3, s9;
	s6 =	sadd.s32 @!p0 $0x88, s6;
	s7 =	simm.s32 @p2 $0x1082  }
0x22: {  	[simem:s7], [sflag:s8] =	dma.local @!p0 [hbm:s6], $0xF7A  }
0x23: {  	s9 =	sor.u32 $0xD0000000, s2;
	s6 =	simm.s32 $0x108;
	_ =	swait.ge @!p0 [sflag:s8], $0x0  }
0x24: {  	s3 =	sadd.s32 $0x88, s3;
	s6 =	simm.s32 @!p1 $0x1082;
	[sflag:s4] =	ssyncset.s32 $0xFFFFF086  }
0x25: {  	[simem:s6], [sflag:s4] =	dma.local [hbm:s3], $0xF7A  }
0x26: {  	[smem:$0x3F9D] =	sst s1;
	(tag) =	ssettag s2;
	_ =	strace s9  }
0x27: {  	s1 =	sld [smem:$0x3FAD]  }
0x28: {  	s2 =	sld [smem:$0x3FAE]  }
0x29: {  	s4 =	sld [smem:$0x3FB0]  }
0x2a: {  	p0 =	seq.s32 s5, $0x0;
	s5 =	sld [smem:$0x3FB1]  }
0x2b: {  	s6 =	sld [smem:$0x3FB2]  }
0x2c: {  	s7 =	sld [smem:$0x3FB3]  }
0x2d: {  	s3 =	simm.s32 $0x108;
	s8 =	sld [smem:$0x3FB4]  }
0x2e: {  	s3 =	simm.s32 @!p0 $0x1082;
	s9 =	sld [smem:$0x3FB5]  }
0x2f: {  	lr =	sadd.s32 s0, s3;
	s0 =	sld [smem:$0x3FAC]  }
0x30: {  	s3 =	sld [smem:$0x3FAF]  }
0x31: {  	[smem:$0x3FB8] =	sst s10  }
0x32: {  	s10 =	sld [smem:$0x3FB6];
	_ =	sdelay $0x3  }
0x33: {  	p0 =	seq.s32 s10, $0x1;
	s10 =	sld [smem:$0x3FB8];
	_ =	sdelay $0x3  }
0x34: {  	[smem:$0x3FB8] =	sst s10  }
0x35: {  	s10 =	sld [smem:$0x3FB7];
	_ =	sdelay $0x3  }
0x36: {  	p1 =	seq.s32 s10, $0x1;
	s10 =	sld [smem:$0x3FB8];
	_ =	sdelay $0x3  }
0x37: {  	[smem:$0x3FB8] =	sst s10  }
0x38: {  	s10 =	sld [smem:$0x3FB9]  }
0x39: {  	_ = 	snop;
	(pc) =	sbr.ind lr, $3  }
0x3a: {  	_ = 	snop  }
0x3b: {  	_ = 	snop  }
0x3c: {  	p2 =	seq.s32 s10, $0x1;
	s10 =	sld [smem:$0x3FB8]  }
0x3d: {  	_ =	shalt  }
0x3e: {  	_ =	shalt  }
0x3f: {  	_ =	shalt  }
0x40: {  	_ =	shalt  }
0x41: {  	_ =	shalt  }
0x42: {  	_ =	shalt  }
0x43: {  	_ =	shalt  }
0x44: {  	_ =	shalt  }
0x45: {  	_ =	shalt  }
0x46: {  	_ =	shalt  }
0x47: {  	_ =	shalt  }
0x48: {  	_ =	shalt  }
0x49: {  	_ =	shalt  }
0x4a: {  	_ =	shalt  }
0x4b: {  	_ =	shalt  }
0x4c: {  	_ =	shalt  }
0x4d: {  	_ =	shalt  }
0x4e: {  	_ =	shalt  }
0x4f: {  	_ =	shalt  }
0x50: {  	_ =	shalt  }
0x51: {  	_ =	shalt  }
0x52: {  	_ =	shalt  }
0x53: {  	_ =	shalt  }
0x54: {  	_ =	shalt  }
0x55: {  	_ =	shalt  }
0x56: {  	_ =	shalt  }
0x57: {  	_ =	shalt  }
0x58: {  	_ =	shalt  }
0x59: {  	_ =	shalt  }
0x5a: {  	_ =	shalt  }
0x5b: {  	_ =	shalt  }
0x5c: {  	_ =	shalt  }
0x5d: {  	_ =	shalt  }
0x5e: {  	_ =	shalt  }
0x5f: {  	_ =	shalt  }
0x60: {  	_ =	shalt  }
0x61: {  	_ =	shalt  }
0x62: {  	_ =	shalt  }
0x63: {  	_ =	shalt  }
0x64: {  	_ =	shalt  }
0x65: {  	_ =	shalt  }
0x66: {  	_ =	shalt  }
0x67: {  	_ =	shalt  }
0x68: {  	_ =	shalt  }
0x69: {  	_ =	shalt  }
0x6a: {  	_ =	shalt  }
0x6b: {  	_ =	shalt  }
0x6c: {  	_ =	shalt  }
0x6d: {  	_ =	shalt  }
0x6e: {  	_ =	shalt  }
0x6f: {  	_ =	shalt  }
0x70: {  	_ =	shalt  }
0x71: {  	_ =	shalt  }
0x72: {  	_ =	shalt  }
0x73: {  	_ =	shalt  }
0x74: {  	_ =	shalt  }
0x75: {  	_ =	shalt  }
0x76: {  	_ =	shalt  }
0x77: {  	_ =	shalt  }
0x78: {  	_ =	shalt  }
0x79: {  	_ =	shalt  }
0x7a: {  	_ =	shalt  }
0x7b: {  	_ =	shalt  }
0x7c: {  	_ =	shalt  }
0x7d: {  	_ =	shalt  }
0x7e: {  	_ =	shalt  }
0x7f: {  	_ =	shalt  }
0x80: {  	_ =	shalt  }
0x81: {  	_ =	shalt  }
0x82: {  	_ =	shalt  }
0x83: {  	_ =	shalt  }
0x84: {  	_ =	shalt  }
0x85: {  	_ =	shalt  }
0x86: {  	_ =	shalt  }
0x87: {  	_ =	shalt  }
.Lfunc_end0:
.L_simem_size_0:
called_computation_lowered:
.L_overlay_start_0:
0x88: {  	s2 =	sld [smem:$0x3FD9]  }
0x89: {  	s3 =	sld [smem:$0x3FFE];
	_ =	sdelay $0x1  }
0x8a: {  	s1 =	srdreg.scid  }
0x8b: {  	s0 =	sand.u32 $0x1, s1  }
0x8c: {  	s14 =	sshll.u32 s0, $0xA;
	s2 =	sadd.s32 s3, s2  }
0x8d: {  	s2 =	sadd.s32 s2, s14  }
0x8e: {  	[smem:$0x3FC4] =	sst s2  }
0x8f: {  	_ = 	snop  }
0x90: {  	s2 =	sld [smem:$0x3FD0];
	_ =	sdelay $0x2  }
0x91: {  	s15 =	simm.s32 $0xA;
	s4 =	simm.s32 $0x10  }
0x92: {  	[smem:s4], [sflag:s15] =	dma.local [hbm:s2], $0x1  }
0x93: {  	_ =	swait.eq [sflag:s15], $0x1  }
0x94: {  	[sflag:s15] =	ssyncset.done $0x0  }
0x95: {  	s16 =	sld [smem:$0x10];
	[sflag:s15] =	ssyncadd.s32 $0xFFFFFFFF  }
0x96: {  	s17 =	sld [smem:$0x11];
	(tm) =	ssettm $0x1  }
0x97: {  	s18 =	sld [smem:$0x3FFB];
	_ =	sdelay $0x3  }
0x98: {  	_ =	strace s18  }
0x99: {  	s4 =	sld [smem:$0x3FFC];
	_ =	sdelay $0x3  }
0x9a: {  	_ =	strace s4  }
0x9b: {  	s4 =	sld [smem:$0x3FFD];
	_ =	sdelay $0x3  }
0x9c: {  	_ =	strace s4  }
0x9d: {  	_ =	strace $0x8FFFFFFF  }
0x9e: {  	s19 =	sld [smem:$0x3FDB];
	_ =	sdelay $0x1  }
0x9f: {  	s5 =	simm.s32 $_scs_section_size  }
0xa0: {  	s6 =	simm.s32 $_size__tile_overlayer_lowered;
	s7 =	simm.s32 $_tile_overlayer_lowered  }
0xa1: {  	s22 =	simm.s32 $0x1BFF;
	s21 =	sshll.u32 s7, $0x1;
	s4 =	sadd.s32 s5, s19  }
0xa2: {  	s8 =	simm.s32 $0x0;
	s20 =	sshll.u32 s6, $0x1;
	s6 =	sadd.s32 s21, s4  }
0xa3: {  	[timem:s8], [sflag:s22] =	dma.local [hbm:s6], s20  }
0xa4: {  	_ =	swait.ge [sflag:s22], s20  }
0xa5: {  	s5 =	ssub.s32 $0x0, s20;
	[sflag:s22] =	ssyncset.done $0x0  }
0xa6: {  	[sflag:s22] =	ssyncadd.s32 s5;
	_ =	sdelay $0x1  }
0xa7: {  	s23 =	simm.s32 $0x1B8B  }
0xa8: {  	_ =	swait.ge [sflag:s23], $0x1  }
0xa9: {  	[sflag:s23] =	ssyncset.done $0x0  }
0xaa: {  	s25 =	simm.s32 $0x1B8E;
	s24 =	sld [smem:$0x3FFE];
	[sflag:s23] =	ssyncadd.s32 $0xFFFFFFFF  }
0xab: {  	s26 =	simm.s32 $execute0_lowered;
	[smem:$0x3FD2] =	sst s25  }
0xac: {  	s6 =	sshll.u32 s26, $0x1;
	_ =	strace $0x80000046;
	[dreg:$0x1] =	wrdreg $0xFFFFFFFF  }
0xad: {  	s28 =	simm.s32 $_size_execute0_lowered;
	s4 =	sadd.s32 s4, s6;
	[dreg:$0x0] =	wrdreg $0x0  }
0xae: {  	s6 =	sshll.u32 s28, $0x1;
	[dreg:$0x2] =	wrdreg s4  }
0xaf: {  	[dreg:$0x3] =	wrdreg s6  }
0xb0: {  	[dreg:$0x4] =	wrdreg $0xC0  }
0xb1: {  	_ =	task [dreg:s8], $0x5FFFF  }
0xb2: {  	[dreg:$0x1] =	wrdreg $0xFFFFFFFF  }
0xb3: {  	[dreg:$0x0] =	wrdreg $0x60  }
0xb4: {  	[dreg:$0x2] =	wrdreg s16  }
0xb5: {  	[dreg:$0x3] =	wrdreg s17  }
0xb6: {  	[dreg:$0x4] =	wrdreg s24  }
0xb7: {  	[dreg:$0x5] =	wrdreg $0x122800  }
0xb8: {  	[dreg:$0x6] =	wrdreg $0x9  }
0xb9: {  	_ =	task.clear_ibuf [dreg:s8], $0x7FFFF;
	_ =	strace $0x90000046  }
0xba: {  	s29 =	simm.s32 $0x9;
	_ =	strace $0x80000048  }
0xbb: {  	_ =	swait.ge [sflag:s29], $0x1  }
0xbc: {  	[sflag:s29] =	ssyncadd.s32 $0xFFFFFFFF  }
0xbd: {  	_ =	strace $0x90000048  }
0xbe: {  	_ =	sfence  }
0xbf: {  	s30 =	sld [smem:$0x0];
	_ =	sdelay $0x2  }
0xc0: {  	s31 =	sshll.u32 s1, $0xD;
	s1 =	sshrl.u32 s1, $0x2  }
0xc1: {  	s3 =	sand.u32 $0x4000, s31;
	s1 =	sadd.s32 s1, s30  }
0xc2: {  	s0 =	sor.u32 s3, s0;
	s1 =	sshll.u32 s1, $0x11  }
0xc3: {  	s0 =	sor.u32 s1, s0  }
0xc4: {  	s0 =	sadd.s32 $0x8F2B, s0  }
0xc5: {  	[sflag:s0] =	ssyncadd.remote.s32 $0x1  }
0xc6: {  	_ =	sfence.sel $0xFFFF  }
0xc7: {  	[dreg:$0x0] =	wrdreg $0xFFFFFFFF;
	(pc) =	sbr.abs _section_cstart, $3  }
0xc8: {  	[dreg:$0x1] =	wrdreg $0xFFFFFFFF  }
0xc9: {  	_ =	task.clear_ibuf [dreg:s8], $0x2FFFF;
	_ =	strace $0x9FFFFFFF  }
0xca: {  	(tm) =	ssettm $0x7FFFFFFF  }
0xcb: {  	_ =	shalt  }
tec
execute0_lowered:
.L_overlay_start_1:
0x0: {  	(tag) =	ssettag $0x1  }
0x1: {  	s4 =	rddreg [dreg:$0x0];
	s0 =	srdreg.scid  }
0x2: {  	s6 =	rddreg [dreg:$0x1];
	s3 =	stileid.u32;
	s1 =	simm.s32 $0x0  }
0x3: {  	s30 =	simm.s32 $0x3;
	s31 =	simm.s32 $0x1F80;
	s7 =	smul.u32 $0x3E8, s3  }
0x4: {  	s5 =	sand.u32 $0x1, s0;
	s0 =	rddreg [dreg:$0x2];
	s3 =	smul.u32 $0xC350, s3  }
0x5: {  	[smem:$0x7FF] =	sst s1;
	s2 =	ssub.s32 $0x2, s5;
	s5 =	smul.u32 $0x7A1200, s5  }
0x6: {  	s8 =	sshrl.u32 s2, $0x1;
	s24 =	sadd.s32 s4, s7;
	s25 =	sadd.s32 s6, s7  }
0x7: {  	s4 =	sadd.s32 $0x61A8, s3;
	s29 =	ssub.s32 s2, s8;
	[dreg:$0xe] =	wrdreg s24  }
0x8: {  	[dreg:$0xf] =	wrdreg s25;
	s26 =	sadd.s32 s3, s5;
	s2 =	sadd.s32 s5, s4  }
0x9: {  	s6 =	sadd.s32 $0xC3500, s5;
	s22 =	sadd.s32 $0x30D400, s5;
	s7 =	sshrl.u32 s26, $0x3  }
0xa: {  	s8 =	sshrl.u32 s2, $0x3;
	s9 =	sadd.s32 s3, s6;
	s11 =	sadd.s32 s4, s6  }
0xb: {  	s25 =	sadd.s32 s4, s22;
	s2 =	sadd.s32 $0x557300, s5;
	s7 =	sadd.s32 s0, s7  }
0xc: {  	s29 =	smax.u32 s29, $0x1;
	s8 =	sadd.s32 s0, s8;
	[dreg:$0x5] =	wrdreg s7  }
0xd: {  	v1 =	vmov s6;
	s6 =	simm.s32 $0x0;
	s9 =	sshrl.u32 s9, $0x3;
	[dreg:$0x6] =	wrdreg s8  }
0xe: {  	s10 =	sadd.s32 s0, s9;
	s7 =	sadd.s32 $0x186A00, s5;
	s8 =	sshrl.u32 s11, $0x3  }
0xf: {  	s11 =	sadd.s32 $0x61A800, s5;
	[dreg:$0x7] =	wrdreg s10;
	s12 =	sadd.s32 s3, s7  }
0x10: {  	s10 =	sadd.s32 s4, s7;
	s13 =	sadd.s32 s0, s8;
	s8 =	sadd.s32 $0x249F00, s5  }
0x11: {  	[dreg:$0x8] =	wrdreg s13;
	s14 =	sshrl.u32 s12, $0x3;
	s15 =	sshrl.u32 s10, $0x3  }
0x12: {  	s18 =	sadd.s32 s3, s8;
	s19 =	sadd.s32 s4, s8;
	s12 =	sadd.s32 s3, s22  }
0x13: {  	v4 =	vmov s22;
	s22 =	simm.s32 $0x5E80;
	s16 =	sadd.s32 s0, s14;
	s17 =	sadd.s32 s0, s15  }
0x14: {  	s9 =	sshrl.u32 s18, $0x3;
	s10 =	sshrl.u32 s19, $0x3;
	s23 =	sshrl.u32 s12, $0x3  }
0x15: {  	s18 =	sadd.s32 s3, s2;
	s19 =	sadd.s32 s4, s2;
	[dreg:$0x9] =	wrdreg s16  }
0x16: {  	v7 =	vmov s2;
	s12 =	sadd.s32 $0x6DDD00, s5;
	s2 =	simm.s32 $0x1F40;
	[dreg:$0xa] =	wrdreg s17  }
0x17: {  	s20 =	sadd.s32 s0, s9;
	s24 =	sadd.s32 s0, s23;
	s23 =	rddreg [dreg:$0x3]  }
0x18: {  	s21 =	sadd.s32 s0, s10;
	s10 =	sadd.s32 $0x3D0900, s5;
	[dreg:$0xb] =	wrdreg s20  }
0x19: {  	s9 =	sshrl.u32 s25, $0x3;
	s18 =	sshrl.u32 s18, $0x3;
	[dreg:$0xc] =	wrdreg s21  }
0x1a: {  	s19 =	sshrl.u32 s19, $0x3;
	s25 =	sadd.s32 s4, s12;
	[dreg:$0xd] =	wrdreg s24  }
0x1b: {  	s14 =	sadd.s32 s3, s10;
	s15 =	sadd.s32 s4, s10;
	s13 =	sadd.s32 s0, s9  }
0x1c: {  	s9 =	sadd.s32 $0x493E00, s5;
	s18 =	sadd.s32 s0, s18;
	s20 =	sadd.s32 s3, s11  }
0x1d: {  	s21 =	sadd.s32 s4, s11;
	s19 =	sadd.s32 s0, s19;
	s24 =	sadd.s32 s3, s12  }
0x1e: {  	v0 =	vmov s5;
	s25 =	sshrl.u32 s25, $0x3;
	s28 =	sadd.s32 s4, s23;
	s5 =	simm.s32 $0xC080  }
0x1f: {  	s26 =	sshrl.u32 s14, $0x3;
	s15 =	sshrl.u32 s15, $0x3;
	s16 =	sadd.s32 s3, s9  }
0x20: {  	s17 =	sadd.s32 s4, s9;
	s20 =	sshrl.u32 s20, $0x3;
	s21 =	sshrl.u32 s21, $0x3  }
0x21: {  	s24 =	sshrl.u32 s24, $0x3;
	s25 =	sadd.s32 s0, s25;
	_ =	strace $0x80000047  }
0x22: {  	s4 =	simm.s32 $0x1;
	s14 =	sadd.s32 s0, s26;
	s15 =	sadd.s32 s0, s15  }
0x23: {  	s16 =	sshrl.u32 s16, $0x3;
	s17 =	sshrl.u32 s17, $0x3;
	s20 =	sadd.s32 s0, s20  }
0x24: {  	v10 =	vimm.f32 $1.000000000e+00;
	v11 =	vimm.f32 $0.0e+00;
	v8 =	vmov s11;
	s21 =	sadd.s32 s0, s21;
	s24 =	sadd.s32 s0, s24;
	s11 =	rddreg [dreg:$0xe]  }
0x25: {  	v12 =	vlaneseq.u32;
	v2 =	vmov s7;
	v9 =	vmov s12;
	s26 =	sadd.s32 s3, s23;
	s12 =	rddreg [dreg:$0xf];
	s3 =	simm.s32 $0x3F00  }
0x26: {  	v3 =	vmov s8;
	v5 =	vmov s10;
	v6 =	vmov s9;
	s16 =	sadd.s32 s0, s16;
	s17 =	sadd.s32 s0, s17;
	s0 =	simm.s32 $0x2  }
.LBB2_1:
0x27: {  	[tilespmem:s1], [sflag:$0x3] =	stream.linear.gather [hbm4b:s11+s1], $0x1F40, $0x38;
	[tilespmem:$0x1E7C8] =	vst v63  }
0x28: {  	_ =	swait.ge [sflag:s30], $0x1F40  }
0x29: {  	[sflag:s30] =	ssyncset.done $0x0  }
0x2a: {  	[sflag:s30] =	ssyncadd.s32 $0xFFFFE0C0  }
0x2b: {  	[tilespmem:s31], [sflag:$0x3] =	stream.linear.gather [hbm4b:s12+s1], $0x1F40, $0x38;
	[tilespmem:$0x1E7C8] =	vst v63  }
0x2c: {  	_ =	swait.ge [sflag:s30], $0x1F40  }
0x2d: {  	[sflag:s30] =	ssyncset.done $0x0  }
0x2e: {  	s7 =	simm.s32 $0x0;
	[sflag:s30] =	ssyncadd.s32 $0xFFFFE0C0  }
0x2f: {  	v14 =	vld [tilespmem:s7+$0x1F80];
	_ =	sdelay $0x1  }
0x30: {  	v13 =	vld [tilespmem:s7+$0x0];
	_ =	sdelay $0x2  }
0x31: {  	v14 =	vmul.u32 $0x7D0, v14  }
0x32: {  	s8 =	simm.s32 $0x10;
	s9 =	simm.s32 $0x80  }
.LBB2_2:
0x33: {  	p0 =	sne.s32 s9, $0x7CC0;
	v15 =	vld [tilespmem:s8+$0x1F80];
	v13 =	vadd.s32 v13, v14  }
0x34: {  	[tilespmem:s7+$0x0] =	vst v13;
	s7 =	smov.u32 s8  }
.Ltmp0:
0x35: {  	v13 =	vld [tilespmem:s7+$0x0];
	(pc) =	sbr.rel @p0 .LBB2_2-.Ltmp0, $3  }
0x36: {  	_ =	sdelay $0x1  }
0x37: {  	v14 =	vmul.u32 $0x7D0, v15  }
0x38: {  	s8 =	sshra.s32 s9, $0x2;
	s9 =	sadd.s32 $0x40, s9  }
0x39: {  	v15 =	vld [tilespmem:s8+$0x1F80];
	v13 =	vadd.s32 v13, v14  }
0x3a: {  	[tilespmem:s7+$0x0] =	vst v13  }
0x3b: {  	v13 =	vld [tilespmem:s8+$0x0];
	_ =	sdelay $0x2  }
0x3c: {  	v14 =	vmul.u32 $0x7D0, v15;
	_ =	sdelay $0x1  }
0x3d: {  	v13 =	vadd.s32 v13, v14  }
0x3e: {  	s7 =	simm.s32 $0x40;
	[tilespmem:s8+$0x0] =	vst v13;
	s8 =	simm.s32 $0x0  }
.LBB2_4:
0x3f: {  	p0 =	sne.s32 s7, $0x7CC0;
	[tilespmem:s8+$0x3F00] =	vst v10;
	s8 =	smov.u32 s7;
	s7 =	sadd.s32 $0x40, s7  }
.Ltmp1:
0x40: {  	(pc) =	sbr.rel @p0 .LBB2_4-.Ltmp1, $2  }
0x41: {  	_ =	sdelay $0x2  }
0x42: {  	s8 =	sshra.s32 s8, $0x2  }
0x43: {  	[tilespmem:s8+$0x3F00] =	vst v10;
	s7 =	simm.s32 $0x40;
	s8 =	simm.s32 $0x0  }
.LBB2_6:
0x44: {  	p0 =	sne.s32 s7, $0x18640;
	[tilespmem:s8+$0x5E80] =	vst v11;
	s8 =	smov.u32 s7;
	s7 =	sadd.s32 $0x40, s7  }
.Ltmp2:
0x45: {  	(pc) =	sbr.rel @p0 .LBB2_6-.Ltmp2, $2  }
0x46: {  	_ =	sdelay $0x2  }
0x47: {  	s8 =	sshra.s32 s8, $0x2  }
0x48: {  	[tilespmem:s8+$0x5E80] =	vst v11  }
0x49: {  	[spmem:s26] =	stream.linear.scatter [tilespmem:s22], [sflag:$0x2], $0x61A8, $0x38;
	[tilespmem:$0x1E7C8] =	vst v63  }
0x4a: {  	s7 =	simm.s32 $0x0  }
0x4b: {  	[spmem:s28] =	stream.linear.scatter [tilespmem:s22], [sflag:$0x2], $0x61A8, $0x38;
	[tilespmem:$0x1E7C8] =	vst v63  }
0x4c: {  	v13 =	vld [tilespmem:s7+$0x0];
	_ =	sdelay $0x4  }
0x4d: {  	s10 =	simm.s32 $0xC3500;
	v13 =	vsub.s32 v13, v0  }
0x4e: {  	v14 =	vor.u32 s10, v12;
	vm0 =	vlt.u32 v13, $0xC3500  }
0x4f: {  	s7 =	simm.s32 $0x1F80;
	v13 =	vsel vm0, v13, v14  }
0x50: {  	s9 =	simm.s32 $0x10;
	[tilespmem:s7+$0x0] =	vst v13  }
0x51: {  	s8 =	simm.s32 $0xC3510;
	s10 =	simm.s32 $0xC3520;
	v13 =	vld [tilespmem:s9+$0x0]  }
.LBB2_8:
0x52: {  	p0 =	sne.s32 s10, $0xC5430;
	_ =	sdelay $0x3  }
.Ltmp3:
0x53: {  	v13 =	vsub.s32 v13, v0;
	(pc) =	sbr.rel @p0 .LBB2_8-.Ltmp3, $4  }
0x54: {  	v14 =	vor.u32 s8, v12;
	s8 =	smov.u32 s10;
	vm0 =	vlt.u32 v13, $0xC3500  }
0x55: {  	s7 =	sadd.s32 $0x10, s7;
	v13 =	vsel vm0, v13, v14  }
0x56: {  	s9 =	sadd.s32 $0x10, s9;
	[tilespmem:s7+$0x0] =	vst v13  }
0x57: {  	s10 =	sadd.s32 $0x10, s10;
	v13 =	vld [tilespmem:s9+$0x0]  }
0x58: {  	_ =	sdelay $0x3  }
0x59: {  	v13 =	vsub.s32 v13, v0  }
0x5a: {  	v14 =	vor.u32 s8, v12;
	vm0 =	vlt.u32 v13, $0xC3500  }
0x5b: {  	s7 =	sadd.s32 $0x10, s7;
	v13 =	vsel vm0, v13, v14  }
0x5c: {  	[tilespmem:s7+$0x0] =	vst v13  }
0x5d: {  	_ =	swait.ge [sflag:s0], $0x61A8  }
0x5e: {  	[sflag:s0] =	ssyncset.done $0x0  }
0x5f: {  	[sflag:s0] =	ssyncadd.s32 $0xFFFF9E58  }
0x60: {  	_ =	swait.ge [sflag:s0], $0x61A8  }
0x61: {  	[sflag:s0] =	ssyncset.done $0x0  }
0x62: {  	[sflag:s0] =	ssyncadd.s32 $0xFFFF9E58  }
0x63: {  	s7 =	simm.s32 $0x1F80;
	[bflag:$0x0] =	sbarrier.arrive $0xFFFF  }
0x64: {  	[spmem:s23] =	stream.indirect.scatter.add.f32 [tilespmem:s3], [sflag:$0x1], $0x1, s7, s2, $0xb8;
	[tilespmem:$0x1E7C8] =	vst v63  }
0x65: {  	_ =	swait.ge [sflag:s4], $0x1F40  }
0x66: {  	[sflag:s4] =	ssyncset.done $0x0  }
0x67: {  	[sflag:s4] =	ssyncadd.s32 $0xFFFFE0C0  }
0x68: {  	[bflag:$0x0] =	sbarrier.arrive $0xFFFF  }
0x69: {  	[tilespmem:s5], [sflag:$0x3] =	stream.linear.gather [spmem:s26], $0x61A8, $0x38;
	[tilespmem:$0x1E7C8] =	vst v63  }
0x6a: {  	_ =	swait.ge [sflag:s30], $0x61A8  }
0x6b: {  	[sflag:s30] =	ssyncset.done $0x0  }
0x6c: {  	s8 =	simm.s32 $0x0;
	s9 =	rddreg [dreg:$0x5];
	[sflag:s30] =	ssyncadd.s32 $0xFFFF9E58  }
0x6d: {  	[hbm4b:s9+s8] =	stream.linear.scatter [tilespmem:s5], [sflag:$0x3], $0x61A8, $0x38;
	[tilespmem:$0x1E7C8] =	vst v63  }
0x6e: {  	_ =	swait.ge [sflag:s30], $0x61A8  }
0x6f: {  	[sflag:s30] =	ssyncset.done $0x0  }
0x70: {  	[sflag:s30] =	ssyncadd.s32 $0xFFFF9E58  }
0x71: {  	[tilespmem:s5], [sflag:$0x3] =	stream.linear.gather [spmem:s28], $0x61A8, $0x38;
	[tilespmem:$0x1E7C8] =	vst v63  }
0x72: {  	_ =	swait.ge [sflag:s30], $0x61A8  }
0x73: {  	[sflag:s30] =	ssyncset.done $0x0  }
0x74: {  	s10 =	rddreg [dreg:$0x6];
	[sflag:s30] =	ssyncadd.s32 $0xFFFF9E58  }
0x75: {  	[hbm4b:s10+s8] =	stream.linear.scatter [tilespmem:s5], [sflag:$0x3], $0x61A8, $0x38;
	[tilespmem:$0x1E7C8] =	vst v63  }
0x76: {  	_ =	swait.ge [sflag:s30], $0x61A8  }
0x77: {  	[sflag:s30] =	ssyncset.done $0x0  }
0x78: {  	[sflag:s30] =	ssyncadd.s32 $0xFFFF9E58  }
0x79: {  	[bflag:$0x0] =	sbarrier.arrive $0xFFFF  }
0x7a: {  	[spmem:s26] =	stream.linear.scatter [tilespmem:s22], [sflag:$0x2], $0x61A8, $0x38;
	[tilespmem:$0x1E7C8] =	vst v63  }
0x7b: {  	_ = 	snop  }
0x7c: {  	[spmem:s28] =	stream.linear.scatter [tilespmem:s22], [sflag:$0x2], $0x61A8, $0x38;
	[tilespmem:$0x1E7C8] =	vst v63  }
0x7d: {  	v13 =	vld [tilespmem:s8+$0x0];
	_ =	sdelay $0x4  }
0x7e: {  	s10 =	simm.s32 $0xC3500;
	v13 =	vsub.s32 v13, v1  }
0x7f: {  	v14 =	vor.u32 s10, v12;
	vm15 =	vlt.u32 v13, $0xC3500  }
0x80: {  	v13 =	vsel vm15, v13, v14  }
0x81: {  	s9 =	simm.s32 $0x10;
	[tilespmem:s7+$0x0] =	vst v13  }
0x82: {  	s10 =	simm.s32 $0xC3520;
	s8 =	simm.s32 $0xC3510;
	v13 =	vld [tilespmem:s9+$0x0]  }
.LBB2_10:
0x83: {  	p0 =	sne.s32 s10, $0xC5430;
	_ =	sdelay $0x3  }
.Ltmp4:
0x84: {  	v13 =	vsub.s32 v13, v1;
	(pc) =	sbr.rel @p0 .LBB2_10-.Ltmp4, $4  }
0x85: {  	v14 =	vor.u32 s8, v12;
	s8 =	smov.u32 s10;
	vm0 =	vlt.u32 v13, $0xC3500  }
0x86: {  	s7 =	sadd.s32 $0x10, s7;
	v13 =	vsel vm0, v13, v14  }
0x87: {  	s9 =	sadd.s32 $0x10, s9;
	[tilespmem:s7+$0x0] =	vst v13  }
0x88: {  	s10 =	sadd.s32 $0x10, s10;
	v13 =	vld [tilespmem:s9+$0x0]  }
0x89: {  	_ =	sdelay $0x3  }
0x8a: {  	v13 =	vsub.s32 v13, v1  }
0x8b: {  	v14 =	vor.u32 s8, v12;
	vm0 =	vlt.u32 v13, $0xC3500  }
0x8c: {  	s7 =	sadd.s32 $0x10, s7;
	v13 =	vsel vm0, v13, v14  }
0x8d: {  	[tilespmem:s7+$0x0] =	vst v13  }
0x8e: {  	_ =	swait.ge [sflag:s0], $0x61A8  }
0x8f: {  	[sflag:s0] =	ssyncset.done $0x0  }
0x90: {  	[sflag:s0] =	ssyncadd.s32 $0xFFFF9E58  }
0x91: {  	_ =	swait.ge [sflag:s0], $0x61A8  }
0x92: {  	[sflag:s0] =	ssyncset.done $0x0  }
0x93: {  	[sflag:s0] =	ssyncadd.s32 $0xFFFF9E58  }
0x94: {  	s7 =	simm.s32 $0x1F80;
	[bflag:$0x0] =	sbarrier.arrive $0xFFFF  }
0x95: {  	[spmem:s23] =	stream.indirect.scatter.add.f32 [tilespmem:s3], [sflag:$0x1], $0x1, s7, s2, $0xb8;
	[tilespmem:$0x1E7C8] =	vst v63  }
0x96: {  	_ =	swait.ge [sflag:s4], $0x1F40  }
0x97: {  	[sflag:s4] =	ssyncset.done $0x0  }
0x98: {  	[sflag:s4] =	ssyncadd.s32 $0xFFFFE0C0  }
0x99: {  	[bflag:$0x0] =	sbarrier.arrive $0xFFFF  }
0x9a: {  	[tilespmem:s5], [sflag:$0x3] =	stream.linear.gather [spmem:s26], $0x61A8, $0x38;
	[tilespmem:$0x1E7C8] =	vst v63  }
0x9b: {  	_ =	swait.ge [sflag:s30], $0x61A8  }
0x9c: {  	[sflag:s30] =	ssyncset.done $0x0  }
0x9d: {  	s8 =	simm.s32 $0x0;
	s9 =	rddreg [dreg:$0x7];
	[sflag:s30] =	ssyncadd.s32 $0xFFFF9E58  }
0x9e: {  	[hbm4b:s9+s8] =	stream.linear.scatter [tilespmem:s5], [sflag:$0x3], $0x61A8, $0x38;
	[tilespmem:$0x1E7C8] =	vst v63  }
0x9f: {  	_ =	swait.ge [sflag:s30], $0x61A8  }
0xa0: {  	[sflag:s30] =	ssyncset.done $0x0  }
0xa1: {  	[sflag:s30] =	ssyncadd.s32 $0xFFFF9E58  }
0xa2: {  	[tilespmem:s5], [sflag:$0x3] =	stream.linear.gather [spmem:s28], $0x61A8, $0x38;
	[tilespmem:$0x1E7C8] =	vst v63  }
0xa3: {  	_ =	swait.ge [sflag:s30], $0x61A8  }
0xa4: {  	[sflag:s30] =	ssyncset.done $0x0  }
0xa5: {  	s10 =	rddreg [dreg:$0x8];
	[sflag:s30] =	ssyncadd.s32 $0xFFFF9E58  }
0xa6: {  	[hbm4b:s10+s8] =	stream.linear.scatter [tilespmem:s5], [sflag:$0x3], $0x61A8, $0x38;
	[tilespmem:$0x1E7C8] =	vst v63  }
0xa7: {  	_ =	swait.ge [sflag:s30], $0x61A8  }
0xa8: {  	[sflag:s30] =	ssyncset.done $0x0  }
0xa9: {  	[sflag:s30] =	ssyncadd.s32 $0xFFFF9E58  }
0xaa: {  	[bflag:$0x0] =	sbarrier.arrive $0xFFFF  }
0xab: {  	[spmem:s26] =	stream.linear.scatter [tilespmem:s22], [sflag:$0x2], $0x61A8, $0x38;
	[tilespmem:$0x1E7C8] =	vst v63  }
0xac: {  	_ = 	snop  }
0xad: {  	[spmem:s28] =	stream.linear.scatter [tilespmem:s22], [sflag:$0x2], $0x61A8, $0x38;
	[tilespmem:$0x1E7C8] =	vst v63  }
0xae: {  	v13 =	vld [tilespmem:s8+$0x0];
	_ =	sdelay $0x4  }
0xaf: {  	s10 =	simm.s32 $0xC3500;
	v13 =	vsub.s32 v13, v2  }
0xb0: {  	v14 =	vor.u32 s10, v12;
	vm15 =	vlt.u32 v13, $0xC3500  }
0xb1: {  	v13 =	vsel vm15, v13, v14  }
0xb2: {  	s9 =	simm.s32 $0x10;
	[tilespmem:s7+$0x0] =	vst v13  }
0xb3: {  	s10 =	simm.s32 $0xC3520;
	s8 =	simm.s32 $0xC3510;
	v13 =	vld [tilespmem:s9+$0x0]  }
.LBB2_12:
0xb4: {  	p0 =	sne.s32 s10, $0xC5430;
	_ =	sdelay $0x3  }
.Ltmp5:
0xb5: {  	v13 =	vsub.s32 v13, v2;
	(pc) =	sbr.rel @p0 .LBB2_12-.Ltmp5, $4  }
0xb6: {  	v14 =	vor.u32 s8, v12;
	s8 =	smov.u32 s10;
	vm0 =	vlt.u32 v13, $0xC3500  }
0xb7: {  	s7 =	sadd.s32 $0x10, s7;
	v13 =	vsel vm0, v13, v14  }
0xb8: {  	s9 =	sadd.s32 $0x10, s9;
	[tilespmem:s7+$0x0] =	vst v13  }
0xb9: {  	s10 =	sadd.s32 $0x10, s10;
	v13 =	vld [tilespmem:s9+$0x0]  }
0xba: {  	_ =	sdelay $0x3  }
0xbb: {  	v13 =	vsub.s32 v13, v2  }
0xbc: {  	v14 =	vor.u32 s8, v12;
	vm0 =	vlt.u32 v13, $0xC3500  }
0xbd: {  	s7 =	sadd.s32 $0x10, s7;
	v13 =	vsel vm0, v13, v14  }
0xbe: {  	[tilespmem:s7+$0x0] =	vst v13  }
0xbf: {  	_ =	swait.ge [sflag:s0], $0x61A8  }
0xc0: {  	[sflag:s0] =	ssyncset.done $0x0  }
0xc1: {  	[sflag:s0] =	ssyncadd.s32 $0xFFFF9E58  }
0xc2: {  	_ =	swait.ge [sflag:s0], $0x61A8  }
0xc3: {  	[sflag:s0] =	ssyncset.done $0x0  }
0xc4: {  	[sflag:s0] =	ssyncadd.s32 $0xFFFF9E58  }
0xc5: {  	s7 =	simm.s32 $0x1F80;
	[bflag:$0x0] =	sbarrier.arrive $0xFFFF  }
0xc6: {  	[spmem:s23] =	stream.indirect.scatter.add.f32 [tilespmem:s3], [sflag:$0x1], $0x1, s7, s2, $0xb8;
	[tilespmem:$0x1E7C8] =	vst v63  }
0xc7: {  	_ =	swait.ge [sflag:s4], $0x1F40  }
0xc8: {  	[sflag:s4] =	ssyncset.done $0x0  }
0xc9: {  	[sflag:s4] =	ssyncadd.s32 $0xFFFFE0C0  }
0xca: {  	[bflag:$0x0] =	sbarrier.arrive $0xFFFF  }
0xcb: {  	[tilespmem:s5], [sflag:$0x3] =	stream.linear.gather [spmem:s26], $0x61A8, $0x38;
	[tilespmem:$0x1E7C8] =	vst v63  }
0xcc: {  	_ =	swait.ge [sflag:s30], $0x61A8  }
0xcd: {  	[sflag:s30] =	ssyncset.done $0x0  }
0xce: {  	s8 =	simm.s32 $0x0;
	s9 =	rddreg [dreg:$0x9];
	[sflag:s30] =	ssyncadd.s32 $0xFFFF9E58  }
0xcf: {  	[hbm4b:s9+s8] =	stream.linear.scatter [tilespmem:s5], [sflag:$0x3], $0x61A8, $0x38;
	[tilespmem:$0x1E7C8] =	vst v63  }
0xd0: {  	_ =	swait.ge [sflag:s30], $0x61A8  }
0xd1: {  	[sflag:s30] =	ssyncset.done $0x0  }
0xd2: {  	[sflag:s30] =	ssyncadd.s32 $0xFFFF9E58  }
0xd3: {  	[tilespmem:s5], [sflag:$0x3] =	stream.linear.gather [spmem:s28], $0x61A8, $0x38;
	[tilespmem:$0x1E7C8] =	vst v63  }
0xd4: {  	_ =	swait.ge [sflag:s30], $0x61A8  }
0xd5: {  	[sflag:s30] =	ssyncset.done $0x0  }
0xd6: {  	s10 =	rddreg [dreg:$0xa];
	[sflag:s30] =	ssyncadd.s32 $0xFFFF9E58  }
0xd7: {  	[hbm4b:s10+s8] =	stream.linear.scatter [tilespmem:s5], [sflag:$0x3], $0x61A8, $0x38;
	[tilespmem:$0x1E7C8] =	vst v63  }
0xd8: {  	_ =	swait.ge [sflag:s30], $0x61A8  }
0xd9: {  	[sflag:s30] =	ssyncset.done $0x0  }
0xda: {  	[sflag:s30] =	ssyncadd.s32 $0xFFFF9E58  }
0xdb: {  	[bflag:$0x0] =	sbarrier.arrive $0xFFFF  }
0xdc: {  	[spmem:s26] =	stream.linear.scatter [tilespmem:s22], [sflag:$0x2], $0x61A8, $0x38;
	[tilespmem:$0x1E7C8] =	vst v63  }
0xdd: {  	_ = 	snop  }
0xde: {  	[spmem:s28] =	stream.linear.scatter [tilespmem:s22], [sflag:$0x2], $0x61A8, $0x38;
	[tilespmem:$0x1E7C8] =	vst v63  }
0xdf: {  	v13 =	vld [tilespmem:s8+$0x0];
	_ =	sdelay $0x4  }
0xe0: {  	s10 =	simm.s32 $0xC3500;
	v13 =	vsub.s32 v13, v3  }
0xe1: {  	v14 =	vor.u32 s10, v12;
	vm15 =	vlt.u32 v13, $0xC3500  }
0xe2: {  	v13 =	vsel vm15, v13, v14  }
0xe3: {  	s9 =	simm.s32 $0x10;
	[tilespmem:s7+$0x0] =	vst v13  }
0xe4: {  	s10 =	simm.s32 $0xC3520;
	s8 =	simm.s32 $0xC3510;
	v13 =	vld [tilespmem:s9+$0x0]  }
.LBB2_14:
0xe5: {  	p0 =	sne.s32 s10, $0xC5430;
	_ =	sdelay $0x3  }
.Ltmp6:
0xe6: {  	v13 =	vsub.s32 v13, v3;
	(pc) =	sbr.rel @p0 .LBB2_14-.Ltmp6, $4  }
0xe7: {  	v14 =	vor.u32 s8, v12;
	s8 =	smov.u32 s10;
	vm0 =	vlt.u32 v13, $0xC3500  }
0xe8: {  	s7 =	sadd.s32 $0x10, s7;
	v13 =	vsel vm0, v13, v14  }
0xe9: {  	s9 =	sadd.s32 $0x10, s9;
	[tilespmem:s7+$0x0] =	vst v13  }
0xea: {  	s10 =	sadd.s32 $0x10, s10;
	v13 =	vld [tilespmem:s9+$0x0]  }
0xeb: {  	_ =	sdelay $0x3  }
0xec: {  	v13 =	vsub.s32 v13, v3  }
0xed: {  	v14 =	vor.u32 s8, v12;
	vm0 =	vlt.u32 v13, $0xC3500  }
0xee: {  	s7 =	sadd.s32 $0x10, s7;
	v13 =	vsel vm0, v13, v14  }
0xef: {  	[tilespmem:s7+$0x0] =	vst v13  }
0xf0: {  	_ =	swait.ge [sflag:s0], $0x61A8  }
0xf1: {  	[sflag:s0] =	ssyncset.done $0x0  }
0xf2: {  	[sflag:s0] =	ssyncadd.s32 $0xFFFF9E58  }
0xf3: {  	_ =	swait.ge [sflag:s0], $0x61A8  }
0xf4: {  	[sflag:s0] =	ssyncset.done $0x0  }
0xf5: {  	[sflag:s0] =	ssyncadd.s32 $0xFFFF9E58  }
0xf6: {  	s7 =	simm.s32 $0x1F80;
	[bflag:$0x0] =	sbarrier.arrive $0xFFFF  }
0xf7: {  	[spmem:s23] =	stream.indirect.scatter.add.f32 [tilespmem:s3], [sflag:$0x1], $0x1, s7, s2, $0xb8;
	[tilespmem:$0x1E7C8] =	vst v63  }
0xf8: {  	_ =	swait.ge [sflag:s4], $0x1F40  }
0xf9: {  	[sflag:s4] =	ssyncset.done $0x0  }
0xfa: {  	[sflag:s4] =	ssyncadd.s32 $0xFFFFE0C0  }
0xfb: {  	[bflag:$0x0] =	sbarrier.arrive $0xFFFF  }
0xfc: {  	[tilespmem:s5], [sflag:$0x3] =	stream.linear.gather [spmem:s26], $0x61A8, $0x38;
	[tilespmem:$0x1E7C8] =	vst v63  }
0xfd: {  	_ =	swait.ge [sflag:s30], $0x61A8  }
0xfe: {  	[sflag:s30] =	ssyncset.done $0x0  }
0xff: {  	s8 =	simm.s32 $0x0;
	s9 =	rddreg [dreg:$0xb];
	[sflag:s30] =	ssyncadd.s32 $0xFFFF9E58  }
0x100: {  	[hbm4b:s9+s8] =	stream.linear.scatter [tilespmem:s5], [sflag:$0x3], $0x61A8, $0x38;
	[tilespmem:$0x1E7C8] =	vst v63  }
0x101: {  	_ =	swait.ge [sflag:s30], $0x61A8  }
0x102: {  	[sflag:s30] =	ssyncset.done $0x0  }
0x103: {  	[sflag:s30] =	ssyncadd.s32 $0xFFFF9E58  }
0x104: {  	[tilespmem:s5], [sflag:$0x3] =	stream.linear.gather [spmem:s28], $0x61A8, $0x38;
	[tilespmem:$0x1E7C8] =	vst v63  }
0x105: {  	_ =	swait.ge [sflag:s30], $0x61A8  }
0x106: {  	[sflag:s30] =	ssyncset.done $0x0  }
0x107: {  	s10 =	rddreg [dreg:$0xc];
	[sflag:s30] =	ssyncadd.s32 $0xFFFF9E58  }
0x108: {  	[hbm4b:s10+s8] =	stream.linear.scatter [tilespmem:s5], [sflag:$0x3], $0x61A8, $0x38;
	[tilespmem:$0x1E7C8] =	vst v63  }
0x109: {  	_ =	swait.ge [sflag:s30], $0x61A8  }
0x10a: {  	[sflag:s30] =	ssyncset.done $0x0  }
0x10b: {  	[sflag:s30] =	ssyncadd.s32 $0xFFFF9E58  }
0x10c: {  	[bflag:$0x0] =	sbarrier.arrive $0xFFFF  }
0x10d: {  	[spmem:s26] =	stream.linear.scatter [tilespmem:s22], [sflag:$0x2], $0x61A8, $0x38;
	[tilespmem:$0x1E7C8] =	vst v63  }
0x10e: {  	_ = 	snop  }
0x10f: {  	[spmem:s28] =	stream.linear.scatter [tilespmem:s22], [sflag:$0x2], $0x61A8, $0x38;
	[tilespmem:$0x1E7C8] =	vst v63  }
0x110: {  	v13 =	vld [tilespmem:s8+$0x0];
	_ =	sdelay $0x4  }
0x111: {  	s10 =	simm.s32 $0xC3500;
	v13 =	vsub.s32 v13, v4  }
0x112: {  	v14 =	vor.u32 s10, v12;
	vm15 =	vlt.u32 v13, $0xC3500  }
0x113: {  	v13 =	vsel vm15, v13, v14  }
0x114: {  	s9 =	simm.s32 $0x10;
	[tilespmem:s7+$0x0] =	vst v13  }
0x115: {  	s10 =	simm.s32 $0xC3520;
	s8 =	simm.s32 $0xC3510;
	v13 =	vld [tilespmem:s9+$0x0]  }
.LBB2_16:
0x116: {  	p0 =	sne.s32 s10, $0xC5430;
	_ =	sdelay $0x3  }
.Ltmp7:
0x117: {  	v13 =	vsub.s32 v13, v4;
	(pc) =	sbr.rel @p0 .LBB2_16-.Ltmp7, $4  }
0x118: {  	v14 =	vor.u32 s8, v12;
	s8 =	smov.u32 s10;
	vm0 =	vlt.u32 v13, $0xC3500  }
0x119: {  	s7 =	sadd.s32 $0x10, s7;
	v13 =	vsel vm0, v13, v14  }
0x11a: {  	s9 =	sadd.s32 $0x10, s9;
	[tilespmem:s7+$0x0] =	vst v13  }
0x11b: {  	s10 =	sadd.s32 $0x10, s10;
	v13 =	vld [tilespmem:s9+$0x0]  }
0x11c: {  	_ =	sdelay $0x3  }
0x11d: {  	v13 =	vsub.s32 v13, v4  }
0x11e: {  	v14 =	vor.u32 s8, v12;
	vm0 =	vlt.u32 v13, $0xC3500  }
0x11f: {  	s7 =	sadd.s32 $0x10, s7;
	v13 =	vsel vm0, v13, v14  }
0x120: {  	[tilespmem:s7+$0x0] =	vst v13  }
0x121: {  	_ =	swait.ge [sflag:s0], $0x61A8  }
0x122: {  	[sflag:s0] =	ssyncset.done $0x0  }
0x123: {  	[sflag:s0] =	ssyncadd.s32 $0xFFFF9E58  }
0x124: {  	_ =	swait.ge [sflag:s0], $0x61A8  }
0x125: {  	[sflag:s0] =	ssyncset.done $0x0  }
0x126: {  	[sflag:s0] =	ssyncadd.s32 $0xFFFF9E58  }
0x127: {  	s7 =	simm.s32 $0x1F80;
	[bflag:$0x0] =	sbarrier.arrive $0xFFFF  }
0x128: {  	[spmem:s23] =	stream.indirect.scatter.add.f32 [tilespmem:s3], [sflag:$0x1], $0x1, s7, s2, $0xb8;
	[tilespmem:$0x1E7C8] =	vst v63  }
0x129: {  	_ =	swait.ge [sflag:s4], $0x1F40  }
0x12a: {  	[sflag:s4] =	ssyncset.done $0x0  }
0x12b: {  	[sflag:s4] =	ssyncadd.s32 $0xFFFFE0C0  }
0x12c: {  	[bflag:$0x0] =	sbarrier.arrive $0xFFFF  }
0x12d: {  	[tilespmem:s5], [sflag:$0x3] =	stream.linear.gather [spmem:s26], $0x61A8, $0x38;
	[tilespmem:$0x1E7C8] =	vst v63  }
0x12e: {  	_ =	swait.ge [sflag:s30], $0x61A8  }
0x12f: {  	[sflag:s30] =	ssyncset.done $0x0  }
0x130: {  	s10 =	simm.s32 $0x0;
	s9 =	rddreg [dreg:$0xd];
	[sflag:s30] =	ssyncadd.s32 $0xFFFF9E58  }
0x131: {  	[hbm4b:s9+s10] =	stream.linear.scatter [tilespmem:s5], [sflag:$0x3], $0x61A8, $0x38;
	[tilespmem:$0x1E7C8] =	vst v63  }
0x132: {  	_ =	swait.ge [sflag:s30], $0x61A8  }
0x133: {  	[sflag:s30] =	ssyncset.done $0x0  }
0x134: {  	[sflag:s30] =	ssyncadd.s32 $0xFFFF9E58  }
0x135: {  	[tilespmem:s5], [sflag:$0x3] =	stream.linear.gather [spmem:s28], $0x61A8, $0x38;
	[tilespmem:$0x1E7C8] =	vst v63  }
0x136: {  	_ =	swait.ge [sflag:s30], $0x61A8  }
0x137: {  	[sflag:s30] =	ssyncset.done $0x0  }
0x138: {  	[sflag:s30] =	ssyncadd.s32 $0xFFFF9E58  }
0x139: {  	[hbm4b:s13+s10] =	stream.linear.scatter [tilespmem:s5], [sflag:$0x3], $0x61A8, $0x38;
	[tilespmem:$0x1E7C8] =	vst v63  }
0x13a: {  	_ =	swait.ge [sflag:s30], $0x61A8  }
0x13b: {  	[sflag:s30] =	ssyncset.done $0x0  }
0x13c: {  	[sflag:s30] =	ssyncadd.s32 $0xFFFF9E58  }
0x13d: {  	[bflag:$0x0] =	sbarrier.arrive $0xFFFF  }
0x13e: {  	[spmem:s26] =	stream.linear.scatter [tilespmem:s22], [sflag:$0x2], $0x61A8, $0x38;
	[tilespmem:$0x1E7C8] =	vst v63  }
0x13f: {  	_ = 	snop  }
0x140: {  	[spmem:s28] =	stream.linear.scatter [tilespmem:s22], [sflag:$0x2], $0x61A8, $0x38;
	[tilespmem:$0x1E7C8] =	vst v63  }
0x141: {  	v13 =	vld [tilespmem:s10+$0x0];
	_ =	sdelay $0x4  }
0x142: {  	s10 =	simm.s32 $0xC3500;
	v13 =	vsub.s32 v13, v5  }
0x143: {  	v14 =	vor.u32 s10, v12;
	vm15 =	vlt.u32 v13, $0xC3500  }
0x144: {  	v13 =	vsel vm15, v13, v14  }
0x145: {  	s9 =	simm.s32 $0x10;
	[tilespmem:s7+$0x0] =	vst v13  }
0x146: {  	s8 =	simm.s32 $0xC3510;
	s10 =	simm.s32 $0xC3520;
	v13 =	vld [tilespmem:s9+$0x0]  }
.LBB2_18:
0x147: {  	p0 =	sne.s32 s10, $0xC5430;
	_ =	sdelay $0x3  }
.Ltmp8:
0x148: {  	v13 =	vsub.s32 v13, v5;
	(pc) =	sbr.rel @p0 .LBB2_18-.Ltmp8, $4  }
0x149: {  	v14 =	vor.u32 s8, v12;
	s8 =	smov.u32 s10;
	vm0 =	vlt.u32 v13, $0xC3500  }
0x14a: {  	s7 =	sadd.s32 $0x10, s7;
	v13 =	vsel vm0, v13, v14  }
0x14b: {  	s9 =	sadd.s32 $0x10, s9;
	[tilespmem:s7+$0x0] =	vst v13  }
0x14c: {  	s10 =	sadd.s32 $0x10, s10;
	v13 =	vld [tilespmem:s9+$0x0]  }
0x14d: {  	_ =	sdelay $0x3  }
0x14e: {  	v13 =	vsub.s32 v13, v5  }
0x14f: {  	v14 =	vor.u32 s8, v12;
	vm0 =	vlt.u32 v13, $0xC3500  }
0x150: {  	s7 =	sadd.s32 $0x10, s7;
	v13 =	vsel vm0, v13, v14  }
0x151: {  	[tilespmem:s7+$0x0] =	vst v13  }
0x152: {  	_ =	swait.ge [sflag:s0], $0x61A8  }
0x153: {  	[sflag:s0] =	ssyncset.done $0x0  }
0x154: {  	[sflag:s0] =	ssyncadd.s32 $0xFFFF9E58  }
0x155: {  	_ =	swait.ge [sflag:s0], $0x61A8  }
0x156: {  	[sflag:s0] =	ssyncset.done $0x0  }
0x157: {  	[sflag:s0] =	ssyncadd.s32 $0xFFFF9E58  }
0x158: {  	s7 =	simm.s32 $0x1F80;
	[bflag:$0x0] =	sbarrier.arrive $0xFFFF  }
0x159: {  	[spmem:s23] =	stream.indirect.scatter.add.f32 [tilespmem:s3], [sflag:$0x1], $0x1, s7, s2, $0xb8;
	[tilespmem:$0x1E7C8] =	vst v63  }
0x15a: {  	_ =	swait.ge [sflag:s4], $0x1F40  }
0x15b: {  	[sflag:s4] =	ssyncset.done $0x0  }
0x15c: {  	[sflag:s4] =	ssyncadd.s32 $0xFFFFE0C0  }
0x15d: {  	[bflag:$0x0] =	sbarrier.arrive $0xFFFF  }
0x15e: {  	[tilespmem:s5], [sflag:$0x3] =	stream.linear.gather [spmem:s26], $0x61A8, $0x38;
	[tilespmem:$0x1E7C8] =	vst v63  }
0x15f: {  	_ =	swait.ge [sflag:s30], $0x61A8  }
0x160: {  	[sflag:s30] =	ssyncset.done $0x0  }
0x161: {  	s9 =	simm.s32 $0x0;
	[sflag:s30] =	ssyncadd.s32 $0xFFFF9E58  }
0x162: {  	[hbm4b:s14+s9] =	stream.linear.scatter [tilespmem:s5], [sflag:$0x3], $0x61A8, $0x38;
	[tilespmem:$0x1E7C8] =	vst v63  }
0x163: {  	_ =	swait.ge [sflag:s30], $0x61A8  }
0x164: {  	[sflag:s30] =	ssyncset.done $0x0  }
0x165: {  	[sflag:s30] =	ssyncadd.s32 $0xFFFF9E58  }
0x166: {  	[tilespmem:s5], [sflag:$0x3] =	stream.linear.gather [spmem:s28], $0x61A8, $0x38;
	[tilespmem:$0x1E7C8] =	vst v63  }
0x167: {  	_ =	swait.ge [sflag:s30], $0x61A8  }
0x168: {  	[sflag:s30] =	ssyncset.done $0x0  }
0x169: {  	[sflag:s30] =	ssyncadd.s32 $0xFFFF9E58  }
0x16a: {  	[hbm4b:s15+s9] =	stream.linear.scatter [tilespmem:s5], [sflag:$0x3], $0x61A8, $0x38;
	[tilespmem:$0x1E7C8] =	vst v63  }
0x16b: {  	_ =	swait.ge [sflag:s30], $0x61A8  }
0x16c: {  	[sflag:s30] =	ssyncset.done $0x0  }
0x16d: {  	[sflag:s30] =	ssyncadd.s32 $0xFFFF9E58  }
0x16e: {  	[bflag:$0x0] =	sbarrier.arrive $0xFFFF  }
0x16f: {  	[spmem:s26] =	stream.linear.scatter [tilespmem:s22], [sflag:$0x2], $0x61A8, $0x38;
	[tilespmem:$0x1E7C8] =	vst v63  }
0x170: {  	_ = 	snop  }
0x171: {  	[spmem:s28] =	stream.linear.scatter [tilespmem:s22], [sflag:$0x2], $0x61A8, $0x38;
	[tilespmem:$0x1E7C8] =	vst v63  }
0x172: {  	v13 =	vld [tilespmem:s9+$0x0];
	_ =	sdelay $0x4  }
0x173: {  	s10 =	simm.s32 $0xC3500;
	v13 =	vsub.s32 v13, v6  }
0x174: {  	v14 =	vor.u32 s10, v12;
	vm15 =	vlt.u32 v13, $0xC3500  }
0x175: {  	v13 =	vsel vm15, v13, v14  }
0x176: {  	s9 =	simm.s32 $0x10;
	[tilespmem:s7+$0x0] =	vst v13  }
0x177: {  	s8 =	simm.s32 $0xC3510;
	s10 =	simm.s32 $0xC3520;
	v13 =	vld [tilespmem:s9+$0x0]  }
.LBB2_20:
0x178: {  	p0 =	sne.s32 s10, $0xC5430;
	_ =	sdelay $0x3  }
.Ltmp9:
0x179: {  	v13 =	vsub.s32 v13, v6;
	(pc) =	sbr.rel @p0 .LBB2_20-.Ltmp9, $4  }
0x17a: {  	v14 =	vor.u32 s8, v12;
	s8 =	smov.u32 s10;
	vm0 =	vlt.u32 v13, $0xC3500  }
0x17b: {  	s7 =	sadd.s32 $0x10, s7;
	v13 =	vsel vm0, v13, v14  }
0x17c: {  	s9 =	sadd.s32 $0x10, s9;
	[tilespmem:s7+$0x0] =	vst v13  }
0x17d: {  	s10 =	sadd.s32 $0x10, s10;
	v13 =	vld [tilespmem:s9+$0x0]  }
0x17e: {  	_ =	sdelay $0x3  }
0x17f: {  	v13 =	vsub.s32 v13, v6  }
0x180: {  	v14 =	vor.u32 s8, v12;
	vm0 =	vlt.u32 v13, $0xC3500  }
0x181: {  	s7 =	sadd.s32 $0x10, s7;
	v13 =	vsel vm0, v13, v14  }
0x182: {  	[tilespmem:s7+$0x0] =	vst v13  }
0x183: {  	_ =	swait.ge [sflag:s0], $0x61A8  }
0x184: {  	[sflag:s0] =	ssyncset.done $0x0  }
0x185: {  	[sflag:s0] =	ssyncadd.s32 $0xFFFF9E58  }
0x186: {  	_ =	swait.ge [sflag:s0], $0x61A8  }
0x187: {  	[sflag:s0] =	ssyncset.done $0x0  }
0x188: {  	[sflag:s0] =	ssyncadd.s32 $0xFFFF9E58  }
0x189: {  	s7 =	simm.s32 $0x1F80;
	[bflag:$0x0] =	sbarrier.arrive $0xFFFF  }
0x18a: {  	[spmem:s23] =	stream.indirect.scatter.add.f32 [tilespmem:s3], [sflag:$0x1], $0x1, s7, s2, $0xb8;
	[tilespmem:$0x1E7C8] =	vst v63  }
0x18b: {  	_ =	swait.ge [sflag:s4], $0x1F40  }
0x18c: {  	[sflag:s4] =	ssyncset.done $0x0  }
0x18d: {  	[sflag:s4] =	ssyncadd.s32 $0xFFFFE0C0  }
0x18e: {  	[bflag:$0x0] =	sbarrier.arrive $0xFFFF  }
0x18f: {  	[tilespmem:s5], [sflag:$0x3] =	stream.linear.gather [spmem:s26], $0x61A8, $0x38;
	[tilespmem:$0x1E7C8] =	vst v63  }
0x190: {  	_ =	swait.ge [sflag:s30], $0x61A8  }
0x191: {  	[sflag:s30] =	ssyncset.done $0x0  }
0x192: {  	s9 =	simm.s32 $0x0;
	[sflag:s30] =	ssyncadd.s32 $0xFFFF9E58  }
0x193: {  	[hbm4b:s16+s9] =	stream.linear.scatter [tilespmem:s5], [sflag:$0x3], $0x61A8, $0x38;
	[tilespmem:$0x1E7C8] =	vst v63  }
0x194: {  	_ =	swait.ge [sflag:s30], $0x61A8  }
0x195: {  	[sflag:s30] =	ssyncset.done $0x0  }
0x196: {  	[sflag:s30] =	ssyncadd.s32 $0xFFFF9E58  }
0x197: {  	[tilespmem:s5], [sflag:$0x3] =	stream.linear.gather [spmem:s28], $0x61A8, $0x38;
	[tilespmem:$0x1E7C8] =	vst v63  }
0x198: {  	_ =	swait.ge [sflag:s30], $0x61A8  }
0x199: {  	[sflag:s30] =	ssyncset.done $0x0  }
0x19a: {  	[sflag:s30] =	ssyncadd.s32 $0xFFFF9E58  }
0x19b: {  	[hbm4b:s17+s9] =	stream.linear.scatter [tilespmem:s5], [sflag:$0x3], $0x61A8, $0x38;
	[tilespmem:$0x1E7C8] =	vst v63  }
0x19c: {  	_ =	swait.ge [sflag:s30], $0x61A8  }
0x19d: {  	[sflag:s30] =	ssyncset.done $0x0  }
0x19e: {  	[sflag:s30] =	ssyncadd.s32 $0xFFFF9E58  }
0x19f: {  	[bflag:$0x0] =	sbarrier.arrive $0xFFFF  }
0x1a0: {  	[spmem:s26] =	stream.linear.scatter [tilespmem:s22], [sflag:$0x2], $0x61A8, $0x38;
	[tilespmem:$0x1E7C8] =	vst v63  }
0x1a1: {  	_ = 	snop  }
0x1a2: {  	[spmem:s28] =	stream.linear.scatter [tilespmem:s22], [sflag:$0x2], $0x61A8, $0x38;
	[tilespmem:$0x1E7C8] =	vst v63  }
0x1a3: {  	v13 =	vld [tilespmem:s9+$0x0];
	_ =	sdelay $0x4  }
0x1a4: {  	s10 =	simm.s32 $0xC3500;
	v13 =	vsub.s32 v13, v7  }
0x1a5: {  	v14 =	vor.u32 s10, v12;
	vm15 =	vlt.u32 v13, $0xC3500  }
0x1a6: {  	v13 =	vsel vm15, v13, v14  }
0x1a7: {  	s9 =	simm.s32 $0x10;
	[tilespmem:s7+$0x0] =	vst v13  }
0x1a8: {  	s8 =	simm.s32 $0xC3510;
	s10 =	simm.s32 $0xC3520;
	v13 =	vld [tilespmem:s9+$0x0]  }
.LBB2_22:
0x1a9: {  	p0 =	sne.s32 s10, $0xC5430;
	_ =	sdelay $0x3  }
.Ltmp10:
0x1aa: {  	v13 =	vsub.s32 v13, v7;
	(pc) =	sbr.rel @p0 .LBB2_22-.Ltmp10, $4  }
0x1ab: {  	v14 =	vor.u32 s8, v12;
	s8 =	smov.u32 s10;
	vm0 =	vlt.u32 v13, $0xC3500  }
0x1ac: {  	s7 =	sadd.s32 $0x10, s7;
	v13 =	vsel vm0, v13, v14  }
0x1ad: {  	s9 =	sadd.s32 $0x10, s9;
	[tilespmem:s7+$0x0] =	vst v13  }
0x1ae: {  	s10 =	sadd.s32 $0x10, s10;
	v13 =	vld [tilespmem:s9+$0x0]  }
0x1af: {  	_ =	sdelay $0x3  }
0x1b0: {  	v13 =	vsub.s32 v13, v7  }
0x1b1: {  	v14 =	vor.u32 s8, v12;
	vm0 =	vlt.u32 v13, $0xC3500  }
0x1b2: {  	s7 =	sadd.s32 $0x10, s7;
	v13 =	vsel vm0, v13, v14  }
0x1b3: {  	[tilespmem:s7+$0x0] =	vst v13  }
0x1b4: {  	_ =	swait.ge [sflag:s0], $0x61A8  }
0x1b5: {  	[sflag:s0] =	ssyncset.done $0x0  }
0x1b6: {  	[sflag:s0] =	ssyncadd.s32 $0xFFFF9E58  }
0x1b7: {  	_ =	swait.ge [sflag:s0], $0x61A8  }
0x1b8: {  	[sflag:s0] =	ssyncset.done $0x0  }
0x1b9: {  	[sflag:s0] =	ssyncadd.s32 $0xFFFF9E58  }
0x1ba: {  	s7 =	simm.s32 $0x1F80;
	[bflag:$0x0] =	sbarrier.arrive $0xFFFF  }
0x1bb: {  	[spmem:s23] =	stream.indirect.scatter.add.f32 [tilespmem:s3], [sflag:$0x1], $0x1, s7, s2, $0xb8;
	[tilespmem:$0x1E7C8] =	vst v63  }
0x1bc: {  	_ =	swait.ge [sflag:s4], $0x1F40  }
0x1bd: {  	[sflag:s4] =	ssyncset.done $0x0  }
0x1be: {  	[sflag:s4] =	ssyncadd.s32 $0xFFFFE0C0  }
0x1bf: {  	[bflag:$0x0] =	sbarrier.arrive $0xFFFF  }
0x1c0: {  	[tilespmem:s5], [sflag:$0x3] =	stream.linear.gather [spmem:s26], $0x61A8, $0x38;
	[tilespmem:$0x1E7C8] =	vst v63  }
0x1c1: {  	_ =	swait.ge [sflag:s30], $0x61A8  }
0x1c2: {  	[sflag:s30] =	ssyncset.done $0x0  }
0x1c3: {  	s9 =	simm.s32 $0x0;
	[sflag:s30] =	ssyncadd.s32 $0xFFFF9E58  }
0x1c4: {  	[hbm4b:s18+s9] =	stream.linear.scatter [tilespmem:s5], [sflag:$0x3], $0x61A8, $0x38;
	[tilespmem:$0x1E7C8] =	vst v63  }
0x1c5: {  	_ =	swait.ge [sflag:s30], $0x61A8  }
0x1c6: {  	[sflag:s30] =	ssyncset.done $0x0  }
0x1c7: {  	[sflag:s30] =	ssyncadd.s32 $0xFFFF9E58  }
0x1c8: {  	[tilespmem:s5], [sflag:$0x3] =	stream.linear.gather [spmem:s28], $0x61A8, $0x38;
	[tilespmem:$0x1E7C8] =	vst v63  }
0x1c9: {  	_ =	swait.ge [sflag:s30], $0x61A8  }
0x1ca: {  	[sflag:s30] =	ssyncset.done $0x0  }
0x1cb: {  	[sflag:s30] =	ssyncadd.s32 $0xFFFF9E58  }
0x1cc: {  	[hbm4b:s19+s9] =	stream.linear.scatter [tilespmem:s5], [sflag:$0x3], $0x61A8, $0x38;
	[tilespmem:$0x1E7C8] =	vst v63  }
0x1cd: {  	_ =	swait.ge [sflag:s30], $0x61A8  }
0x1ce: {  	[sflag:s30] =	ssyncset.done $0x0  }
0x1cf: {  	[sflag:s30] =	ssyncadd.s32 $0xFFFF9E58  }
0x1d0: {  	[bflag:$0x0] =	sbarrier.arrive $0xFFFF  }
0x1d1: {  	[spmem:s26] =	stream.linear.scatter [tilespmem:s22], [sflag:$0x2], $0x61A8, $0x38;
	[tilespmem:$0x1E7C8] =	vst v63  }
0x1d2: {  	_ = 	snop  }
0x1d3: {  	[spmem:s28] =	stream.linear.scatter [tilespmem:s22], [sflag:$0x2], $0x61A8, $0x38;
	[tilespmem:$0x1E7C8] =	vst v63  }
0x1d4: {  	v13 =	vld [tilespmem:s9+$0x0];
	_ =	sdelay $0x4  }
0x1d5: {  	s10 =	simm.s32 $0xC3500;
	v13 =	vsub.s32 v13, v8  }
0x1d6: {  	v14 =	vor.u32 s10, v12;
	vm15 =	vlt.u32 v13, $0xC3500  }
0x1d7: {  	v13 =	vsel vm15, v13, v14  }
0x1d8: {  	s9 =	simm.s32 $0x10;
	[tilespmem:s7+$0x0] =	vst v13  }
0x1d9: {  	s8 =	simm.s32 $0xC3510;
	s10 =	simm.s32 $0xC3520;
	v13 =	vld [tilespmem:s9+$0x0]  }
.LBB2_24:
0x1da: {  	p0 =	sne.s32 s10, $0xC5430;
	_ =	sdelay $0x3  }
.Ltmp11:
0x1db: {  	v13 =	vsub.s32 v13, v8;
	(pc) =	sbr.rel @p0 .LBB2_24-.Ltmp11, $4  }
0x1dc: {  	v14 =	vor.u32 s8, v12;
	s8 =	smov.u32 s10;
	vm0 =	vlt.u32 v13, $0xC3500  }
0x1dd: {  	s7 =	sadd.s32 $0x10, s7;
	v13 =	vsel vm0, v13, v14  }
0x1de: {  	s9 =	sadd.s32 $0x10, s9;
	[tilespmem:s7+$0x0] =	vst v13  }
0x1df: {  	s10 =	sadd.s32 $0x10, s10;
	v13 =	vld [tilespmem:s9+$0x0]  }
0x1e0: {  	_ =	sdelay $0x3  }
0x1e1: {  	v13 =	vsub.s32 v13, v8  }
0x1e2: {  	v14 =	vor.u32 s8, v12;
	vm0 =	vlt.u32 v13, $0xC3500  }
0x1e3: {  	s7 =	sadd.s32 $0x10, s7;
	v13 =	vsel vm0, v13, v14  }
0x1e4: {  	[tilespmem:s7+$0x0] =	vst v13  }
0x1e5: {  	_ =	swait.ge [sflag:s0], $0x61A8  }
0x1e6: {  	[sflag:s0] =	ssyncset.done $0x0  }
0x1e7: {  	[sflag:s0] =	ssyncadd.s32 $0xFFFF9E58  }
0x1e8: {  	_ =	swait.ge [sflag:s0], $0x61A8  }
0x1e9: {  	[sflag:s0] =	ssyncset.done $0x0  }
0x1ea: {  	[sflag:s0] =	ssyncadd.s32 $0xFFFF9E58  }
0x1eb: {  	s7 =	simm.s32 $0x1F80;
	[bflag:$0x0] =	sbarrier.arrive $0xFFFF  }
0x1ec: {  	[spmem:s23] =	stream.indirect.scatter.add.f32 [tilespmem:s3], [sflag:$0x1], $0x1, s7, s2, $0xb8;
	[tilespmem:$0x1E7C8] =	vst v63  }
0x1ed: {  	_ =	swait.ge [sflag:s4], $0x1F40  }
0x1ee: {  	[sflag:s4] =	ssyncset.done $0x0  }
0x1ef: {  	[sflag:s4] =	ssyncadd.s32 $0xFFFFE0C0  }
0x1f0: {  	[bflag:$0x0] =	sbarrier.arrive $0xFFFF  }
0x1f1: {  	[tilespmem:s5], [sflag:$0x3] =	stream.linear.gather [spmem:s26], $0x61A8, $0x38;
	[tilespmem:$0x1E7C8] =	vst v63  }
0x1f2: {  	_ =	swait.ge [sflag:s30], $0x61A8  }
0x1f3: {  	[sflag:s30] =	ssyncset.done $0x0  }
0x1f4: {  	s9 =	simm.s32 $0x0;
	[sflag:s30] =	ssyncadd.s32 $0xFFFF9E58  }
0x1f5: {  	[hbm4b:s20+s9] =	stream.linear.scatter [tilespmem:s5], [sflag:$0x3], $0x61A8, $0x38;
	[tilespmem:$0x1E7C8] =	vst v63  }
0x1f6: {  	_ =	swait.ge [sflag:s30], $0x61A8  }
0x1f7: {  	[sflag:s30] =	ssyncset.done $0x0  }
0x1f8: {  	[sflag:s30] =	ssyncadd.s32 $0xFFFF9E58  }
0x1f9: {  	[tilespmem:s5], [sflag:$0x3] =	stream.linear.gather [spmem:s28], $0x61A8, $0x38;
	[tilespmem:$0x1E7C8] =	vst v63  }
0x1fa: {  	_ =	swait.ge [sflag:s30], $0x61A8  }
0x1fb: {  	[sflag:s30] =	ssyncset.done $0x0  }
0x1fc: {  	[sflag:s30] =	ssyncadd.s32 $0xFFFF9E58  }
0x1fd: {  	[hbm4b:s21+s9] =	stream.linear.scatter [tilespmem:s5], [sflag:$0x3], $0x61A8, $0x38;
	[tilespmem:$0x1E7C8] =	vst v63  }
0x1fe: {  	_ =	swait.ge [sflag:s30], $0x61A8  }
0x1ff: {  	[sflag:s30] =	ssyncset.done $0x0  }
0x200: {  	[sflag:s30] =	ssyncadd.s32 $0xFFFF9E58  }
0x201: {  	[bflag:$0x0] =	sbarrier.arrive $0xFFFF  }
0x202: {  	[spmem:s26] =	stream.linear.scatter [tilespmem:s22], [sflag:$0x2], $0x61A8, $0x38;
	[tilespmem:$0x1E7C8] =	vst v63  }
0x203: {  	_ = 	snop  }
0x204: {  	[spmem:s28] =	stream.linear.scatter [tilespmem:s22], [sflag:$0x2], $0x61A8, $0x38;
	[tilespmem:$0x1E7C8] =	vst v63  }
0x205: {  	v13 =	vld [tilespmem:s9+$0x0];
	_ =	sdelay $0x4  }
0x206: {  	s10 =	simm.s32 $0xC3500;
	v13 =	vsub.s32 v13, v9  }
0x207: {  	v14 =	vor.u32 s10, v12;
	vm15 =	vlt.u32 v13, $0xC3500  }
0x208: {  	v13 =	vsel vm15, v13, v14  }
0x209: {  	s9 =	simm.s32 $0x10;
	[tilespmem:s7+$0x0] =	vst v13  }
0x20a: {  	s8 =	simm.s32 $0xC3510;
	s10 =	simm.s32 $0xC3520;
	v13 =	vld [tilespmem:s9+$0x0]  }
.LBB2_26:
0x20b: {  	p0 =	sne.s32 s10, $0xC5430;
	_ =	sdelay $0x3  }
.Ltmp12:
0x20c: {  	v13 =	vsub.s32 v13, v9;
	(pc) =	sbr.rel @p0 .LBB2_26-.Ltmp12, $4  }
0x20d: {  	v14 =	vor.u32 s8, v12;
	s8 =	smov.u32 s10;
	vm0 =	vlt.u32 v13, $0xC3500  }
0x20e: {  	s7 =	sadd.s32 $0x10, s7;
	v13 =	vsel vm0, v13, v14  }
0x20f: {  	s9 =	sadd.s32 $0x10, s9;
	[tilespmem:s7+$0x0] =	vst v13  }
0x210: {  	s10 =	sadd.s32 $0x10, s10;
	v13 =	vld [tilespmem:s9+$0x0]  }
0x211: {  	_ =	sdelay $0x3  }
0x212: {  	v13 =	vsub.s32 v13, v9  }
0x213: {  	v14 =	vor.u32 s8, v12;
	vm0 =	vlt.u32 v13, $0xC3500  }
0x214: {  	s7 =	sadd.s32 $0x10, s7;
	v13 =	vsel vm0, v13, v14  }
0x215: {  	[tilespmem:s7+$0x0] =	vst v13  }
0x216: {  	_ =	swait.ge [sflag:s0], $0x61A8  }
0x217: {  	[sflag:s0] =	ssyncset.done $0x0  }
0x218: {  	[sflag:s0] =	ssyncadd.s32 $0xFFFF9E58  }
0x219: {  	_ =	swait.ge [sflag:s0], $0x61A8  }
0x21a: {  	[sflag:s0] =	ssyncset.done $0x0  }
0x21b: {  	[sflag:s0] =	ssyncadd.s32 $0xFFFF9E58  }
0x21c: {  	[bflag:$0x0] =	sbarrier.arrive $0xFFFF  }
0x21d: {  	[spmem:s23] =	stream.indirect.scatter.add.f32 [tilespmem:s3], [sflag:$0x1], $0x1, s31, s2, $0xb8;
	[tilespmem:$0x1E7C8] =	vst v63  }
0x21e: {  	_ =	swait.ge [sflag:s4], $0x1F40  }
0x21f: {  	[sflag:s4] =	ssyncset.done $0x0  }
0x220: {  	[sflag:s4] =	ssyncadd.s32 $0xFFFFE0C0  }
0x221: {  	[bflag:$0x0] =	sbarrier.arrive $0xFFFF  }
0x222: {  	[tilespmem:s5], [sflag:$0x3] =	stream.linear.gather [spmem:s26], $0x61A8, $0x38;
	[tilespmem:$0x1E7C8] =	vst v63  }
0x223: {  	_ =	swait.ge [sflag:s30], $0x61A8  }
0x224: {  	[sflag:s30] =	ssyncset.done $0x0  }
0x225: {  	[sflag:s30] =	ssyncadd.s32 $0xFFFF9E58  }
0x226: {  	[hbm4b:s24+s1] =	stream.linear.scatter [tilespmem:s5], [sflag:$0x3], $0x61A8, $0x38;
	[tilespmem:$0x1E7C8] =	vst v63  }
0x227: {  	_ =	swait.ge [sflag:s30], $0x61A8  }
0x228: {  	[sflag:s30] =	ssyncset.done $0x0  }
0x229: {  	[sflag:s30] =	ssyncadd.s32 $0xFFFF9E58  }
0x22a: {  	[tilespmem:s5], [sflag:$0x3] =	stream.linear.gather [spmem:s28], $0x61A8, $0x38;
	[tilespmem:$0x1E7C8] =	vst v63  }
0x22b: {  	_ =	swait.ge [sflag:s30], $0x61A8  }
0x22c: {  	s6 =	sadd.s32 $0x1, s6;
	[sflag:s30] =	ssyncset.done $0x0  }
0x22d: {  	p0 =	sne.s32 s6, s29;
	[sflag:s30] =	ssyncadd.s32 $0xFFFF9E58  }
0x22e: {  	[hbm4b:s25+s1] =	stream.linear.scatter [tilespmem:s5], [sflag:$0x3], $0x61A8, $0x38;
	[tilespmem:$0x1E7C8] =	vst v63  }
.Ltmp13:
0x22f: {  	_ =	swait.ge [sflag:s30], $0x61A8;
	(pc) =	sbr.rel @p0 .LBB2_1-.Ltmp13, $3  }
0x230: {  	[sflag:s30] =	ssyncset.done $0x0  }
0x231: {  	[sflag:s30] =	ssyncadd.s32 $0xFFFF9E58  }
0x232: {  	[bflag:$0x0] =	sbarrier.arrive $0xFFFF;
	_ =	sdelay $0x1  }
0x233: {  	_ =	sfence.sel $0x180000  }
0x234: {  	[bflag:$0x0] =	sbarrier.arrive $0xFFFF  }
0x235: {  	_ =	strace $0x90000047  }
0x236: {  	s0 =	stileid.u32;
	[bflag:$0x2] =	sbarrier.arrive $0xFFFF  }
0x237: {  	p0 =	sne.s32 s0, $0x0;
	s0 =	rddreg [dreg:$0x4]  }
0x238: {  	s0 =	sadd.s32 @!p0 $0x100000, s0  }
0x239: {  	[sflag:s0] =	ssyncadd.tile.s32 @!p0 $0x1;
	_ =	shalt  }
.Lfunc_end2:
_tile_overlayer_lowered:
.L_overlay_start_2:
0x23a: {  	(tag) =	ssettag $0x2  }
0x23b: {  	s0 =	rddreg [dreg:$0x0];
	s2 =	stileid.u32  }
0x23c: {  	s1 =	rddreg [dreg:$0x1];
	p0 =	sne.s32 s2, $0x0  }
0x23d: {  	s3 =	rddreg [dreg:$0x2];
	[bflag:$0x3] =	sbarrier.arrive $0xFFFF;
	s2 =	simm.s32 @!p0 $0x1C03  }
0x23e: {  	[timem:s3], [sflag:s2] =	dma.local @!p0 [hbm:s0], s1  }
0x23f: {  	s0 =	simm.s32 @!p0 $0x3  }
0x240: {  	_ =	swait.ge @!p0 [sflag:s0], s1  }
0x241: {  	s1 =	ssub.s32 @!p0 $0x0, s1;
	[sflag:s0] =	ssyncset.done @!p0 $0x0  }
0x242: {  	[sflag:s0] =	ssyncadd.s32 @!p0 s1  }
0x243: {  	[bflag:$0x3] =	sbarrier.arrive $0xFFFF  }
0x244: {  	_ =	shalt  }

</sc_bundles>
